<compile_context>
chip_gen: v7x
topology: tpu7x:2x2x1
jax: 0.10.2.dev20260603
libtpu: 0.0.44.dev20260713+nightly
codegen_flags: <defaults>
</compile_context>

<pallas_src>
import functools

import jax
import jax.numpy as jnp
from jax import lax
from jax.experimental import pallas as pl
from jax.experimental.pallas import tpu as pltpu
from jax.experimental.pallas import tpu_sc as plsc

N = 10000
E = 320000
D_IN = 128
HID = 16
NCLS = 40

NC = 2
NS = 16
NW = NC * NS
CHUNK = 80
K = E // (NW * CHUNK)
NPAD = 10240
RPT = NPAD // NS
DEG_F = 8

FPAD = 128
W_DEG = 16



@functools.cache
def _make_deg():
    mesh = plsc.VectorSubcoreMesh(core_axis_name="c", subcore_axis_name="s")

    @functools.partial(
        pl.kernel,
        out_type=jax.ShapeDtypeStruct((NC, NPAD, FPAD), jnp.float32),
        mesh=mesh,
        scratch_types=[
            pltpu.VMEM((K, CHUNK), jnp.int32),
            pltpu.VMEM((CHUNK, DEG_F), jnp.float32),
            pltpu.VMEM_SHARED((NPAD, DEG_F), jnp.float32),
            pltpu.SemaphoreType.DMA,
        ],
        compiler_params=pltpu.CompilerParams(use_tc_tiling_on_sc=False),
    )
    def deg_kernel(dst_hbm, ones_hbm, zeros_hbm, out_hbm, dst_v, ones_v,
                   acc_sh, ssem):
        c = lax.axis_index("c")
        s = lax.axis_index("s")
        wid = s * NC + c
        pltpu.sync_copy(zeros_hbm.at[pl.ds(s * RPT, RPT)],
                        acc_sh.at[pl.ds(s * RPT, RPT)])
        pltpu.sync_copy(ones_hbm, ones_v)
        pltpu.sync_copy(dst_hbm.at[wid], dst_v)
        plsc.subcore_barrier()

        def body(j, carry):
            pltpu.async_copy(ones_v, acc_sh.at[dst_v.at[j]], ssem, add=True)

            @pl.when(j >= W_DEG)
            def _():
                pltpu.make_async_copy(
                    ones_v, acc_sh.at[dst_v.at[j - W_DEG]], ssem).wait()

            return carry

        lax.fori_loop(0, K, body, 0)
        for i in range(K - W_DEG, K):
            pltpu.make_async_copy(ones_v, acc_sh.at[dst_v.at[i]], ssem).wait()
        plsc.subcore_barrier()
        pltpu.sync_copy(acc_sh.at[pl.ds(s * RPT, RPT)],
                        out_hbm.at[c, pl.ds(s * RPT, RPT), pl.ds(0, DEG_F)])

    return deg_kernel


@functools.cache
def _make_agg(F, NB, DP, spmem_tab):
    mesh = plsc.VectorSubcoreMesh(core_axis_name="c", subcore_axis_name="s")

    scratch = [
        pltpu.VMEM((K, CHUNK), jnp.int32),
        pltpu.VMEM((K, CHUNK), jnp.int32),
        pltpu.VMEM((NB, CHUNK, F), jnp.float32),
        pltpu.VMEM_SHARED((NPAD, F), jnp.float32),
        pltpu.SemaphoreType.DMA,
        pltpu.SemaphoreType.DMA,
    ]
    if spmem_tab:
        scratch += [pltpu.VMEM((RPT, F), jnp.float32),
                    pltpu.VMEM_SHARED((NPAD, F), jnp.float32)]

    @functools.partial(
        pl.kernel,
        out_type=jax.ShapeDtypeStruct((NC, NPAD, FPAD), jnp.float32),
        mesh=mesh,
        scratch_types=scratch,
        compiler_params=pltpu.CompilerParams(use_tc_tiling_on_sc=False),
    )
    def agg_kernel(t_hbm, src_hbm, dst_hbm, zeros_hbm, out_hbm,
                   src_v, dst_v, rows_v, acc_sh, gsem, ssem,
                   t_v=None, tab_sh=None):
        c = lax.axis_index("c")
        s = lax.axis_index("s")
        wid = s * NC + c
        r0 = s * RPT
        pltpu.sync_copy(zeros_hbm.at[pl.ds(r0, RPT)],
                        acc_sh.at[pl.ds(r0, RPT)])
        pltpu.sync_copy(src_hbm.at[wid], src_v)
        pltpu.sync_copy(dst_hbm.at[wid], dst_v)
        if spmem_tab:
            pltpu.sync_copy(t_hbm.at[pl.ds(r0, RPT), pl.ds(0, F)], t_v)
            pltpu.sync_copy(t_v, tab_sh.at[pl.ds(r0, RPT)])
            tab = tab_sh
        else:
            tab = t_hbm
        plsc.subcore_barrier()

        for p in range(DP):
            pltpu.async_copy(tab.at[src_v.at[p]], rows_v.at[p], gsem)

        def body(j, carry):
            @pl.when(jnp.logical_and(j + DP >= NB, j + DP < K))
            def _():
                pltpu.make_async_copy(
                    rows_v.at[(j + DP) % NB],
                    acc_sh.at[dst_v.at[j + DP - NB]], ssem).wait()

            @pl.when(j + DP < K)
            def _():
                pltpu.async_copy(tab.at[src_v.at[j + DP]],
                                 rows_v.at[(j + DP) % NB], gsem)

            pltpu.make_async_copy(tab.at[src_v.at[j]],
                                  rows_v.at[j % NB], gsem).wait()
            pltpu.async_copy(rows_v.at[j % NB], acc_sh.at[dst_v.at[j]],
                             ssem, add=True)
            return carry

        lax.fori_loop(0, K, body, 0)
        for i in range(K - NB, K):
            pltpu.make_async_copy(rows_v.at[i % NB],
                                  acc_sh.at[dst_v.at[i]], ssem).wait()
        plsc.subcore_barrier()
        pltpu.sync_copy(acc_sh.at[pl.ds(r0, RPT)],
                        out_hbm.at[c, pl.ds(r0, RPT), pl.ds(0, F)])

    return agg_kernel



BLK = 10000
DIS_LANE = HID


def _tc_h1_body(x_ref, w1_ref, h1_ref):
    h1_ref[...] = jnp.dot(x_ref[...], w1_ref[...],
                          preferred_element_type=jnp.float32)


def _tc_1_body(h1_ref, d0_ref, d1_ref, p1_ref):
    deg = d0_ref[0, :, 0:1] + d1_ref[0, :, 0:1] + 1.0
    dis = lax.rsqrt(deg)
    p1_ref[:, :HID] = h1_ref[...] * dis
    p1_ref[:, DIS_LANE:DIS_LANE + 1] = dis


def _tc_2_body(a0_ref, a1_ref, p1_ref, b1_ref, w2_ref, t2c_ref):
    dis = p1_ref[:, DIS_LANE:DIS_LANE + 1]
    t1 = p1_ref[:, :HID]
    h = jnp.maximum((a0_ref[0, :, :HID] + a1_ref[0, :, :HID] + t1) * dis
                    + b1_ref[...], 0.0)
    t2c_ref[...] = jnp.dot(h, w2_ref[...],
                           preferred_element_type=jnp.float32) * dis


def _tc_3_body(b0_ref, b1_ref, p1_ref, t2c_ref, bias_ref, out_ref):
    dis = p1_ref[:, DIS_LANE:DIS_LANE + 1]
    z = ((b0_ref[0, :, :NCLS] + b1_ref[0, :, :NCLS] + t2c_ref[...]) * dis
         + bias_ref[...])
    m = jnp.max(z, axis=1, keepdims=True)
    lse = jnp.log(jnp.sum(jnp.exp(z - m), axis=1, keepdims=True)) + m
    out_ref[...] = z - lse


def _row_spec(f):
    return pl.BlockSpec((BLK, f), lambda i: (i, 0))


def _part_spec(cc, f):
    return pl.BlockSpec((1, BLK, f), lambda i, c=cc: (c, i, 0))


def _full_spec(r, cdim):
    return pl.BlockSpec((r, cdim), lambda i: (0, 0))


_tc_h1 = pl.pallas_call(
    _tc_h1_body,
    grid=(N // BLK,),
    in_specs=[_row_spec(D_IN), _full_spec(D_IN, HID)],
    out_specs=_row_spec(HID),
    out_shape=jax.ShapeDtypeStruct((N, HID), jnp.float32),
)

_tc_1 = pl.pallas_call(
    _tc_1_body,
    grid=(N // BLK,),
    in_specs=[_row_spec(HID), _part_spec(0, FPAD), _part_spec(1, FPAD)],
    out_specs=_row_spec(FPAD),
    out_shape=jax.ShapeDtypeStruct((NPAD, FPAD), jnp.float32),
)

_tc_2 = pl.pallas_call(
    _tc_2_body,
    grid=(N // BLK,),
    in_specs=[_part_spec(0, FPAD), _part_spec(1, FPAD), _row_spec(FPAD),
              _full_spec(1, HID), _full_spec(HID, NCLS)],
    out_specs=_row_spec(NCLS),
    out_shape=jax.ShapeDtypeStruct((N, NCLS), jnp.float32),
)

_tc_3 = pl.pallas_call(
    _tc_3_body,
    grid=(N // BLK,),
    in_specs=[_part_spec(0, FPAD), _part_spec(1, FPAD), _row_spec(FPAD),
              _row_spec(NCLS), _full_spec(1, NCLS)],
    out_specs=_row_spec(NCLS),
    out_shape=jax.ShapeDtypeStruct((N, NCLS), jnp.float32),
)



def kernel(x, edge_index, W1, b1, W2, b2):
    f32 = jnp.float32
    src = edge_index[0].reshape(NW, K, CHUNK)
    dst = edge_index[1].reshape(NW, K, CHUNK)

    ones_blk = jnp.ones((CHUNK, DEG_F), f32)
    zeros_deg = jnp.zeros((NPAD, DEG_F), f32)
    zeros16 = jnp.zeros((NPAD, HID), f32)
    zeros40 = jnp.zeros((NPAD, NCLS), f32)

    deg_parts = _make_deg()(dst, ones_blk, zeros_deg)
    h1 = _tc_h1(x, W1)
    p1 = _tc_1(h1, deg_parts, deg_parts)

    agg1 = _make_agg(HID, 28, 14, True)(p1, src, dst, zeros16)
    t2c = _tc_2(agg1, agg1, p1, b1.reshape(1, HID), W2)

    agg2 = _make_agg(NCLS, 22, 11, False)(t2c, src, dst, zeros40)
    return _tc_3(agg2, agg2, p1, t2c, b2.reshape(1, NCLS))

# --- scband reference (transcript-rebuilt; emitter-appended) ---
"""Pipeline reference for scband-gcn-two-89704686944356 (READ-ONLY COPY).

The authoritative reference and input builder live on the scoring server;
editing this copy changes nothing except your own understanding.
"""

import jax, jax.numpy as jnp
import numpy as np

N = 10000
E = 320000
D_IN = 128
HID = 16
N_CLASSES = 40


def setup_inputs(seed: int = 0) -> dict:
    key = jax.random.key(seed)
    k1, k2, k3, k4, k5, k6 = jax.random.split(key, 6)
    x = jax.random.normal(k1, (N, D_IN), dtype=jnp.float32)
    edge_index = jax.random.randint(k2, (2, E), 0, N, dtype=jnp.int32)
    W1 = jax.random.normal(k3, (D_IN, HID), dtype=jnp.float32) * (1.0 / np.sqrt(D_IN))
    b1 = jnp.zeros((HID,), dtype=jnp.float32)
    W2 = jax.random.normal(k4, (HID, N_CLASSES), dtype=jnp.float32) * (1.0 / np.sqrt(HID))
    b2 = jnp.zeros((N_CLASSES,), dtype=jnp.float32)
    return {"x": x, "edge_index": edge_index, "W1": W1, "b1": b1, "W2": W2, "b2": b2}


def _gcn_conv(x, edge_index, W, b):
    # PyG GCNConv semantics: linear transform, add self-loops, symmetric deg^-1/2 norm,
    # scatter-add aggregation, then bias.
    num_nodes = x.shape[0]
    h = x @ W
    src = edge_index[0]
    dst = edge_index[1]
    loop = jnp.arange(num_nodes, dtype=src.dtype)
    src = jnp.concatenate([src, loop], axis=0)
    dst = jnp.concatenate([dst, loop], axis=0)
    ones = jnp.ones((src.shape[0],), dtype=h.dtype)
    deg = jnp.zeros((num_nodes,), dtype=h.dtype).at[dst].add(ones)
    deg_inv_sqrt = jnp.where(deg > 0, jax.lax.rsqrt(jnp.maximum(deg, 1e-12)), 0.0)
    norm = deg_inv_sqrt[src] * deg_inv_sqrt[dst]
    msg = h[src] * norm[:, None]
    out = jnp.zeros((num_nodes, h.shape[1]), dtype=h.dtype).at[dst].add(msg)
    return out + b


def reference(x, edge_index, W1, b1, W2, b2):
    h = jax.nn.relu(_gcn_conv(x, edge_index, W1, b1))
    # dropout with training=self.training -> identity in eval mode
    out = _gcn_conv(h, edge_index, W2, b2)
    return jax.nn.log_softmax(out, axis=1)

if __name__ == "__main__":
    import jax
    _d = setup_inputs()
    print(jax.jit(kernel)(*tuple(_d.values())))

</pallas_src>

<mosaic_0001>
#map = affine_map<(d0, d1) -> (0, 0, 0)>
#map1 = affine_map<(d0, d1) -> (0, 0)>
module attributes {stable_mosaic.version = 14 : i64} {
  func.func @deg_kernel(%arg0: i32, %arg1: i32, %arg2: memref<32x125x80xi32, #tpu.memory_space<hbm>>, %arg3: memref<80x8xf32, #tpu.memory_space<hbm>>, %arg4: memref<10240x8xf32, #tpu.memory_space<hbm>>, %arg5: memref<2x10240x128xf32, #tpu.memory_space<hbm>>, %arg6: memref<125x80xi32, #tpu.memory_space<vmem>>, %arg7: memref<80x8xf32, #tpu.memory_space<vmem>>, %arg8: memref<10240x8xf32, #tpu.memory_space<vmem_shared>>, %arg9: memref<!tpu.dma_semaphore, #tpu.memory_space<semaphore_mem>>) attributes {dimension_semantics = [#tpu.dimension_semantics<core_parallel>, #tpu.dimension_semantics<subcore_parallel>], iteration_bounds = array<i64: 2, 16>, scalar_prefetch = 0 : i64, scratch_operands = 4 : i64, tpu.core_type = #tpu.core_type<sc_vector_subcore>, window_params = [{transform_indices = #map}, {transform_indices = #map1}, {transform_indices = #map1}, {transform_indices = #map}]} {
    %mul3A = arith.constant 2 : i32
    %mul3A_0 = arith.muli %arg1, %mul3A : i32
    %add3A = arith.addi %mul3A_0, %arg0 : i32
    %mul3A_1 = arith.constant 640 : i32
    %mul3A_2 = arith.muli %arg1, %mul3A_1 : i32
    %mul3A_3 = arith.constant 640 : i32
    %mul3A_4 = arith.muli %arg1, %mul3A_3 : i32
    "tpu.region"() ({
      %run_scoped3A = tpu.sem_alloc : memref<!tpu.dma_semaphore, #tpu.memory_space<semaphore_mem>>
      %dma_start3A = arith.constant 0 : i32
      %dma_start3A_126 = tpu.memref_slice %arg8[%mul3A_4, %dma_start3A] : memref<10240x8xf32, #tpu.memory_space<vmem_shared>> -> memref<640x8xf32, #tpu.memory_space<vmem_shared>>
      %dma_start3A_127 = arith.constant 0 : i32
      %dma_start3A_128 = tpu.memref_slice %arg4[%mul3A_2, %dma_start3A_127] : memref<10240x8xf32, #tpu.memory_space<hbm>> -> memref<640x8xf32, #tpu.memory_space<hbm>>
      tpu.enqueue_dma source(%dma_start3A_128 : memref<640x8xf32, #tpu.memory_space<hbm>>) target(%dma_start3A_126 : memref<640x8xf32, #tpu.memory_space<vmem_shared>>) target_semaphore(%run_scoped3A : memref<!tpu.dma_semaphore, #tpu.memory_space<semaphore_mem>>)
      %dma_wait3A_129 = arith.constant 0 : i32
      %dma_wait3A_130 = tpu.memref_slice %arg8[%mul3A_4, %dma_wait3A_129] : memref<10240x8xf32, #tpu.memory_space<vmem_shared>> -> memref<640x8xf32, #tpu.memory_space<vmem_shared>>
      %dma_wait3A_131 = arith.constant 0 : i32
      %dma_wait3A_132 = tpu.memref_slice %arg4[%mul3A_2, %dma_wait3A_131] : memref<10240x8xf32, #tpu.memory_space<hbm>> -> memref<640x8xf32, #tpu.memory_space<hbm>>
      tpu.wait_dma2 semaphore(%run_scoped3A : memref<!tpu.dma_semaphore, #tpu.memory_space<semaphore_mem>>) src(%dma_wait3A_132 : memref<640x8xf32, #tpu.memory_space<hbm>>) dst(%dma_wait3A_130 : memref<640x8xf32, #tpu.memory_space<vmem_shared>>)
      tpu.yield
    }) : () -> ()
    "tpu.region"() ({
      %run_scoped3A = tpu.sem_alloc : memref<!tpu.dma_semaphore, #tpu.memory_space<semaphore_mem>>
      tpu.enqueue_dma source(%arg3 : memref<80x8xf32, #tpu.memory_space<hbm>>) target(%arg7 : memref<80x8xf32, #tpu.memory_space<vmem>>) target_semaphore(%run_scoped3A : memref<!tpu.dma_semaphore, #tpu.memory_space<semaphore_mem>>)
      tpu.wait_dma2 semaphore(%run_scoped3A : memref<!tpu.dma_semaphore, #tpu.memory_space<semaphore_mem>>) src(%arg3 : memref<80x8xf32, #tpu.memory_space<hbm>>) dst(%arg7 : memref<80x8xf32, #tpu.memory_space<vmem>>)
      tpu.yield
    }) : () -> ()
    "tpu.region"() ({
      %run_scoped3A = tpu.sem_alloc : memref<!tpu.dma_semaphore, #tpu.memory_space<semaphore_mem>>
      %dma_start3A = arith.constant 0 : i32
      %dma_start3A_126 = arith.constant 0 : i32
      %dma_start3A_127 = tpu.memref_slice %arg2[%add3A, %dma_start3A, %dma_start3A_126] : memref<32x125x80xi32, #tpu.memory_space<hbm>> -> memref<1x125x80xi32, #tpu.memory_space<hbm>>
      %dma_start3A_128 = tpu.memref_squeeze %dma_start3A_127 : memref<1x125x80xi32, #tpu.memory_space<hbm>> -> memref<125x80xi32, #tpu.memory_space<hbm>>
      %dma_start3A_129 = arith.constant 0 : i32
      %dma_start3A_130 = arith.constant 0 : i32
      %dma_start3A_131 = tpu.memref_slice %arg2[%add3A, %dma_start3A_129, %dma_start3A_130] : memref<32x125x80xi32, #tpu.memory_space<hbm>> -> memref<1x125x80xi32, #tpu.memory_space<hbm>>
      %dma_start3A_132 = tpu.memref_squeeze %dma_start3A_131 : memref<1x125x80xi32, #tpu.memory_space<hbm>> -> memref<125x80xi32, #tpu.memory_space<hbm>>
      tpu.enqueue_dma source(%dma_start3A_132 : memref<125x80xi32, #tpu.memory_space<hbm>>) target(%arg6 : memref<125x80xi32, #tpu.memory_space<vmem>>) target_semaphore(%run_scoped3A : memref<!tpu.dma_semaphore, #tpu.memory_space<semaphore_mem>>)
      %dma_wait3A_133 = arith.constant 0 : i32
      %dma_wait3A_134 = arith.constant 0 : i32
      %dma_wait3A_135 = tpu.memref_slice %arg2[%add3A, %dma_wait3A_133, %dma_wait3A_134] : memref<32x125x80xi32, #tpu.memory_space<hbm>> -> memref<1x125x80xi32, #tpu.memory_space<hbm>>
      %dma_wait3A_136 = tpu.memref_squeeze %dma_wait3A_135 : memref<1x125x80xi32, #tpu.memory_space<hbm>> -> memref<125x80xi32, #tpu.memory_space<hbm>>
      %dma_wait3A_137 = arith.constant 0 : i32
      %dma_wait3A_138 = arith.constant 0 : i32
      %dma_wait3A_139 = tpu.memref_slice %arg2[%add3A, %dma_wait3A_137, %dma_wait3A_138] : memref<32x125x80xi32, #tpu.memory_space<hbm>> -> memref<1x125x80xi32, #tpu.memory_space<hbm>>
      %dma_wait3A_140 = tpu.memref_squeeze %dma_wait3A_139 : memref<1x125x80xi32, #tpu.memory_space<hbm>> -> memref<125x80xi32, #tpu.memory_space<hbm>>
      tpu.wait_dma2 semaphore(%run_scoped3A : memref<!tpu.dma_semaphore, #tpu.memory_space<semaphore_mem>>) src(%dma_wait3A_140 : memref<125x80xi32, #tpu.memory_space<hbm>>) dst(%arg6 : memref<125x80xi32, #tpu.memory_space<vmem>>)
      tpu.yield
    }) : () -> ()
    %barrier3A = arith.constant 0 : index
    tpu.barrier barrier_id(%barrier3A)
    %scan3A = arith.constant 0 : i32
    %scan3A_5 = arith.constant 0 : i32
    %scan3A_6 = arith.constant 125 : i32
    %scan3A_7 = arith.addi %scan3A_5, %scan3A_6 : i32
    %scan3A_8 = arith.constant 1 : i32
    scf.for %scan3A_126 = %scan3A_5 to %scan3A_7 step %scan3A_8  : i32 {
      %dma_start3A = arith.constant 0 : i32
      %dma_start3A_127 = tpu.memref_slice %arg6[%scan3A_126, %dma_start3A] : memref<125x80xi32, #tpu.memory_space<vmem>> -> memref<1x80xi32, #tpu.memory_space<vmem>>
      %dma_start3A_128 = tpu.memref_squeeze %dma_start3A_127 : memref<1x80xi32, #tpu.memory_space<vmem>> -> memref<80xi32, #tpu.memory_space<vmem>>
      %dma_start3A_129 = arith.constant 0 : i32
      %dma_start3A_130 = arith.constant 0 : i32
      %dma_start3A_131 = tpu.memref_slice %arg8[%dma_start3A_129, %dma_start3A_130] : memref<10240x8xf32, #tpu.memory_space<vmem_shared>> -> memref<10240x8xf32, #tpu.memory_space<vmem_shared>>
      tpu.enqueue_indirect_dma source(%arg7 : memref<80x8xf32, #tpu.memory_space<vmem>>) target(%dma_start3A_131 : memref<10240x8xf32, #tpu.memory_space<vmem_shared>>) offsets(%dma_start3A_128 : memref<80xi32, #tpu.memory_space<vmem>>) semaphore(%arg9 : memref<!tpu.dma_semaphore, #tpu.memory_space<semaphore_mem>>) {add = true}
      %ge3A = arith.constant 16 : i32
      %ge3A_132 = arith.cmpi sge, %scan3A_126, %ge3A : i32
      %convert_element_type3A = arith.extui %ge3A_132 : i1 to i32
      %cond3A = arith.constant 0 : i32
      %cond3A_133 = arith.cmpi ne, %convert_element_type3A, %cond3A : i32
      scf.if %cond3A_133 {
        %sub3A = arith.constant 16 : i32
        %sub3A_134 = arith.subi %scan3A_126, %sub3A : i32
        %dma_wait3A_135 = arith.constant 0 : i32
        %dma_wait3A_136 = tpu.memref_slice %arg6[%sub3A_134, %dma_wait3A_135] : memref<125x80xi32, #tpu.memory_space<vmem>> -> memref<1x80xi32, #tpu.memory_space<vmem>>
        %dma_wait3A_137 = tpu.memref_squeeze %dma_wait3A_136 : memref<1x80xi32, #tpu.memory_space<vmem>> -> memref<80xi32, #tpu.memory_space<vmem>>
        %dma_wait3A_138 = arith.constant 0 : i32
        %dma_wait3A_139 = arith.constant 0 : i32
        %dma_wait3A_140 = tpu.memref_slice %arg8[%dma_wait3A_138, %dma_wait3A_139] : memref<10240x8xf32, #tpu.memory_space<vmem_shared>> -> memref<10240x8xf32, #tpu.memory_space<vmem_shared>>
        tpu.wait_indirect_dma semaphore(%arg9 : memref<!tpu.dma_semaphore, #tpu.memory_space<semaphore_mem>>) src(%arg7 : memref<80x8xf32, #tpu.memory_space<vmem>>) dst(%dma_wait3A_140 : memref<10240x8xf32, #tpu.memory_space<vmem_shared>>)
      } else {
      }
    }
    %scan3A_9 = arith.constant 125 : i32
    %dma_wait3A = arith.constant 109 : i32
    %dma_wait3A_10 = arith.constant 0 : i32
    %dma_wait3A_11 = tpu.memref_slice %arg6[%dma_wait3A, %dma_wait3A_10] : memref<125x80xi32, #tpu.memory_space<vmem>> -> memref<1x80xi32, #tpu.memory_space<vmem>>
    %dma_wait3A_12 = tpu.memref_squeeze %dma_wait3A_11 : memref<1x80xi32, #tpu.memory_space<vmem>> -> memref<80xi32, #tpu.memory_space<vmem>>
    %dma_wait3A_13 = arith.constant 0 : i32
    %dma_wait3A_14 = arith.constant 0 : i32
    %dma_wait3A_15 = tpu.memref_slice %arg8[%dma_wait3A_13, %dma_wait3A_14] : memref<10240x8xf32, #tpu.memory_space<vmem_shared>> -> memref<10240x8xf32, #tpu.memory_space<vmem_shared>>
    tpu.wait_indirect_dma semaphore(%arg9 : memref<!tpu.dma_semaphore, #tpu.memory_space<semaphore_mem>>) src(%arg7 : memref<80x8xf32, #tpu.memory_space<vmem>>) dst(%dma_wait3A_15 : memref<10240x8xf32, #tpu.memory_space<vmem_shared>>)
    %dma_wait3A_16 = arith.constant 110 : i32
    %dma_wait3A_17 = arith.constant 0 : i32
    %dma_wait3A_18 = tpu.memref_slice %arg6[%dma_wait3A_16, %dma_wait3A_17] : memref<125x80xi32, #tpu.memory_space<vmem>> -> memref<1x80xi32, #tpu.memory_space<vmem>>
    %dma_wait3A_19 = tpu.memref_squeeze %dma_wait3A_18 : memref<1x80xi32, #tpu.memory_space<vmem>> -> memref<80xi32, #tpu.memory_space<vmem>>
    %dma_wait3A_20 = arith.constant 0 : i32
    %dma_wait3A_21 = arith.constant 0 : i32
    %dma_wait3A_22 = tpu.memref_slice %arg8[%dma_wait3A_20, %dma_wait3A_21] : memref<10240x8xf32, #tpu.memory_space<vmem_shared>> -> memref<10240x8xf32, #tpu.memory_space<vmem_shared>>
    tpu.wait_indirect_dma semaphore(%arg9 : memref<!tpu.dma_semaphore, #tpu.memory_space<semaphore_mem>>) src(%arg7 : memref<80x8xf32, #tpu.memory_space<vmem>>) dst(%dma_wait3A_22 : memref<10240x8xf32, #tpu.memory_space<vmem_shared>>)
    %dma_wait3A_23 = arith.constant 111 : i32
    %dma_wait3A_24 = arith.constant 0 : i32
    %dma_wait3A_25 = tpu.memref_slice %arg6[%dma_wait3A_23, %dma_wait3A_24] : memref<125x80xi32, #tpu.memory_space<vmem>> -> memref<1x80xi32, #tpu.memory_space<vmem>>
    %dma_wait3A_26 = tpu.memref_squeeze %dma_wait3A_25 : memref<1x80xi32, #tpu.memory_space<vmem>> -> memref<80xi32, #tpu.memory_space<vmem>>
    %dma_wait3A_27 = arith.constant 0 : i32
    %dma_wait3A_28 = arith.constant 0 : i32
    %dma_wait3A_29 = tpu.memref_slice %arg8[%dma_wait3A_27, %dma_wait3A_28] : memref<10240x8xf32, #tpu.memory_space<vmem_shared>> -> memref<10240x8xf32, #tpu.memory_space<vmem_shared>>
    tpu.wait_indirect_dma semaphore(%arg9 : memref<!tpu.dma_semaphore, #tpu.memory_space<semaphore_mem>>) src(%arg7 : memref<80x8xf32, #tpu.memory_space<vmem>>) dst(%dma_wait3A_29 : memref<10240x8xf32, #tpu.memory_space<vmem_shared>>)
    %dma_wait3A_30 = arith.constant 112 : i32
    %dma_wait3A_31 = arith.constant 0 : i32
    %dma_wait3A_32 = tpu.memref_slice %arg6[%dma_wait3A_30, %dma_wait3A_31] : memref<125x80xi32, #tpu.memory_space<vmem>> -> memref<1x80xi32, #tpu.memory_space<vmem>>
    %dma_wait3A_33 = tpu.memref_squeeze %dma_wait3A_32 : memref<1x80xi32, #tpu.memory_space<vmem>> -> memref<80xi32, #tpu.memory_space<vmem>>
    %dma_wait3A_34 = arith.constant 0 : i32
    %dma_wait3A_35 = arith.constant 0 : i32
    %dma_wait3A_36 = tpu.memref_slice %arg8[%dma_wait3A_34, %dma_wait3A_35] : memref<10240x8xf32, #tpu.memory_space<vmem_shared>> -> memref<10240x8xf32, #tpu.memory_space<vmem_shared>>
    tpu.wait_indirect_dma semaphore(%arg9 : memref<!tpu.dma_semaphore, #tpu.memory_space<semaphore_mem>>) src(%arg7 : memref<80x8xf32, #tpu.memory_space<vmem>>) dst(%dma_wait3A_36 : memref<10240x8xf32, #tpu.memory_space<vmem_shared>>)
    %dma_wait3A_37 = arith.constant 113 : i32
    %dma_wait3A_38 = arith.constant 0 : i32
    %dma_wait3A_39 = tpu.memref_slice %arg6[%dma_wait3A_37, %dma_wait3A_38] : memref<125x80xi32, #tpu.memory_space<vmem>> -> memref<1x80xi32, #tpu.memory_space<vmem>>
    %dma_wait3A_40 = tpu.memref_squeeze %dma_wait3A_39 : memref<1x80xi32, #tpu.memory_space<vmem>> -> memref<80xi32, #tpu.memory_space<vmem>>
    %dma_wait3A_41 = arith.constant 0 : i32
    %dma_wait3A_42 = arith.constant 0 : i32
    %dma_wait3A_43 = tpu.memref_slice %arg8[%dma_wait3A_41, %dma_wait3A_42] : memref<10240x8xf32, #tpu.memory_space<vmem_shared>> -> memref<10240x8xf32, #tpu.memory_space<vmem_shared>>
    tpu.wait_indirect_dma semaphore(%arg9 : memref<!tpu.dma_semaphore, #tpu.memory_space<semaphore_mem>>) src(%arg7 : memref<80x8xf32, #tpu.memory_space<vmem>>) dst(%dma_wait3A_43 : memref<10240x8xf32, #tpu.memory_space<vmem_shared>>)
    %dma_wait3A_44 = arith.constant 114 : i32
    %dma_wait3A_45 = arith.constant 0 : i32
    %dma_wait3A_46 = tpu.memref_slice %arg6[%dma_wait3A_44, %dma_wait3A_45] : memref<125x80xi32, #tpu.memory_space<vmem>> -> memref<1x80xi32, #tpu.memory_space<vmem>>
    %dma_wait3A_47 = tpu.memref_squeeze %dma_wait3A_46 : memref<1x80xi32, #tpu.memory_space<vmem>> -> memref<80xi32, #tpu.memory_space<vmem>>
    %dma_wait3A_48 = arith.constant 0 : i32
    %dma_wait3A_49 = arith.constant 0 : i32
    %dma_wait3A_50 = tpu.memref_slice %arg8[%dma_wait3A_48, %dma_wait3A_49] : memref<10240x8xf32, #tpu.memory_space<vmem_shared>> -> memref<10240x8xf32, #tpu.memory_space<vmem_shared>>
    tpu.wait_indirect_dma semaphore(%arg9 : memref<!tpu.dma_semaphore, #tpu.memory_space<semaphore_mem>>) src(%arg7 : memref<80x8xf32, #tpu.memory_space<vmem>>) dst(%dma_wait3A_50 : memref<10240x8xf32, #tpu.memory_space<vmem_shared>>)
    %dma_wait3A_51 = arith.constant 115 : i32
    %dma_wait3A_52 = arith.constant 0 : i32
    %dma_wait3A_53 = tpu.memref_slice %arg6[%dma_wait3A_51, %dma_wait3A_52] : memref<125x80xi32, #tpu.memory_space<vmem>> -> memref<1x80xi32, #tpu.memory_space<vmem>>
    %dma_wait3A_54 = tpu.memref_squeeze %dma_wait3A_53 : memref<1x80xi32, #tpu.memory_space<vmem>> -> memref<80xi32, #tpu.memory_space<vmem>>
    %dma_wait3A_55 = arith.constant 0 : i32
    %dma_wait3A_56 = arith.constant 0 : i32
    %dma_wait3A_57 = tpu.memref_slice %arg8[%dma_wait3A_55, %dma_wait3A_56] : memref<10240x8xf32, #tpu.memory_space<vmem_shared>> -> memref<10240x8xf32, #tpu.memory_space<vmem_shared>>
    tpu.wait_indirect_dma semaphore(%arg9 : memref<!tpu.dma_semaphore, #tpu.memory_space<semaphore_mem>>) src(%arg7 : memref<80x8xf32, #tpu.memory_space<vmem>>) dst(%dma_wait3A_57 : memref<10240x8xf32, #tpu.memory_space<vmem_shared>>)
    %dma_wait3A_58 = arith.constant 116 : i32
    %dma_wait3A_59 = arith.constant 0 : i32
    %dma_wait3A_60 = tpu.memref_slice %arg6[%dma_wait3A_58, %dma_wait3A_59] : memref<125x80xi32, #tpu.memory_space<vmem>> -> memref<1x80xi32, #tpu.memory_space<vmem>>
    %dma_wait3A_61 = tpu.memref_squeeze %dma_wait3A_60 : memref<1x80xi32, #tpu.memory_space<vmem>> -> memref<80xi32, #tpu.memory_space<vmem>>
    %dma_wait3A_62 = arith.constant 0 : i32
    %dma_wait3A_63 = arith.constant 0 : i32
    %dma_wait3A_64 = tpu.memref_slice %arg8[%dma_wait3A_62, %dma_wait3A_63] : memref<10240x8xf32, #tpu.memory_space<vmem_shared>> -> memref<10240x8xf32, #tpu.memory_space<vmem_shared>>
    tpu.wait_indirect_dma semaphore(%arg9 : memref<!tpu.dma_semaphore, #tpu.memory_space<semaphore_mem>>) src(%arg7 : memref<80x8xf32, #tpu.memory_space<vmem>>) dst(%dma_wait3A_64 : memref<10240x8xf32, #tpu.memory_space<vmem_shared>>)
    %dma_wait3A_65 = arith.constant 117 : i32
    %dma_wait3A_66 = arith.constant 0 : i32
    %dma_wait3A_67 = tpu.memref_slice %arg6[%dma_wait3A_65, %dma_wait3A_66] : memref<125x80xi32, #tpu.memory_space<vmem>> -> memref<1x80xi32, #tpu.memory_space<vmem>>
    %dma_wait3A_68 = tpu.memref_squeeze %dma_wait3A_67 : memref<1x80xi32, #tpu.memory_space<vmem>> -> memref<80xi32, #tpu.memory_space<vmem>>
    %dma_wait3A_69 = arith.constant 0 : i32
    %dma_wait3A_70 = arith.constant 0 : i32
    %dma_wait3A_71 = tpu.memref_slice %arg8[%dma_wait3A_69, %dma_wait3A_70] : memref<10240x8xf32, #tpu.memory_space<vmem_shared>> -> memref<10240x8xf32, #tpu.memory_space<vmem_shared>>
    tpu.wait_indirect_dma semaphore(%arg9 : memref<!tpu.dma_semaphore, #tpu.memory_space<semaphore_mem>>) src(%arg7 : memref<80x8xf32, #tpu.memory_space<vmem>>) dst(%dma_wait3A_71 : memref<10240x8xf32, #tpu.memory_space<vmem_shared>>)
    %dma_wait3A_72 = arith.constant 118 : i32
    %dma_wait3A_73 = arith.constant 0 : i32
    %dma_wait3A_74 = tpu.memref_slice %arg6[%dma_wait3A_72, %dma_wait3A_73] : memref<125x80xi32, #tpu.memory_space<vmem>> -> memref<1x80xi32, #tpu.memory_space<vmem>>
    %dma_wait3A_75 = tpu.memref_squeeze %dma_wait3A_74 : memref<1x80xi32, #tpu.memory_space<vmem>> -> memref<80xi32, #tpu.memory_space<vmem>>
    %dma_wait3A_76 = arith.constant 0 : i32
    %dma_wait3A_77 = arith.constant 0 : i32
    %dma_wait3A_78 = tpu.memref_slice %arg8[%dma_wait3A_76, %dma_wait3A_77] : memref<10240x8xf32, #tpu.memory_space<vmem_shared>> -> memref<10240x8xf32, #tpu.memory_space<vmem_shared>>
    tpu.wait_indirect_dma semaphore(%arg9 : memref<!tpu.dma_semaphore, #tpu.memory_space<semaphore_mem>>) src(%arg7 : memref<80x8xf32, #tpu.memory_space<vmem>>) dst(%dma_wait3A_78 : memref<10240x8xf32, #tpu.memory_space<vmem_shared>>)
    %dma_wait3A_79 = arith.constant 119 : i32
    %dma_wait3A_80 = arith.constant 0 : i32
    %dma_wait3A_81 = tpu.memref_slice %arg6[%dma_wait3A_79, %dma_wait3A_80] : memref<125x80xi32, #tpu.memory_space<vmem>> -> memref<1x80xi32, #tpu.memory_space<vmem>>
    %dma_wait3A_82 = tpu.memref_squeeze %dma_wait3A_81 : memref<1x80xi32, #tpu.memory_space<vmem>> -> memref<80xi32, #tpu.memory_space<vmem>>
    %dma_wait3A_83 = arith.constant 0 : i32
    %dma_wait3A_84 = arith.constant 0 : i32
    %dma_wait3A_85 = tpu.memref_slice %arg8[%dma_wait3A_83, %dma_wait3A_84] : memref<10240x8xf32, #tpu.memory_space<vmem_shared>> -> memref<10240x8xf32, #tpu.memory_space<vmem_shared>>
    tpu.wait_indirect_dma semaphore(%arg9 : memref<!tpu.dma_semaphore, #tpu.memory_space<semaphore_mem>>) src(%arg7 : memref<80x8xf32, #tpu.memory_space<vmem>>) dst(%dma_wait3A_85 : memref<10240x8xf32, #tpu.memory_space<vmem_shared>>)
    %dma_wait3A_86 = arith.constant 120 : i32
    %dma_wait3A_87 = arith.constant 0 : i32
    %dma_wait3A_88 = tpu.memref_slice %arg6[%dma_wait3A_86, %dma_wait3A_87] : memref<125x80xi32, #tpu.memory_space<vmem>> -> memref<1x80xi32, #tpu.memory_space<vmem>>
    %dma_wait3A_89 = tpu.memref_squeeze %dma_wait3A_88 : memref<1x80xi32, #tpu.memory_space<vmem>> -> memref<80xi32, #tpu.memory_space<vmem>>
    %dma_wait3A_90 = arith.constant 0 : i32
    %dma_wait3A_91 = arith.constant 0 : i32
    %dma_wait3A_92 = tpu.memref_slice %arg8[%dma_wait3A_90, %dma_wait3A_91] : memref<10240x8xf32, #tpu.memory_space<vmem_shared>> -> memref<10240x8xf32, #tpu.memory_space<vmem_shared>>
    tpu.wait_indirect_dma semaphore(%arg9 : memref<!tpu.dma_semaphore, #tpu.memory_space<semaphore_mem>>) src(%arg7 : memref<80x8xf32, #tpu.memory_space<vmem>>) dst(%dma_wait3A_92 : memref<10240x8xf32, #tpu.memory_space<vmem_shared>>)
    %dma_wait3A_93 = arith.constant 121 : i32
    %dma_wait3A_94 = arith.constant 0 : i32
    %dma_wait3A_95 = tpu.memref_slice %arg6[%dma_wait3A_93, %dma_wait3A_94] : memref<125x80xi32, #tpu.memory_space<vmem>> -> memref<1x80xi32, #tpu.memory_space<vmem>>
    %dma_wait3A_96 = tpu.memref_squeeze %dma_wait3A_95 : memref<1x80xi32, #tpu.memory_space<vmem>> -> memref<80xi32, #tpu.memory_space<vmem>>
    %dma_wait3A_97 = arith.constant 0 : i32
    %dma_wait3A_98 = arith.constant 0 : i32
    %dma_wait3A_99 = tpu.memref_slice %arg8[%dma_wait3A_97, %dma_wait3A_98] : memref<10240x8xf32, #tpu.memory_space<vmem_shared>> -> memref<10240x8xf32, #tpu.memory_space<vmem_shared>>
    tpu.wait_indirect_dma semaphore(%arg9 : memref<!tpu.dma_semaphore, #tpu.memory_space<semaphore_mem>>) src(%arg7 : memref<80x8xf32, #tpu.memory_space<vmem>>) dst(%dma_wait3A_99 : memref<10240x8xf32, #tpu.memory_space<vmem_shared>>)
    %dma_wait3A_100 = arith.constant 122 : i32
    %dma_wait3A_101 = arith.constant 0 : i32
    %dma_wait3A_102 = tpu.memref_slice %arg6[%dma_wait3A_100, %dma_wait3A_101] : memref<125x80xi32, #tpu.memory_space<vmem>> -> memref<1x80xi32, #tpu.memory_space<vmem>>
    %dma_wait3A_103 = tpu.memref_squeeze %dma_wait3A_102 : memref<1x80xi32, #tpu.memory_space<vmem>> -> memref<80xi32, #tpu.memory_space<vmem>>
    %dma_wait3A_104 = arith.constant 0 : i32
    %dma_wait3A_105 = arith.constant 0 : i32
    %dma_wait3A_106 = tpu.memref_slice %arg8[%dma_wait3A_104, %dma_wait3A_105] : memref<10240x8xf32, #tpu.memory_space<vmem_shared>> -> memref<10240x8xf32, #tpu.memory_space<vmem_shared>>
    tpu.wait_indirect_dma semaphore(%arg9 : memref<!tpu.dma_semaphore, #tpu.memory_space<semaphore_mem>>) src(%arg7 : memref<80x8xf32, #tpu.memory_space<vmem>>) dst(%dma_wait3A_106 : memref<10240x8xf32, #tpu.memory_space<vmem_shared>>)
    %dma_wait3A_107 = arith.constant 123 : i32
    %dma_wait3A_108 = arith.constant 0 : i32
    %dma_wait3A_109 = tpu.memref_slice %arg6[%dma_wait3A_107, %dma_wait3A_108] : memref<125x80xi32, #tpu.memory_space<vmem>> -> memref<1x80xi32, #tpu.memory_space<vmem>>
    %dma_wait3A_110 = tpu.memref_squeeze %dma_wait3A_109 : memref<1x80xi32, #tpu.memory_space<vmem>> -> memref<80xi32, #tpu.memory_space<vmem>>
    %dma_wait3A_111 = arith.constant 0 : i32
    %dma_wait3A_112 = arith.constant 0 : i32
    %dma_wait3A_113 = tpu.memref_slice %arg8[%dma_wait3A_111, %dma_wait3A_112] : memref<10240x8xf32, #tpu.memory_space<vmem_shared>> -> memref<10240x8xf32, #tpu.memory_space<vmem_shared>>
    tpu.wait_indirect_dma semaphore(%arg9 : memref<!tpu.dma_semaphore, #tpu.memory_space<semaphore_mem>>) src(%arg7 : memref<80x8xf32, #tpu.memory_space<vmem>>) dst(%dma_wait3A_113 : memref<10240x8xf32, #tpu.memory_space<vmem_shared>>)
    %dma_wait3A_114 = arith.constant 124 : i32
    %dma_wait3A_115 = arith.constant 0 : i32
    %dma_wait3A_116 = tpu.memref_slice %arg6[%dma_wait3A_114, %dma_wait3A_115] : memref<125x80xi32, #tpu.memory_space<vmem>> -> memref<1x80xi32, #tpu.memory_space<vmem>>
    %dma_wait3A_117 = tpu.memref_squeeze %dma_wait3A_116 : memref<1x80xi32, #tpu.memory_space<vmem>> -> memref<80xi32, #tpu.memory_space<vmem>>
    %dma_wait3A_118 = arith.constant 0 : i32
    %dma_wait3A_119 = arith.constant 0 : i32
    %dma_wait3A_120 = tpu.memref_slice %arg8[%dma_wait3A_118, %dma_wait3A_119] : memref<10240x8xf32, #tpu.memory_space<vmem_shared>> -> memref<10240x8xf32, #tpu.memory_space<vmem_shared>>
    tpu.wait_indirect_dma semaphore(%arg9 : memref<!tpu.dma_semaphore, #tpu.memory_space<semaphore_mem>>) src(%arg7 : memref<80x8xf32, #tpu.memory_space<vmem>>) dst(%dma_wait3A_120 : memref<10240x8xf32, #tpu.memory_space<vmem_shared>>)
    %barrier3A_121 = arith.constant 0 : index
    tpu.barrier barrier_id(%barrier3A_121)
    %mul3A_122 = arith.constant 640 : i32
    %mul3A_123 = arith.muli %arg1, %mul3A_122 : i32
    %mul3A_124 = arith.constant 640 : i32
    %mul3A_125 = arith.muli %arg1, %mul3A_124 : i32
    "tpu.region"() ({
      %run_scoped3A = tpu.sem_alloc : memref<!tpu.dma_semaphore, #tpu.memory_space<semaphore_mem>>
      %dma_start3A = arith.constant 0 : i32
      %dma_start3A_126 = tpu.memref_slice %arg5[%arg0, %mul3A_125, %dma_start3A] : memref<2x10240x128xf32, #tpu.memory_space<hbm>> -> memref<1x640x8xf32, #tpu.memory_space<hbm>>
      %dma_start3A_127 = tpu.memref_squeeze %dma_start3A_126 : memref<1x640x8xf32, #tpu.memory_space<hbm>> -> memref<640x8xf32, #tpu.memory_space<hbm>>
      %dma_start3A_128 = arith.constant 0 : i32
      %dma_start3A_129 = tpu.memref_slice %arg8[%mul3A_123, %dma_start3A_128] : memref<10240x8xf32, #tpu.memory_space<vmem_shared>> -> memref<640x8xf32, #tpu.memory_space<vmem_shared>>
      tpu.enqueue_dma source(%dma_start3A_129 : memref<640x8xf32, #tpu.memory_space<vmem_shared>>) target(%dma_start3A_127 : memref<640x8xf32, #tpu.memory_space<hbm>>) target_semaphore(%run_scoped3A : memref<!tpu.dma_semaphore, #tpu.memory_space<semaphore_mem>>)
      %dma_wait3A_130 = arith.constant 0 : i32
      %dma_wait3A_131 = tpu.memref_slice %arg5[%arg0, %mul3A_125, %dma_wait3A_130] : memref<2x10240x128xf32, #tpu.memory_space<hbm>> -> memref<1x640x8xf32, #tpu.memory_space<hbm>>
      %dma_wait3A_132 = tpu.memref_squeeze %dma_wait3A_131 : memref<1x640x8xf32, #tpu.memory_space<hbm>> -> memref<640x8xf32, #tpu.memory_space<hbm>>
      %dma_wait3A_133 = arith.constant 0 : i32
      %dma_wait3A_134 = tpu.memref_slice %arg8[%mul3A_123, %dma_wait3A_133] : memref<10240x8xf32, #tpu.memory_space<vmem_shared>> -> memref<640x8xf32, #tpu.memory_space<vmem_shared>>
      tpu.wait_dma2 semaphore(%run_scoped3A : memref<!tpu.dma_semaphore, #tpu.memory_space<semaphore_mem>>) src(%dma_wait3A_134 : memref<640x8xf32, #tpu.memory_space<vmem_shared>>) dst(%dma_wait3A_132 : memref<640x8xf32, #tpu.memory_space<hbm>>)
      tpu.yield
    }) : () -> ()
    return
  }
}

#map = affine_map<(d0, d1) -> (0, 0)>
#map1 = affine_map<(d0, d1) -> (0, 0, 0)>
module attributes {stable_mosaic.version = 14 : i64} {
  func.func @agg_kernel(%arg0: i32, %arg1: i32, %arg2: memref<10000x40xf32, #tpu.memory_space<hbm>>, %arg3: memref<32x125x80xi32, #tpu.memory_space<hbm>>, %arg4: memref<32x125x80xi32, #tpu.memory_space<hbm>>, %arg5: memref<10240x40xf32, #tpu.memory_space<hbm>>, %arg6: memref<2x10240x128xf32, #tpu.memory_space<hbm>>, %arg7: memref<125x80xi32, #tpu.memory_space<vmem>>, %arg8: memref<125x80xi32, #tpu.memory_space<vmem>>, %arg9: memref<22x80x40xf32, #tpu.memory_space<vmem>>, %arg10: memref<10240x40xf32, #tpu.memory_space<vmem_shared>>, %arg11: memref<!tpu.dma_semaphore, #tpu.memory_space<semaphore_mem>>, %arg12: memref<!tpu.dma_semaphore, #tpu.memory_space<semaphore_mem>>) attributes {dimension_semantics = [#tpu.dimension_semantics<core_parallel>, #tpu.dimension_semantics<subcore_parallel>], iteration_bounds = array<i64: 2, 16>, scalar_prefetch = 0 : i64, scratch_operands = 6 : i64, tpu.core_type = #tpu.core_type<sc_vector_subcore>, window_params = [{transform_indices = #map}, {transform_indices = #map1}, {transform_indices = #map1}, {transform_indices = #map}, {transform_indices = #map1}]} {
    %mul3A = arith.constant 2 : i32
    %mul3A_0 = arith.muli %arg1, %mul3A : i32
    %add3A = arith.addi %mul3A_0, %arg0 : i32
    %mul3A_1 = arith.constant 640 : i32
    %mul3A_2 = arith.muli %arg1, %mul3A_1 : i32
    "tpu.region"() ({
      %run_scoped3A = tpu.sem_alloc : memref<!tpu.dma_semaphore, #tpu.memory_space<semaphore_mem>>
      %dma_start3A_403 = arith.constant 0 : i32
      %dma_start3A_404 = tpu.memref_slice %arg10[%mul3A_2, %dma_start3A_403] : memref<10240x40xf32, #tpu.memory_space<vmem_shared>> -> memref<640x40xf32, #tpu.memory_space<vmem_shared>>
      %dma_start3A_405 = arith.constant 0 : i32
      %dma_start3A_406 = tpu.memref_slice %arg5[%mul3A_2, %dma_start3A_405] : memref<10240x40xf32, #tpu.memory_space<hbm>> -> memref<640x40xf32, #tpu.memory_space<hbm>>
      tpu.enqueue_dma source(%dma_start3A_406 : memref<640x40xf32, #tpu.memory_space<hbm>>) target(%dma_start3A_404 : memref<640x40xf32, #tpu.memory_space<vmem_shared>>) target_semaphore(%run_scoped3A : memref<!tpu.dma_semaphore, #tpu.memory_space<semaphore_mem>>)
      %dma_wait3A_407 = arith.constant 0 : i32
      %dma_wait3A_408 = tpu.memref_slice %arg10[%mul3A_2, %dma_wait3A_407] : memref<10240x40xf32, #tpu.memory_space<vmem_shared>> -> memref<640x40xf32, #tpu.memory_space<vmem_shared>>
      %dma_wait3A_409 = arith.constant 0 : i32
      %dma_wait3A_410 = tpu.memref_slice %arg5[%mul3A_2, %dma_wait3A_409] : memref<10240x40xf32, #tpu.memory_space<hbm>> -> memref<640x40xf32, #tpu.memory_space<hbm>>
      tpu.wait_dma2 semaphore(%run_scoped3A : memref<!tpu.dma_semaphore, #tpu.memory_space<semaphore_mem>>) src(%dma_wait3A_410 : memref<640x40xf32, #tpu.memory_space<hbm>>) dst(%dma_wait3A_408 : memref<640x40xf32, #tpu.memory_space<vmem_shared>>)
      tpu.yield
    }) : () -> ()
    "tpu.region"() ({
      %run_scoped3A = tpu.sem_alloc : memref<!tpu.dma_semaphore, #tpu.memory_space<semaphore_mem>>
      %dma_start3A_403 = arith.constant 0 : i32
      %dma_start3A_404 = arith.constant 0 : i32
      %dma_start3A_405 = tpu.memref_slice %arg3[%add3A, %dma_start3A_403, %dma_start3A_404] : memref<32x125x80xi32, #tpu.memory_space<hbm>> -> memref<1x125x80xi32, #tpu.memory_space<hbm>>
      %dma_start3A_406 = tpu.memref_squeeze %dma_start3A_405 : memref<1x125x80xi32, #tpu.memory_space<hbm>> -> memref<125x80xi32, #tpu.memory_space<hbm>>
      %dma_start3A_407 = arith.constant 0 : i32
      %dma_start3A_408 = arith.constant 0 : i32
      %dma_start3A_409 = tpu.memref_slice %arg3[%add3A, %dma_start3A_407, %dma_start3A_408] : memref<32x125x80xi32, #tpu.memory_space<hbm>> -> memref<1x125x80xi32, #tpu.memory_space<hbm>>
      %dma_start3A_410 = tpu.memref_squeeze %dma_start3A_409 : memref<1x125x80xi32, #tpu.memory_space<hbm>> -> memref<125x80xi32, #tpu.memory_space<hbm>>
      tpu.enqueue_dma source(%dma_start3A_410 : memref<125x80xi32, #tpu.memory_space<hbm>>) target(%arg7 : memref<125x80xi32, #tpu.memory_space<vmem>>) target_semaphore(%run_scoped3A : memref<!tpu.dma_semaphore, #tpu.memory_space<semaphore_mem>>)
      %dma_wait3A_411 = arith.constant 0 : i32
      %dma_wait3A_412 = arith.constant 0 : i32
      %dma_wait3A_413 = tpu.memref_slice %arg3[%add3A, %dma_wait3A_411, %dma_wait3A_412] : memref<32x125x80xi32, #tpu.memory_space<hbm>> -> memref<1x125x80xi32, #tpu.memory_space<hbm>>
      %dma_wait3A_414 = tpu.memref_squeeze %dma_wait3A_413 : memref<1x125x80xi32, #tpu.memory_space<hbm>> -> memref<125x80xi32, #tpu.memory_space<hbm>>
      %dma_wait3A_415 = arith.constant 0 : i32
      %dma_wait3A_416 = arith.constant 0 : i32
      %dma_wait3A_417 = tpu.memref_slice %arg3[%add3A, %dma_wait3A_415, %dma_wait3A_416] : memref<32x125x80xi32, #tpu.memory_space<hbm>> -> memref<1x125x80xi32, #tpu.memory_space<hbm>>
      %dma_wait3A_418 = tpu.memref_squeeze %dma_wait3A_417 : memref<1x125x80xi32, #tpu.memory_space<hbm>> -> memref<125x80xi32, #tpu.memory_space<hbm>>
      tpu.wait_dma2 semaphore(%run_scoped3A : memref<!tpu.dma_semaphore, #tpu.memory_space<semaphore_mem>>) src(%dma_wait3A_418 : memref<125x80xi32, #tpu.memory_space<hbm>>) dst(%arg7 : memref<125x80xi32, #tpu.memory_space<vmem>>)
      tpu.yield
    }) : () -> ()
    "tpu.region"() ({
      %run_scoped3A = tpu.sem_alloc : memref<!tpu.dma_semaphore, #tpu.memory_space<semaphore_mem>>
      %dma_start3A_403 = arith.constant 0 : i32
      %dma_start3A_404 = arith.constant 0 : i32
      %dma_start3A_405 = tpu.memref_slice %arg4[%add3A, %dma_start3A_403, %dma_start3A_404] : memref<32x125x80xi32, #tpu.memory_space<hbm>> -> memref<1x125x80xi32, #tpu.memory_space<hbm>>
      %dma_start3A_406 = tpu.memref_squeeze %dma_start3A_405 : memref<1x125x80xi32, #tpu.memory_space<hbm>> -> memref<125x80xi32, #tpu.memory_space<hbm>>
      %dma_start3A_407 = arith.constant 0 : i32
      %dma_start3A_408 = arith.constant 0 : i32
      %dma_start3A_409 = tpu.memref_slice %arg4[%add3A, %dma_start3A_407, %dma_start3A_408] : memref<32x125x80xi32, #tpu.memory_space<hbm>> -> memref<1x125x80xi32, #tpu.memory_space<hbm>>
      %dma_start3A_410 = tpu.memref_squeeze %dma_start3A_409 : memref<1x125x80xi32, #tpu.memory_space<hbm>> -> memref<125x80xi32, #tpu.memory_space<hbm>>
      tpu.enqueue_dma source(%dma_start3A_410 : memref<125x80xi32, #tpu.memory_space<hbm>>) target(%arg8 : memref<125x80xi32, #tpu.memory_space<vmem>>) target_semaphore(%run_scoped3A : memref<!tpu.dma_semaphore, #tpu.memory_space<semaphore_mem>>)
      %dma_wait3A_411 = arith.constant 0 : i32
      %dma_wait3A_412 = arith.constant 0 : i32
      %dma_wait3A_413 = tpu.memref_slice %arg4[%add3A, %dma_wait3A_411, %dma_wait3A_412] : memref<32x125x80xi32, #tpu.memory_space<hbm>> -> memref<1x125x80xi32, #tpu.memory_space<hbm>>
      %dma_wait3A_414 = tpu.memref_squeeze %dma_wait3A_413 : memref<1x125x80xi32, #tpu.memory_space<hbm>> -> memref<125x80xi32, #tpu.memory_space<hbm>>
      %dma_wait3A_415 = arith.constant 0 : i32
      %dma_wait3A_416 = arith.constant 0 : i32
      %dma_wait3A_417 = tpu.memref_slice %arg4[%add3A, %dma_wait3A_415, %dma_wait3A_416] : memref<32x125x80xi32, #tpu.memory_space<hbm>> -> memref<1x125x80xi32, #tpu.memory_space<hbm>>
      %dma_wait3A_418 = tpu.memref_squeeze %dma_wait3A_417 : memref<1x125x80xi32, #tpu.memory_space<hbm>> -> memref<125x80xi32, #tpu.memory_space<hbm>>
      tpu.wait_dma2 semaphore(%run_scoped3A : memref<!tpu.dma_semaphore, #tpu.memory_space<semaphore_mem>>) src(%dma_wait3A_418 : memref<125x80xi32, #tpu.memory_space<hbm>>) dst(%arg8 : memref<125x80xi32, #tpu.memory_space<vmem>>)
      tpu.yield
    }) : () -> ()
    %barrier3A = arith.constant 0 : index
    tpu.barrier barrier_id(%barrier3A)
    %dma_start3A = arith.constant 0 : i32
    %dma_start3A_3 = arith.constant 0 : i32
    %dma_start3A_4 = arith.constant 0 : i32
    %dma_start3A_5 = arith.constant 0 : i32
    %dma_start3A_6 = tpu.memref_slice %arg9[%dma_start3A_3, %dma_start3A_4, %dma_start3A_5] : memref<22x80x40xf32, #tpu.memory_space<vmem>> -> memref<1x80x40xf32, #tpu.memory_space<vmem>>
    %dma_start3A_7 = tpu.memref_squeeze %dma_start3A_6 : memref<1x80x40xf32, #tpu.memory_space<vmem>> -> memref<80x40xf32, #tpu.memory_space<vmem>>
    %dma_start3A_8 = arith.constant 0 : i32
    %dma_start3A_9 = tpu.memref_slice %arg7[%dma_start3A, %dma_start3A_8] : memref<125x80xi32, #tpu.memory_space<vmem>> -> memref<1x80xi32, #tpu.memory_space<vmem>>
    %dma_start3A_10 = tpu.memref_squeeze %dma_start3A_9 : memref<1x80xi32, #tpu.memory_space<vmem>> -> memref<80xi32, #tpu.memory_space<vmem>>
    %dma_start3A_11 = arith.constant 0 : i32
    %dma_start3A_12 = arith.constant 0 : i32
    %dma_start3A_13 = tpu.memref_slice %arg2[%dma_start3A_11, %dma_start3A_12] : memref<10000x40xf32, #tpu.memory_space<hbm>> -> memref<10000x40xf32, #tpu.memory_space<hbm>>
    tpu.enqueue_indirect_dma source(%dma_start3A_13 : memref<10000x40xf32, #tpu.memory_space<hbm>>) target(%dma_start3A_7 : memref<80x40xf32, #tpu.memory_space<vmem>>) offsets(%dma_start3A_10 : memref<80xi32, #tpu.memory_space<vmem>>) semaphore(%arg11 : memref<!tpu.dma_semaphore, #tpu.memory_space<semaphore_mem>>)
    %dma_start3A_14 = arith.constant 1 : i32
    %dma_start3A_15 = arith.constant 1 : i32
    %dma_start3A_16 = arith.constant 0 : i32
    %dma_start3A_17 = arith.constant 0 : i32
    %dma_start3A_18 = tpu.memref_slice %arg9[%dma_start3A_15, %dma_start3A_16, %dma_start3A_17] : memref<22x80x40xf32, #tpu.memory_space<vmem>> -> memref<1x80x40xf32, #tpu.memory_space<vmem>>
    %dma_start3A_19 = tpu.memref_squeeze %dma_start3A_18 : memref<1x80x40xf32, #tpu.memory_space<vmem>> -> memref<80x40xf32, #tpu.memory_space<vmem>>
    %dma_start3A_20 = arith.constant 0 : i32
    %dma_start3A_21 = tpu.memref_slice %arg7[%dma_start3A_14, %dma_start3A_20] : memref<125x80xi32, #tpu.memory_space<vmem>> -> memref<1x80xi32, #tpu.memory_space<vmem>>
    %dma_start3A_22 = tpu.memref_squeeze %dma_start3A_21 : memref<1x80xi32, #tpu.memory_space<vmem>> -> memref<80xi32, #tpu.memory_space<vmem>>
    %dma_start3A_23 = arith.constant 0 : i32
    %dma_start3A_24 = arith.constant 0 : i32
    %dma_start3A_25 = tpu.memref_slice %arg2[%dma_start3A_23, %dma_start3A_24] : memref<10000x40xf32, #tpu.memory_space<hbm>> -> memref<10000x40xf32, #tpu.memory_space<hbm>>
    tpu.enqueue_indirect_dma source(%dma_start3A_25 : memref<10000x40xf32, #tpu.memory_space<hbm>>) target(%dma_start3A_19 : memref<80x40xf32, #tpu.memory_space<vmem>>) offsets(%dma_start3A_22 : memref<80xi32, #tpu.memory_space<vmem>>) semaphore(%arg11 : memref<!tpu.dma_semaphore, #tpu.memory_space<semaphore_mem>>)
    %dma_start3A_26 = arith.constant 2 : i32
    %dma_start3A_27 = arith.constant 2 : i32
    %dma_start3A_28 = arith.constant 0 : i32
    %dma_start3A_29 = arith.constant 0 : i32
    %dma_start3A_30 = tpu.memref_slice %arg9[%dma_start3A_27, %dma_start3A_28, %dma_start3A_29] : memref<22x80x40xf32, #tpu.memory_space<vmem>> -> memref<1x80x40xf32, #tpu.memory_space<vmem>>
    %dma_start3A_31 = tpu.memref_squeeze %dma_start3A_30 : memref<1x80x40xf32, #tpu.memory_space<vmem>> -> memref<80x40xf32, #tpu.memory_space<vmem>>
    %dma_start3A_32 = arith.constant 0 : i32
    %dma_start3A_33 = tpu.memref_slice %arg7[%dma_start3A_26, %dma_start3A_32] : memref<125x80xi32, #tpu.memory_space<vmem>> -> memref<1x80xi32, #tpu.memory_space<vmem>>
    %dma_start3A_34 = tpu.memref_squeeze %dma_start3A_33 : memref<1x80xi32, #tpu.memory_space<vmem>> -> memref<80xi32, #tpu.memory_space<vmem>>
    %dma_start3A_35 = arith.constant 0 : i32
    %dma_start3A_36 = arith.constant 0 : i32
    %dma_start3A_37 = tpu.memref_slice %arg2[%dma_start3A_35, %dma_start3A_36] : memref<10000x40xf32, #tpu.memory_space<hbm>> -> memref<10000x40xf32, #tpu.memory_space<hbm>>
    tpu.enqueue_indirect_dma source(%dma_start3A_37 : memref<10000x40xf32, #tpu.memory_space<hbm>>) target(%dma_start3A_31 : memref<80x40xf32, #tpu.memory_space<vmem>>) offsets(%dma_start3A_34 : memref<80xi32, #tpu.memory_space<vmem>>) semaphore(%arg11 : memref<!tpu.dma_semaphore, #tpu.memory_space<semaphore_mem>>)
    %dma_start3A_38 = arith.constant 3 : i32
    %dma_start3A_39 = arith.constant 3 : i32
    %dma_start3A_40 = arith.constant 0 : i32
    %dma_start3A_41 = arith.constant 0 : i32
    %dma_start3A_42 = tpu.memref_slice %arg9[%dma_start3A_39, %dma_start3A_40, %dma_start3A_41] : memref<22x80x40xf32, #tpu.memory_space<vmem>> -> memref<1x80x40xf32, #tpu.memory_space<vmem>>
    %dma_start3A_43 = tpu.memref_squeeze %dma_start3A_42 : memref<1x80x40xf32, #tpu.memory_space<vmem>> -> memref<80x40xf32, #tpu.memory_space<vmem>>
    %dma_start3A_44 = arith.constant 0 : i32
    %dma_start3A_45 = tpu.memref_slice %arg7[%dma_start3A_38, %dma_start3A_44] : memref<125x80xi32, #tpu.memory_space<vmem>> -> memref<1x80xi32, #tpu.memory_space<vmem>>
    %dma_start3A_46 = tpu.memref_squeeze %dma_start3A_45 : memref<1x80xi32, #tpu.memory_space<vmem>> -> memref<80xi32, #tpu.memory_space<vmem>>
    %dma_start3A_47 = arith.constant 0 : i32
    %dma_start3A_48 = arith.constant 0 : i32
    %dma_start3A_49 = tpu.memref_slice %arg2[%dma_start3A_47, %dma_start3A_48] : memref<10000x40xf32, #tpu.memory_space<hbm>> -> memref<10000x40xf32, #tpu.memory_space<hbm>>
    tpu.enqueue_indirect_dma source(%dma_start3A_49 : memref<10000x40xf32, #tpu.memory_space<hbm>>) target(%dma_start3A_43 : memref<80x40xf32, #tpu.memory_space<vmem>>) offsets(%dma_start3A_46 : memref<80xi32, #tpu.memory_space<vmem>>) semaphore(%arg11 : memref<!tpu.dma_semaphore, #tpu.memory_space<semaphore_mem>>)
    %dma_start3A_50 = arith.constant 4 : i32
    %dma_start3A_51 = arith.constant 4 : i32
    %dma_start3A_52 = arith.constant 0 : i32
    %dma_start3A_53 = arith.constant 0 : i32
    %dma_start3A_54 = tpu.memref_slice %arg9[%dma_start3A_51, %dma_start3A_52, %dma_start3A_53] : memref<22x80x40xf32, #tpu.memory_space<vmem>> -> memref<1x80x40xf32, #tpu.memory_space<vmem>>
    %dma_start3A_55 = tpu.memref_squeeze %dma_start3A_54 : memref<1x80x40xf32, #tpu.memory_space<vmem>> -> memref<80x40xf32, #tpu.memory_space<vmem>>
    %dma_start3A_56 = arith.constant 0 : i32
    %dma_start3A_57 = tpu.memref_slice %arg7[%dma_start3A_50, %dma_start3A_56] : memref<125x80xi32, #tpu.memory_space<vmem>> -> memref<1x80xi32, #tpu.memory_space<vmem>>
    %dma_start3A_58 = tpu.memref_squeeze %dma_start3A_57 : memref<1x80xi32, #tpu.memory_space<vmem>> -> memref<80xi32, #tpu.memory_space<vmem>>
    %dma_start3A_59 = arith.constant 0 : i32
    %dma_start3A_60 = arith.constant 0 : i32
    %dma_start3A_61 = tpu.memref_slice %arg2[%dma_start3A_59, %dma_start3A_60] : memref<10000x40xf32, #tpu.memory_space<hbm>> -> memref<10000x40xf32, #tpu.memory_space<hbm>>
    tpu.enqueue_indirect_dma source(%dma_start3A_61 : memref<10000x40xf32, #tpu.memory_space<hbm>>) target(%dma_start3A_55 : memref<80x40xf32, #tpu.memory_space<vmem>>) offsets(%dma_start3A_58 : memref<80xi32, #tpu.memory_space<vmem>>) semaphore(%arg11 : memref<!tpu.dma_semaphore, #tpu.memory_space<semaphore_mem>>)
    %dma_start3A_62 = arith.constant 5 : i32
    %dma_start3A_63 = arith.constant 5 : i32
    %dma_start3A_64 = arith.constant 0 : i32
    %dma_start3A_65 = arith.constant 0 : i32
    %dma_start3A_66 = tpu.memref_slice %arg9[%dma_start3A_63, %dma_start3A_64, %dma_start3A_65] : memref<22x80x40xf32, #tpu.memory_space<vmem>> -> memref<1x80x40xf32, #tpu.memory_space<vmem>>
    %dma_start3A_67 = tpu.memref_squeeze %dma_start3A_66 : memref<1x80x40xf32, #tpu.memory_space<vmem>> -> memref<80x40xf32, #tpu.memory_space<vmem>>
    %dma_start3A_68 = arith.constant 0 : i32
    %dma_start3A_69 = tpu.memref_slice %arg7[%dma_start3A_62, %dma_start3A_68] : memref<125x80xi32, #tpu.memory_space<vmem>> -> memref<1x80xi32, #tpu.memory_space<vmem>>
    %dma_start3A_70 = tpu.memref_squeeze %dma_start3A_69 : memref<1x80xi32, #tpu.memory_space<vmem>> -> memref<80xi32, #tpu.memory_space<vmem>>
    %dma_start3A_71 = arith.constant 0 : i32
    %dma_start3A_72 = arith.constant 0 : i32
    %dma_start3A_73 = tpu.memref_slice %arg2[%dma_start3A_71, %dma_start3A_72] : memref<10000x40xf32, #tpu.memory_space<hbm>> -> memref<10000x40xf32, #tpu.memory_space<hbm>>
    tpu.enqueue_indirect_dma source(%dma_start3A_73 : memref<10000x40xf32, #tpu.memory_space<hbm>>) target(%dma_start3A_67 : memref<80x40xf32, #tpu.memory_space<vmem>>) offsets(%dma_start3A_70 : memref<80xi32, #tpu.memory_space<vmem>>) semaphore(%arg11 : memref<!tpu.dma_semaphore, #tpu.memory_space<semaphore_mem>>)
    %dma_start3A_74 = arith.constant 6 : i32
    %dma_start3A_75 = arith.constant 6 : i32
    %dma_start3A_76 = arith.constant 0 : i32
    %dma_start3A_77 = arith.constant 0 : i32
    %dma_start3A_78 = tpu.memref_slice %arg9[%dma_start3A_75, %dma_start3A_76, %dma_start3A_77] : memref<22x80x40xf32, #tpu.memory_space<vmem>> -> memref<1x80x40xf32, #tpu.memory_space<vmem>>
    %dma_start3A_79 = tpu.memref_squeeze %dma_start3A_78 : memref<1x80x40xf32, #tpu.memory_space<vmem>> -> memref<80x40xf32, #tpu.memory_space<vmem>>
    %dma_start3A_80 = arith.constant 0 : i32
    %dma_start3A_81 = tpu.memref_slice %arg7[%dma_start3A_74, %dma_start3A_80] : memref<125x80xi32, #tpu.memory_space<vmem>> -> memref<1x80xi32, #tpu.memory_space<vmem>>
    %dma_start3A_82 = tpu.memref_squeeze %dma_start3A_81 : memref<1x80xi32, #tpu.memory_space<vmem>> -> memref<80xi32, #tpu.memory_space<vmem>>
    %dma_start3A_83 = arith.constant 0 : i32
    %dma_start3A_84 = arith.constant 0 : i32
    %dma_start3A_85 = tpu.memref_slice %arg2[%dma_start3A_83, %dma_start3A_84] : memref<10000x40xf32, #tpu.memory_space<hbm>> -> memref<10000x40xf32, #tpu.memory_space<hbm>>
    tpu.enqueue_indirect_dma source(%dma_start3A_85 : memref<10000x40xf32, #tpu.memory_space<hbm>>) target(%dma_start3A_79 : memref<80x40xf32, #tpu.memory_space<vmem>>) offsets(%dma_start3A_82 : memref<80xi32, #tpu.memory_space<vmem>>) semaphore(%arg11 : memref<!tpu.dma_semaphore, #tpu.memory_space<semaphore_mem>>)
    %dma_start3A_86 = arith.constant 7 : i32
    %dma_start3A_87 = arith.constant 7 : i32
    %dma_start3A_88 = arith.constant 0 : i32
    %dma_start3A_89 = arith.constant 0 : i32
    %dma_start3A_90 = tpu.memref_slice %arg9[%dma_start3A_87, %dma_start3A_88, %dma_start3A_89] : memref<22x80x40xf32, #tpu.memory_space<vmem>> -> memref<1x80x40xf32, #tpu.memory_space<vmem>>
    %dma_start3A_91 = tpu.memref_squeeze %dma_start3A_90 : memref<1x80x40xf32, #tpu.memory_space<vmem>> -> memref<80x40xf32, #tpu.memory_space<vmem>>
    %dma_start3A_92 = arith.constant 0 : i32
    %dma_start3A_93 = tpu.memref_slice %arg7[%dma_start3A_86, %dma_start3A_92] : memref<125x80xi32, #tpu.memory_space<vmem>> -> memref<1x80xi32, #tpu.memory_space<vmem>>
    %dma_start3A_94 = tpu.memref_squeeze %dma_start3A_93 : memref<1x80xi32, #tpu.memory_space<vmem>> -> memref<80xi32, #tpu.memory_space<vmem>>
    %dma_start3A_95 = arith.constant 0 : i32
    %dma_start3A_96 = arith.constant 0 : i32
    %dma_start3A_97 = tpu.memref_slice %arg2[%dma_start3A_95, %dma_start3A_96] : memref<10000x40xf32, #tpu.memory_space<hbm>> -> memref<10000x40xf32, #tpu.memory_space<hbm>>
    tpu.enqueue_indirect_dma source(%dma_start3A_97 : memref<10000x40xf32, #tpu.memory_space<hbm>>) target(%dma_start3A_91 : memref<80x40xf32, #tpu.memory_space<vmem>>) offsets(%dma_start3A_94 : memref<80xi32, #tpu.memory_space<vmem>>) semaphore(%arg11 : memref<!tpu.dma_semaphore, #tpu.memory_space<semaphore_mem>>)
    %dma_start3A_98 = arith.constant 8 : i32
    %dma_start3A_99 = arith.constant 8 : i32
    %dma_start3A_100 = arith.constant 0 : i32
    %dma_start3A_101 = arith.constant 0 : i32
    %dma_start3A_102 = tpu.memref_slice %arg9[%dma_start3A_99, %dma_start3A_100, %dma_start3A_101] : memref<22x80x40xf32, #tpu.memory_space<vmem>> -> memref<1x80x40xf32, #tpu.memory_space<vmem>>
    %dma_start3A_103 = tpu.memref_squeeze %dma_start3A_102 : memref<1x80x40xf32, #tpu.memory_space<vmem>> -> memref<80x40xf32, #tpu.memory_space<vmem>>
    %dma_start3A_104 = arith.constant 0 : i32
    %dma_start3A_105 = tpu.memref_slice %arg7[%dma_start3A_98, %dma_start3A_104] : memref<125x80xi32, #tpu.memory_space<vmem>> -> memref<1x80xi32, #tpu.memory_space<vmem>>
    %dma_start3A_106 = tpu.memref_squeeze %dma_start3A_105 : memref<1x80xi32, #tpu.memory_space<vmem>> -> memref<80xi32, #tpu.memory_space<vmem>>
    %dma_start3A_107 = arith.constant 0 : i32
    %dma_start3A_108 = arith.constant 0 : i32
    %dma_start3A_109 = tpu.memref_slice %arg2[%dma_start3A_107, %dma_start3A_108] : memref<10000x40xf32, #tpu.memory_space<hbm>> -> memref<10000x40xf32, #tpu.memory_space<hbm>>
    tpu.enqueue_indirect_dma source(%dma_start3A_109 : memref<10000x40xf32, #tpu.memory_space<hbm>>) target(%dma_start3A_103 : memref<80x40xf32, #tpu.memory_space<vmem>>) offsets(%dma_start3A_106 : memref<80xi32, #tpu.memory_space<vmem>>) semaphore(%arg11 : memref<!tpu.dma_semaphore, #tpu.memory_space<semaphore_mem>>)
    %dma_start3A_110 = arith.constant 9 : i32
    %dma_start3A_111 = arith.constant 9 : i32
    %dma_start3A_112 = arith.constant 0 : i32
    %dma_start3A_113 = arith.constant 0 : i32
    %dma_start3A_114 = tpu.memref_slice %arg9[%dma_start3A_111, %dma_start3A_112, %dma_start3A_113] : memref<22x80x40xf32, #tpu.memory_space<vmem>> -> memref<1x80x40xf32, #tpu.memory_space<vmem>>
    %dma_start3A_115 = tpu.memref_squeeze %dma_start3A_114 : memref<1x80x40xf32, #tpu.memory_space<vmem>> -> memref<80x40xf32, #tpu.memory_space<vmem>>
    %dma_start3A_116 = arith.constant 0 : i32
    %dma_start3A_117 = tpu.memref_slice %arg7[%dma_start3A_110, %dma_start3A_116] : memref<125x80xi32, #tpu.memory_space<vmem>> -> memref<1x80xi32, #tpu.memory_space<vmem>>
    %dma_start3A_118 = tpu.memref_squeeze %dma_start3A_117 : memref<1x80xi32, #tpu.memory_space<vmem>> -> memref<80xi32, #tpu.memory_space<vmem>>
    %dma_start3A_119 = arith.constant 0 : i32
    %dma_start3A_120 = arith.constant 0 : i32
    %dma_start3A_121 = tpu.memref_slice %arg2[%dma_start3A_119, %dma_start3A_120] : memref<10000x40xf32, #tpu.memory_space<hbm>> -> memref<10000x40xf32, #tpu.memory_space<hbm>>
    tpu.enqueue_indirect_dma source(%dma_start3A_121 : memref<10000x40xf32, #tpu.memory_space<hbm>>) target(%dma_start3A_115 : memref<80x40xf32, #tpu.memory_space<vmem>>) offsets(%dma_start3A_118 : memref<80xi32, #tpu.memory_space<vmem>>) semaphore(%arg11 : memref<!tpu.dma_semaphore, #tpu.memory_space<semaphore_mem>>)
    %dma_start3A_122 = arith.constant 10 : i32
    %dma_start3A_123 = arith.constant 10 : i32
    %dma_start3A_124 = arith.constant 0 : i32
    %dma_start3A_125 = arith.constant 0 : i32
    %dma_start3A_126 = tpu.memref_slice %arg9[%dma_start3A_123, %dma_start3A_124, %dma_start3A_125] : memref<22x80x40xf32, #tpu.memory_space<vmem>> -> memref<1x80x40xf32, #tpu.memory_space<vmem>>
    %dma_start3A_127 = tpu.memref_squeeze %dma_start3A_126 : memref<1x80x40xf32, #tpu.memory_space<vmem>> -> memref<80x40xf32, #tpu.memory_space<vmem>>
    %dma_start3A_128 = arith.constant 0 : i32
    %dma_start3A_129 = tpu.memref_slice %arg7[%dma_start3A_122, %dma_start3A_128] : memref<125x80xi32, #tpu.memory_space<vmem>> -> memref<1x80xi32, #tpu.memory_space<vmem>>
    %dma_start3A_130 = tpu.memref_squeeze %dma_start3A_129 : memref<1x80xi32, #tpu.memory_space<vmem>> -> memref<80xi32, #tpu.memory_space<vmem>>
    %dma_start3A_131 = arith.constant 0 : i32
    %dma_start3A_132 = arith.constant 0 : i32
    %dma_start3A_133 = tpu.memref_slice %arg2[%dma_start3A_131, %dma_start3A_132] : memref<10000x40xf32, #tpu.memory_space<hbm>> -> memref<10000x40xf32, #tpu.memory_space<hbm>>
    tpu.enqueue_indirect_dma source(%dma_start3A_133 : memref<10000x40xf32, #tpu.memory_space<hbm>>) target(%dma_start3A_127 : memref<80x40xf32, #tpu.memory_space<vmem>>) offsets(%dma_start3A_130 : memref<80xi32, #tpu.memory_space<vmem>>) semaphore(%arg11 : memref<!tpu.dma_semaphore, #tpu.memory_space<semaphore_mem>>)
    %scan3A = arith.constant 0 : i32
    %scan3A_134 = arith.constant 0 : i32
    %scan3A_135 = arith.constant 125 : i32
    %scan3A_136 = arith.addi %scan3A_134, %scan3A_135 : i32
    %scan3A_137 = arith.constant 1 : i32
    scf.for %scan3A_403 = %scan3A_134 to %scan3A_136 step %scan3A_137  : i32 {
      %add3A_404 = arith.constant 11 : i32
      %add3A_405 = arith.addi %scan3A_403, %add3A_404 : i32
      %ge3A = arith.constant 22 : i32
      %ge3A_406 = arith.cmpi sge, %add3A_405, %ge3A : i32
      %add3A_407 = arith.constant 11 : i32
      %add3A_408 = arith.addi %scan3A_403, %add3A_407 : i32
      %lt3A = arith.constant 125 : i32
      %lt3A_409 = arith.cmpi slt, %add3A_408, %lt3A : i32
      %and3A = arith.andi %ge3A_406, %lt3A_409 : i1
      %convert_element_type3A = arith.extui %and3A : i1 to i32
      %cond3A = arith.constant 0 : i32
      %cond3A_410 = arith.cmpi ne, %convert_element_type3A, %cond3A : i32
      scf.if %cond3A_410 {
        %add3A_465 = arith.constant 11 : i32
        %add3A_466 = arith.addi %scan3A_403, %add3A_465 : i32
        %jit3A_467 = arith.constant 22 : i32
        %eq3A_468 = arith.constant 0 : i32
        %eq3A_469 = arith.cmpi eq, %jit3A_467, %eq3A_468 : i32
        %jit3A_470 = arith.constant 1 : i32
        %select_n3A_471 = arith.select %eq3A_469, %jit3A_470, %jit3A_467 : i32
        %rem3A_472 = arith.remsi %add3A_466, %select_n3A_471 : i32
        %ne3A_473 = arith.constant 0 : i32
        %ne3A_474 = arith.cmpi ne, %rem3A_472, %ne3A_473 : i32
        %lt3A_475 = arith.constant 0 : i32
        %lt3A_476 = arith.cmpi slt, %rem3A_472, %lt3A_475 : i32
        %lt3A_477 = arith.constant 0 : i32
        %lt3A_478 = arith.cmpi slt, %select_n3A_471, %lt3A_477 : i32
        %ne3A_479 = arith.xori %lt3A_476, %lt3A_478 : i1
        %and3A_480 = arith.andi %ne3A_479, %ne3A_474 : i1
        %add3A_481 = arith.addi %rem3A_472, %select_n3A_471 : i32
        %select_n3A_482 = arith.select %and3A_480, %add3A_481, %rem3A_472 : i32
        %add3A_483 = arith.constant 11 : i32
        %add3A_484 = arith.addi %scan3A_403, %add3A_483 : i32
        %sub3A = arith.constant 22 : i32
        %sub3A_485 = arith.subi %add3A_484, %sub3A : i32
        %dma_wait3A_486 = arith.constant 0 : i32
        %dma_wait3A_487 = arith.constant 0 : i32
        %dma_wait3A_488 = tpu.memref_slice %arg9[%select_n3A_482, %dma_wait3A_486, %dma_wait3A_487] : memref<22x80x40xf32, #tpu.memory_space<vmem>> -> memref<1x80x40xf32, #tpu.memory_space<vmem>>
        %dma_wait3A_489 = tpu.memref_squeeze %dma_wait3A_488 : memref<1x80x40xf32, #tpu.memory_space<vmem>> -> memref<80x40xf32, #tpu.memory_space<vmem>>
        %dma_wait3A_490 = arith.constant 0 : i32
        %dma_wait3A_491 = tpu.memref_slice %arg8[%sub3A_485, %dma_wait3A_490] : memref<125x80xi32, #tpu.memory_space<vmem>> -> memref<1x80xi32, #tpu.memory_space<vmem>>
        %dma_wait3A_492 = tpu.memref_squeeze %dma_wait3A_491 : memref<1x80xi32, #tpu.memory_space<vmem>> -> memref<80xi32, #tpu.memory_space<vmem>>
        %dma_wait3A_493 = arith.constant 0 : i32
        %dma_wait3A_494 = arith.constant 0 : i32
        %dma_wait3A_495 = tpu.memref_slice %arg10[%dma_wait3A_493, %dma_wait3A_494] : memref<10240x40xf32, #tpu.memory_space<vmem_shared>> -> memref<10240x40xf32, #tpu.memory_space<vmem_shared>>
        tpu.wait_indirect_dma semaphore(%arg12 : memref<!tpu.dma_semaphore, #tpu.memory_space<semaphore_mem>>) src(%dma_wait3A_489 : memref<80x40xf32, #tpu.memory_space<vmem>>) dst(%dma_wait3A_495 : memref<10240x40xf32, #tpu.memory_space<vmem_shared>>)
      } else {
      }
      %add3A_411 = arith.constant 11 : i32
      %add3A_412 = arith.addi %scan3A_403, %add3A_411 : i32
      %lt3A_413 = arith.constant 125 : i32
      %lt3A_414 = arith.cmpi slt, %add3A_412, %lt3A_413 : i32
      %convert_element_type3A_415 = arith.extui %lt3A_414 : i1 to i32
      %cond3A_416 = arith.constant 0 : i32
      %cond3A_417 = arith.cmpi ne, %convert_element_type3A_415, %cond3A_416 : i32
      scf.if %cond3A_417 {
        %add3A_465 = arith.constant 11 : i32
        %add3A_466 = arith.addi %scan3A_403, %add3A_465 : i32
        %add3A_467 = arith.constant 11 : i32
        %add3A_468 = arith.addi %scan3A_403, %add3A_467 : i32
        %jit3A_469 = arith.constant 22 : i32
        %eq3A_470 = arith.constant 0 : i32
        %eq3A_471 = arith.cmpi eq, %jit3A_469, %eq3A_470 : i32
        %jit3A_472 = arith.constant 1 : i32
        %select_n3A_473 = arith.select %eq3A_471, %jit3A_472, %jit3A_469 : i32
        %rem3A_474 = arith.remsi %add3A_468, %select_n3A_473 : i32
        %ne3A_475 = arith.constant 0 : i32
        %ne3A_476 = arith.cmpi ne, %rem3A_474, %ne3A_475 : i32
        %lt3A_477 = arith.constant 0 : i32
        %lt3A_478 = arith.cmpi slt, %rem3A_474, %lt3A_477 : i32
        %lt3A_479 = arith.constant 0 : i32
        %lt3A_480 = arith.cmpi slt, %select_n3A_473, %lt3A_479 : i32
        %ne3A_481 = arith.xori %lt3A_478, %lt3A_480 : i1
        %and3A_482 = arith.andi %ne3A_481, %ne3A_476 : i1
        %add3A_483 = arith.addi %rem3A_474, %select_n3A_473 : i32
        %select_n3A_484 = arith.select %and3A_482, %add3A_483, %rem3A_474 : i32
        %dma_start3A_485 = arith.constant 0 : i32
        %dma_start3A_486 = arith.constant 0 : i32
        %dma_start3A_487 = tpu.memref_slice %arg9[%select_n3A_484, %dma_start3A_485, %dma_start3A_486] : memref<22x80x40xf32, #tpu.memory_space<vmem>> -> memref<1x80x40xf32, #tpu.memory_space<vmem>>
        %dma_start3A_488 = tpu.memref_squeeze %dma_start3A_487 : memref<1x80x40xf32, #tpu.memory_space<vmem>> -> memref<80x40xf32, #tpu.memory_space<vmem>>
        %dma_start3A_489 = arith.constant 0 : i32
        %dma_start3A_490 = tpu.memref_slice %arg7[%add3A_466, %dma_start3A_489] : memref<125x80xi32, #tpu.memory_space<vmem>> -> memref<1x80xi32, #tpu.memory_space<vmem>>
        %dma_start3A_491 = tpu.memref_squeeze %dma_start3A_490 : memref<1x80xi32, #tpu.memory_space<vmem>> -> memref<80xi32, #tpu.memory_space<vmem>>
        %dma_start3A_492 = arith.constant 0 : i32
        %dma_start3A_493 = arith.constant 0 : i32
        %dma_start3A_494 = tpu.memref_slice %arg2[%dma_start3A_492, %dma_start3A_493] : memref<10000x40xf32, #tpu.memory_space<hbm>> -> memref<10000x40xf32, #tpu.memory_space<hbm>>
        tpu.enqueue_indirect_dma source(%dma_start3A_494 : memref<10000x40xf32, #tpu.memory_space<hbm>>) target(%dma_start3A_488 : memref<80x40xf32, #tpu.memory_space<vmem>>) offsets(%dma_start3A_491 : memref<80xi32, #tpu.memory_space<vmem>>) semaphore(%arg11 : memref<!tpu.dma_semaphore, #tpu.memory_space<semaphore_mem>>)
      } else {
      }
      %jit3A = arith.constant 22 : i32
      %eq3A = arith.constant 0 : i32
      %eq3A_418 = arith.cmpi eq, %jit3A, %eq3A : i32
      %jit3A_419 = arith.constant 1 : i32
      %select_n3A = arith.select %eq3A_418, %jit3A_419, %jit3A : i32
      %rem3A = arith.remsi %scan3A_403, %select_n3A : i32
      %ne3A = arith.constant 0 : i32
      %ne3A_420 = arith.cmpi ne, %rem3A, %ne3A : i32
      %lt3A_421 = arith.constant 0 : i32
      %lt3A_422 = arith.cmpi slt, %rem3A, %lt3A_421 : i32
      %lt3A_423 = arith.constant 0 : i32
      %lt3A_424 = arith.cmpi slt, %select_n3A, %lt3A_423 : i32
      %ne3A_425 = arith.xori %lt3A_422, %lt3A_424 : i1
      %and3A_426 = arith.andi %ne3A_425, %ne3A_420 : i1
      %add3A_427 = arith.addi %rem3A, %select_n3A : i32
      %select_n3A_428 = arith.select %and3A_426, %add3A_427, %rem3A : i32
      %dma_wait3A_429 = arith.constant 0 : i32
      %dma_wait3A_430 = arith.constant 0 : i32
      %dma_wait3A_431 = tpu.memref_slice %arg9[%select_n3A_428, %dma_wait3A_429, %dma_wait3A_430] : memref<22x80x40xf32, #tpu.memory_space<vmem>> -> memref<1x80x40xf32, #tpu.memory_space<vmem>>
      %dma_wait3A_432 = tpu.memref_squeeze %dma_wait3A_431 : memref<1x80x40xf32, #tpu.memory_space<vmem>> -> memref<80x40xf32, #tpu.memory_space<vmem>>
      %dma_wait3A_433 = arith.constant 0 : i32
      %dma_wait3A_434 = tpu.memref_slice %arg7[%scan3A_403, %dma_wait3A_433] : memref<125x80xi32, #tpu.memory_space<vmem>> -> memref<1x80xi32, #tpu.memory_space<vmem>>
      %dma_wait3A_435 = tpu.memref_squeeze %dma_wait3A_434 : memref<1x80xi32, #tpu.memory_space<vmem>> -> memref<80xi32, #tpu.memory_space<vmem>>
      %dma_wait3A_436 = arith.constant 0 : i32
      %dma_wait3A_437 = arith.constant 0 : i32
      %dma_wait3A_438 = tpu.memref_slice %arg2[%dma_wait3A_436, %dma_wait3A_437] : memref<10000x40xf32, #tpu.memory_space<hbm>> -> memref<10000x40xf32, #tpu.memory_space<hbm>>
      tpu.wait_indirect_dma semaphore(%arg11 : memref<!tpu.dma_semaphore, #tpu.memory_space<semaphore_mem>>) src(%dma_wait3A_438 : memref<10000x40xf32, #tpu.memory_space<hbm>>) dst(%dma_wait3A_432 : memref<80x40xf32, #tpu.memory_space<vmem>>)
      %jit3A_439 = arith.constant 22 : i32
      %eq3A_440 = arith.constant 0 : i32
      %eq3A_441 = arith.cmpi eq, %jit3A_439, %eq3A_440 : i32
      %jit3A_442 = arith.constant 1 : i32
      %select_n3A_443 = arith.select %eq3A_441, %jit3A_442, %jit3A_439 : i32
      %rem3A_444 = arith.remsi %scan3A_403, %select_n3A_443 : i32
      %ne3A_445 = arith.constant 0 : i32
      %ne3A_446 = arith.cmpi ne, %rem3A_444, %ne3A_445 : i32
      %lt3A_447 = arith.constant 0 : i32
      %lt3A_448 = arith.cmpi slt, %rem3A_444, %lt3A_447 : i32
      %lt3A_449 = arith.constant 0 : i32
      %lt3A_450 = arith.cmpi slt, %select_n3A_443, %lt3A_449 : i32
      %ne3A_451 = arith.xori %lt3A_448, %lt3A_450 : i1
      %and3A_452 = arith.andi %ne3A_451, %ne3A_446 : i1
      %add3A_453 = arith.addi %rem3A_444, %select_n3A_443 : i32
      %select_n3A_454 = arith.select %and3A_452, %add3A_453, %rem3A_444 : i32
      %dma_start3A_455 = arith.constant 0 : i32
      %dma_start3A_456 = arith.constant 0 : i32
      %dma_start3A_457 = tpu.memref_slice %arg9[%select_n3A_454, %dma_start3A_455, %dma_start3A_456] : memref<22x80x40xf32, #tpu.memory_space<vmem>> -> memref<1x80x40xf32, #tpu.memory_space<vmem>>
      %dma_start3A_458 = tpu.memref_squeeze %dma_start3A_457 : memref<1x80x40xf32, #tpu.memory_space<vmem>> -> memref<80x40xf32, #tpu.memory_space<vmem>>
      %dma_start3A_459 = arith.constant 0 : i32
      %dma_start3A_460 = tpu.memref_slice %arg8[%scan3A_403, %dma_start3A_459] : memref<125x80xi32, #tpu.memory_space<vmem>> -> memref<1x80xi32, #tpu.memory_space<vmem>>
      %dma_start3A_461 = tpu.memref_squeeze %dma_start3A_460 : memref<1x80xi32, #tpu.memory_space<vmem>> -> memref<80xi32, #tpu.memory_space<vmem>>
      %dma_start3A_462 = arith.constant 0 : i32
      %dma_start3A_463 = arith.constant 0 : i32
      %dma_start3A_464 = tpu.memref_slice %arg10[%dma_start3A_462, %dma_start3A_463] : memref<10240x40xf32, #tpu.memory_space<vmem_shared>> -> memref<10240x40xf32, #tpu.memory_space<vmem_shared>>
      tpu.enqueue_indirect_dma source(%dma_start3A_458 : memref<80x40xf32, #tpu.memory_space<vmem>>) target(%dma_start3A_464 : memref<10240x40xf32, #tpu.memory_space<vmem_shared>>) offsets(%dma_start3A_461 : memref<80xi32, #tpu.memory_space<vmem>>) semaphore(%arg12 : memref<!tpu.dma_semaphore, #tpu.memory_space<semaphore_mem>>) {add = true}
    }
    %scan3A_138 = arith.constant 125 : i32
    %dma_wait3A = arith.constant 15 : i32
    %dma_wait3A_139 = arith.constant 103 : i32
    %dma_wait3A_140 = arith.constant 0 : i32
    %dma_wait3A_141 = arith.constant 0 : i32
    %dma_wait3A_142 = tpu.memref_slice %arg9[%dma_wait3A, %dma_wait3A_140, %dma_wait3A_141] : memref<22x80x40xf32, #tpu.memory_space<vmem>> -> memref<1x80x40xf32, #tpu.memory_space<vmem>>
    %dma_wait3A_143 = tpu.memref_squeeze %dma_wait3A_142 : memref<1x80x40xf32, #tpu.memory_space<vmem>> -> memref<80x40xf32, #tpu.memory_space<vmem>>
    %dma_wait3A_144 = arith.constant 0 : i32
    %dma_wait3A_145 = tpu.memref_slice %arg8[%dma_wait3A_139, %dma_wait3A_144] : memref<125x80xi32, #tpu.memory_space<vmem>> -> memref<1x80xi32, #tpu.memory_space<vmem>>
    %dma_wait3A_146 = tpu.memref_squeeze %dma_wait3A_145 : memref<1x80xi32, #tpu.memory_space<vmem>> -> memref<80xi32, #tpu.memory_space<vmem>>
    %dma_wait3A_147 = arith.constant 0 : i32
    %dma_wait3A_148 = arith.constant 0 : i32
    %dma_wait3A_149 = tpu.memref_slice %arg10[%dma_wait3A_147, %dma_wait3A_148] : memref<10240x40xf32, #tpu.memory_space<vmem_shared>> -> memref<10240x40xf32, #tpu.memory_space<vmem_shared>>
    tpu.wait_indirect_dma semaphore(%arg12 : memref<!tpu.dma_semaphore, #tpu.memory_space<semaphore_mem>>) src(%dma_wait3A_143 : memref<80x40xf32, #tpu.memory_space<vmem>>) dst(%dma_wait3A_149 : memref<10240x40xf32, #tpu.memory_space<vmem_shared>>)
    %dma_wait3A_150 = arith.constant 16 : i32
    %dma_wait3A_151 = arith.constant 104 : i32
    %dma_wait3A_152 = arith.constant 0 : i32
    %dma_wait3A_153 = arith.constant 0 : i32
    %dma_wait3A_154 = tpu.memref_slice %arg9[%dma_wait3A_150, %dma_wait3A_152, %dma_wait3A_153] : memref<22x80x40xf32, #tpu.memory_space<vmem>> -> memref<1x80x40xf32, #tpu.memory_space<vmem>>
    %dma_wait3A_155 = tpu.memref_squeeze %dma_wait3A_154 : memref<1x80x40xf32, #tpu.memory_space<vmem>> -> memref<80x40xf32, #tpu.memory_space<vmem>>
    %dma_wait3A_156 = arith.constant 0 : i32
    %dma_wait3A_157 = tpu.memref_slice %arg8[%dma_wait3A_151, %dma_wait3A_156] : memref<125x80xi32, #tpu.memory_space<vmem>> -> memref<1x80xi32, #tpu.memory_space<vmem>>
    %dma_wait3A_158 = tpu.memref_squeeze %dma_wait3A_157 : memref<1x80xi32, #tpu.memory_space<vmem>> -> memref<80xi32, #tpu.memory_space<vmem>>
    %dma_wait3A_159 = arith.constant 0 : i32
    %dma_wait3A_160 = arith.constant 0 : i32
    %dma_wait3A_161 = tpu.memref_slice %arg10[%dma_wait3A_159, %dma_wait3A_160] : memref<10240x40xf32, #tpu.memory_space<vmem_shared>> -> memref<10240x40xf32, #tpu.memory_space<vmem_shared>>
    tpu.wait_indirect_dma semaphore(%arg12 : memref<!tpu.dma_semaphore, #tpu.memory_space<semaphore_mem>>) src(%dma_wait3A_155 : memref<80x40xf32, #tpu.memory_space<vmem>>) dst(%dma_wait3A_161 : memref<10240x40xf32, #tpu.memory_space<vmem_shared>>)
    %dma_wait3A_162 = arith.constant 17 : i32
    %dma_wait3A_163 = arith.constant 105 : i32
    %dma_wait3A_164 = arith.constant 0 : i32
    %dma_wait3A_165 = arith.constant 0 : i32
    %dma_wait3A_166 = tpu.memref_slice %arg9[%dma_wait3A_162, %dma_wait3A_164, %dma_wait3A_165] : memref<22x80x40xf32, #tpu.memory_space<vmem>> -> memref<1x80x40xf32, #tpu.memory_space<vmem>>
    %dma_wait3A_167 = tpu.memref_squeeze %dma_wait3A_166 : memref<1x80x40xf32, #tpu.memory_space<vmem>> -> memref<80x40xf32, #tpu.memory_space<vmem>>
    %dma_wait3A_168 = arith.constant 0 : i32
    %dma_wait3A_169 = tpu.memref_slice %arg8[%dma_wait3A_163, %dma_wait3A_168] : memref<125x80xi32, #tpu.memory_space<vmem>> -> memref<1x80xi32, #tpu.memory_space<vmem>>
    %dma_wait3A_170 = tpu.memref_squeeze %dma_wait3A_169 : memref<1x80xi32, #tpu.memory_space<vmem>> -> memref<80xi32, #tpu.memory_space<vmem>>
    %dma_wait3A_171 = arith.constant 0 : i32
    %dma_wait3A_172 = arith.constant 0 : i32
    %dma_wait3A_173 = tpu.memref_slice %arg10[%dma_wait3A_171, %dma_wait3A_172] : memref<10240x40xf32, #tpu.memory_space<vmem_shared>> -> memref<10240x40xf32, #tpu.memory_space<vmem_shared>>
    tpu.wait_indirect_dma semaphore(%arg12 : memref<!tpu.dma_semaphore, #tpu.memory_space<semaphore_mem>>) src(%dma_wait3A_167 : memref<80x40xf32, #tpu.memory_space<vmem>>) dst(%dma_wait3A_173 : memref<10240x40xf32, #tpu.memory_space<vmem_shared>>)
    %dma_wait3A_174 = arith.constant 18 : i32
    %dma_wait3A_175 = arith.constant 106 : i32
    %dma_wait3A_176 = arith.constant 0 : i32
    %dma_wait3A_177 = arith.constant 0 : i32
    %dma_wait3A_178 = tpu.memref_slice %arg9[%dma_wait3A_174, %dma_wait3A_176, %dma_wait3A_177] : memref<22x80x40xf32, #tpu.memory_space<vmem>> -> memref<1x80x40xf32, #tpu.memory_space<vmem>>
    %dma_wait3A_179 = tpu.memref_squeeze %dma_wait3A_178 : memref<1x80x40xf32, #tpu.memory_space<vmem>> -> memref<80x40xf32, #tpu.memory_space<vmem>>
    %dma_wait3A_180 = arith.constant 0 : i32
    %dma_wait3A_181 = tpu.memref_slice %arg8[%dma_wait3A_175, %dma_wait3A_180] : memref<125x80xi32, #tpu.memory_space<vmem>> -> memref<1x80xi32, #tpu.memory_space<vmem>>
    %dma_wait3A_182 = tpu.memref_squeeze %dma_wait3A_181 : memref<1x80xi32, #tpu.memory_space<vmem>> -> memref<80xi32, #tpu.memory_space<vmem>>
    %dma_wait3A_183 = arith.constant 0 : i32
    %dma_wait3A_184 = arith.constant 0 : i32
    %dma_wait3A_185 = tpu.memref_slice %arg10[%dma_wait3A_183, %dma_wait3A_184] : memref<10240x40xf32, #tpu.memory_space<vmem_shared>> -> memref<10240x40xf32, #tpu.memory_space<vmem_shared>>
    tpu.wait_indirect_dma semaphore(%arg12 : memref<!tpu.dma_semaphore, #tpu.memory_space<semaphore_mem>>) src(%dma_wait3A_179 : memref<80x40xf32, #tpu.memory_space<vmem>>) dst(%dma_wait3A_185 : memref<10240x40xf32, #tpu.memory_space<vmem_shared>>)
    %dma_wait3A_186 = arith.constant 19 : i32
    %dma_wait3A_187 = arith.constant 107 : i32
    %dma_wait3A_188 = arith.constant 0 : i32
    %dma_wait3A_189 = arith.constant 0 : i32
    %dma_wait3A_190 = tpu.memref_slice %arg9[%dma_wait3A_186, %dma_wait3A_188, %dma_wait3A_189] : memref<22x80x40xf32, #tpu.memory_space<vmem>> -> memref<1x80x40xf32, #tpu.memory_space<vmem>>
    %dma_wait3A_191 = tpu.memref_squeeze %dma_wait3A_190 : memref<1x80x40xf32, #tpu.memory_space<vmem>> -> memref<80x40xf32, #tpu.memory_space<vmem>>
    %dma_wait3A_192 = arith.constant 0 : i32
    %dma_wait3A_193 = tpu.memref_slice %arg8[%dma_wait3A_187, %dma_wait3A_192] : memref<125x80xi32, #tpu.memory_space<vmem>> -> memref<1x80xi32, #tpu.memory_space<vmem>>
    %dma_wait3A_194 = tpu.memref_squeeze %dma_wait3A_193 : memref<1x80xi32, #tpu.memory_space<vmem>> -> memref<80xi32, #tpu.memory_space<vmem>>
    %dma_wait3A_195 = arith.constant 0 : i32
    %dma_wait3A_196 = arith.constant 0 : i32
    %dma_wait3A_197 = tpu.memref_slice %arg10[%dma_wait3A_195, %dma_wait3A_196] : memref<10240x40xf32, #tpu.memory_space<vmem_shared>> -> memref<10240x40xf32, #tpu.memory_space<vmem_shared>>
    tpu.wait_indirect_dma semaphore(%arg12 : memref<!tpu.dma_semaphore, #tpu.memory_space<semaphore_mem>>) src(%dma_wait3A_191 : memref<80x40xf32, #tpu.memory_space<vmem>>) dst(%dma_wait3A_197 : memref<10240x40xf32, #tpu.memory_space<vmem_shared>>)
    %dma_wait3A_198 = arith.constant 20 : i32
    %dma_wait3A_199 = arith.constant 108 : i32
    %dma_wait3A_200 = arith.constant 0 : i32
    %dma_wait3A_201 = arith.constant 0 : i32
    %dma_wait3A_202 = tpu.memref_slice %arg9[%dma_wait3A_198, %dma_wait3A_200, %dma_wait3A_201] : memref<22x80x40xf32, #tpu.memory_space<vmem>> -> memref<1x80x40xf32, #tpu.memory_space<vmem>>
    %dma_wait3A_203 = tpu.memref_squeeze %dma_wait3A_202 : memref<1x80x40xf32, #tpu.memory_space<vmem>> -> memref<80x40xf32, #tpu.memory_space<vmem>>
    %dma_wait3A_204 = arith.constant 0 : i32
    %dma_wait3A_205 = tpu.memref_slice %arg8[%dma_wait3A_199, %dma_wait3A_204] : memref<125x80xi32, #tpu.memory_space<vmem>> -> memref<1x80xi32, #tpu.memory_space<vmem>>
    %dma_wait3A_206 = tpu.memref_squeeze %dma_wait3A_205 : memref<1x80xi32, #tpu.memory_space<vmem>> -> memref<80xi32, #tpu.memory_space<vmem>>
    %dma_wait3A_207 = arith.constant 0 : i32
    %dma_wait3A_208 = arith.constant 0 : i32
    %dma_wait3A_209 = tpu.memref_slice %arg10[%dma_wait3A_207, %dma_wait3A_208] : memref<10240x40xf32, #tpu.memory_space<vmem_shared>> -> memref<10240x40xf32, #tpu.memory_space<vmem_shared>>
    tpu.wait_indirect_dma semaphore(%arg12 : memref<!tpu.dma_semaphore, #tpu.memory_space<semaphore_mem>>) src(%dma_wait3A_203 : memref<80x40xf32, #tpu.memory_space<vmem>>) dst(%dma_wait3A_209 : memref<10240x40xf32, #tpu.memory_space<vmem_shared>>)
    %dma_wait3A_210 = arith.constant 21 : i32
    %dma_wait3A_211 = arith.constant 109 : i32
    %dma_wait3A_212 = arith.constant 0 : i32
    %dma_wait3A_213 = arith.constant 0 : i32
    %dma_wait3A_214 = tpu.memref_slice %arg9[%dma_wait3A_210, %dma_wait3A_212, %dma_wait3A_213] : memref<22x80x40xf32, #tpu.memory_space<vmem>> -> memref<1x80x40xf32, #tpu.memory_space<vmem>>
    %dma_wait3A_215 = tpu.memref_squeeze %dma_wait3A_214 : memref<1x80x40xf32, #tpu.memory_space<vmem>> -> memref<80x40xf32, #tpu.memory_space<vmem>>
    %dma_wait3A_216 = arith.constant 0 : i32
    %dma_wait3A_217 = tpu.memref_slice %arg8[%dma_wait3A_211, %dma_wait3A_216] : memref<125x80xi32, #tpu.memory_space<vmem>> -> memref<1x80xi32, #tpu.memory_space<vmem>>
    %dma_wait3A_218 = tpu.memref_squeeze %dma_wait3A_217 : memref<1x80xi32, #tpu.memory_space<vmem>> -> memref<80xi32, #tpu.memory_space<vmem>>
    %dma_wait3A_219 = arith.constant 0 : i32
    %dma_wait3A_220 = arith.constant 0 : i32
    %dma_wait3A_221 = tpu.memref_slice %arg10[%dma_wait3A_219, %dma_wait3A_220] : memref<10240x40xf32, #tpu.memory_space<vmem_shared>> -> memref<10240x40xf32, #tpu.memory_space<vmem_shared>>
    tpu.wait_indirect_dma semaphore(%arg12 : memref<!tpu.dma_semaphore, #tpu.memory_space<semaphore_mem>>) src(%dma_wait3A_215 : memref<80x40xf32, #tpu.memory_space<vmem>>) dst(%dma_wait3A_221 : memref<10240x40xf32, #tpu.memory_space<vmem_shared>>)
    %dma_wait3A_222 = arith.constant 0 : i32
    %dma_wait3A_223 = arith.constant 110 : i32
    %dma_wait3A_224 = arith.constant 0 : i32
    %dma_wait3A_225 = arith.constant 0 : i32
    %dma_wait3A_226 = tpu.memref_slice %arg9[%dma_wait3A_222, %dma_wait3A_224, %dma_wait3A_225] : memref<22x80x40xf32, #tpu.memory_space<vmem>> -> memref<1x80x40xf32, #tpu.memory_space<vmem>>
    %dma_wait3A_227 = tpu.memref_squeeze %dma_wait3A_226 : memref<1x80x40xf32, #tpu.memory_space<vmem>> -> memref<80x40xf32, #tpu.memory_space<vmem>>
    %dma_wait3A_228 = arith.constant 0 : i32
    %dma_wait3A_229 = tpu.memref_slice %arg8[%dma_wait3A_223, %dma_wait3A_228] : memref<125x80xi32, #tpu.memory_space<vmem>> -> memref<1x80xi32, #tpu.memory_space<vmem>>
    %dma_wait3A_230 = tpu.memref_squeeze %dma_wait3A_229 : memref<1x80xi32, #tpu.memory_space<vmem>> -> memref<80xi32, #tpu.memory_space<vmem>>
    %dma_wait3A_231 = arith.constant 0 : i32
    %dma_wait3A_232 = arith.constant 0 : i32
    %dma_wait3A_233 = tpu.memref_slice %arg10[%dma_wait3A_231, %dma_wait3A_232] : memref<10240x40xf32, #tpu.memory_space<vmem_shared>> -> memref<10240x40xf32, #tpu.memory_space<vmem_shared>>
    tpu.wait_indirect_dma semaphore(%arg12 : memref<!tpu.dma_semaphore, #tpu.memory_space<semaphore_mem>>) src(%dma_wait3A_227 : memref<80x40xf32, #tpu.memory_space<vmem>>) dst(%dma_wait3A_233 : memref<10240x40xf32, #tpu.memory_space<vmem_shared>>)
    %dma_wait3A_234 = arith.constant 1 : i32
    %dma_wait3A_235 = arith.constant 111 : i32
    %dma_wait3A_236 = arith.constant 0 : i32
    %dma_wait3A_237 = arith.constant 0 : i32
    %dma_wait3A_238 = tpu.memref_slice %arg9[%dma_wait3A_234, %dma_wait3A_236, %dma_wait3A_237] : memref<22x80x40xf32, #tpu.memory_space<vmem>> -> memref<1x80x40xf32, #tpu.memory_space<vmem>>
    %dma_wait3A_239 = tpu.memref_squeeze %dma_wait3A_238 : memref<1x80x40xf32, #tpu.memory_space<vmem>> -> memref<80x40xf32, #tpu.memory_space<vmem>>
    %dma_wait3A_240 = arith.constant 0 : i32
    %dma_wait3A_241 = tpu.memref_slice %arg8[%dma_wait3A_235, %dma_wait3A_240] : memref<125x80xi32, #tpu.memory_space<vmem>> -> memref<1x80xi32, #tpu.memory_space<vmem>>
    %dma_wait3A_242 = tpu.memref_squeeze %dma_wait3A_241 : memref<1x80xi32, #tpu.memory_space<vmem>> -> memref<80xi32, #tpu.memory_space<vmem>>
    %dma_wait3A_243 = arith.constant 0 : i32
    %dma_wait3A_244 = arith.constant 0 : i32
    %dma_wait3A_245 = tpu.memref_slice %arg10[%dma_wait3A_243, %dma_wait3A_244] : memref<10240x40xf32, #tpu.memory_space<vmem_shared>> -> memref<10240x40xf32, #tpu.memory_space<vmem_shared>>
    tpu.wait_indirect_dma semaphore(%arg12 : memref<!tpu.dma_semaphore, #tpu.memory_space<semaphore_mem>>) src(%dma_wait3A_239 : memref<80x40xf32, #tpu.memory_space<vmem>>) dst(%dma_wait3A_245 : memref<10240x40xf32, #tpu.memory_space<vmem_shared>>)
    %dma_wait3A_246 = arith.constant 2 : i32
    %dma_wait3A_247 = arith.constant 112 : i32
    %dma_wait3A_248 = arith.constant 0 : i32
    %dma_wait3A_249 = arith.constant 0 : i32
    %dma_wait3A_250 = tpu.memref_slice %arg9[%dma_wait3A_246, %dma_wait3A_248, %dma_wait3A_249] : memref<22x80x40xf32, #tpu.memory_space<vmem>> -> memref<1x80x40xf32, #tpu.memory_space<vmem>>
    %dma_wait3A_251 = tpu.memref_squeeze %dma_wait3A_250 : memref<1x80x40xf32, #tpu.memory_space<vmem>> -> memref<80x40xf32, #tpu.memory_space<vmem>>
    %dma_wait3A_252 = arith.constant 0 : i32
    %dma_wait3A_253 = tpu.memref_slice %arg8[%dma_wait3A_247, %dma_wait3A_252] : memref<125x80xi32, #tpu.memory_space<vmem>> -> memref<1x80xi32, #tpu.memory_space<vmem>>
    %dma_wait3A_254 = tpu.memref_squeeze %dma_wait3A_253 : memref<1x80xi32, #tpu.memory_space<vmem>> -> memref<80xi32, #tpu.memory_space<vmem>>
    %dma_wait3A_255 = arith.constant 0 : i32
    %dma_wait3A_256 = arith.constant 0 : i32
    %dma_wait3A_257 = tpu.memref_slice %arg10[%dma_wait3A_255, %dma_wait3A_256] : memref<10240x40xf32, #tpu.memory_space<vmem_shared>> -> memref<10240x40xf32, #tpu.memory_space<vmem_shared>>
    tpu.wait_indirect_dma semaphore(%arg12 : memref<!tpu.dma_semaphore, #tpu.memory_space<semaphore_mem>>) src(%dma_wait3A_251 : memref<80x40xf32, #tpu.memory_space<vmem>>) dst(%dma_wait3A_257 : memref<10240x40xf32, #tpu.memory_space<vmem_shared>>)
    %dma_wait3A_258 = arith.constant 3 : i32
    %dma_wait3A_259 = arith.constant 113 : i32
    %dma_wait3A_260 = arith.constant 0 : i32
    %dma_wait3A_261 = arith.constant 0 : i32
    %dma_wait3A_262 = tpu.memref_slice %arg9[%dma_wait3A_258, %dma_wait3A_260, %dma_wait3A_261] : memref<22x80x40xf32, #tpu.memory_space<vmem>> -> memref<1x80x40xf32, #tpu.memory_space<vmem>>
    %dma_wait3A_263 = tpu.memref_squeeze %dma_wait3A_262 : memref<1x80x40xf32, #tpu.memory_space<vmem>> -> memref<80x40xf32, #tpu.memory_space<vmem>>
    %dma_wait3A_264 = arith.constant 0 : i32
    %dma_wait3A_265 = tpu.memref_slice %arg8[%dma_wait3A_259, %dma_wait3A_264] : memref<125x80xi32, #tpu.memory_space<vmem>> -> memref<1x80xi32, #tpu.memory_space<vmem>>
    %dma_wait3A_266 = tpu.memref_squeeze %dma_wait3A_265 : memref<1x80xi32, #tpu.memory_space<vmem>> -> memref<80xi32, #tpu.memory_space<vmem>>
    %dma_wait3A_267 = arith.constant 0 : i32
    %dma_wait3A_268 = arith.constant 0 : i32
    %dma_wait3A_269 = tpu.memref_slice %arg10[%dma_wait3A_267, %dma_wait3A_268] : memref<10240x40xf32, #tpu.memory_space<vmem_shared>> -> memref<10240x40xf32, #tpu.memory_space<vmem_shared>>
    tpu.wait_indirect_dma semaphore(%arg12 : memref<!tpu.dma_semaphore, #tpu.memory_space<semaphore_mem>>) src(%dma_wait3A_263 : memref<80x40xf32, #tpu.memory_space<vmem>>) dst(%dma_wait3A_269 : memref<10240x40xf32, #tpu.memory_space<vmem_shared>>)
    %dma_wait3A_270 = arith.constant 4 : i32
    %dma_wait3A_271 = arith.constant 114 : i32
    %dma_wait3A_272 = arith.constant 0 : i32
    %dma_wait3A_273 = arith.constant 0 : i32
    %dma_wait3A_274 = tpu.memref_slice %arg9[%dma_wait3A_270, %dma_wait3A_272, %dma_wait3A_273] : memref<22x80x40xf32, #tpu.memory_space<vmem>> -> memref<1x80x40xf32, #tpu.memory_space<vmem>>
    %dma_wait3A_275 = tpu.memref_squeeze %dma_wait3A_274 : memref<1x80x40xf32, #tpu.memory_space<vmem>> -> memref<80x40xf32, #tpu.memory_space<vmem>>
    %dma_wait3A_276 = arith.constant 0 : i32
    %dma_wait3A_277 = tpu.memref_slice %arg8[%dma_wait3A_271, %dma_wait3A_276] : memref<125x80xi32, #tpu.memory_space<vmem>> -> memref<1x80xi32, #tpu.memory_space<vmem>>
    %dma_wait3A_278 = tpu.memref_squeeze %dma_wait3A_277 : memref<1x80xi32, #tpu.memory_space<vmem>> -> memref<80xi32, #tpu.memory_space<vmem>>
    %dma_wait3A_279 = arith.constant 0 : i32
    %dma_wait3A_280 = arith.constant 0 : i32
    %dma_wait3A_281 = tpu.memref_slice %arg10[%dma_wait3A_279, %dma_wait3A_280] : memref<10240x40xf32, #tpu.memory_space<vmem_shared>> -> memref<10240x40xf32, #tpu.memory_space<vmem_shared>>
    tpu.wait_indirect_dma semaphore(%arg12 : memref<!tpu.dma_semaphore, #tpu.memory_space<semaphore_mem>>) src(%dma_wait3A_275 : memref<80x40xf32, #tpu.memory_space<vmem>>) dst(%dma_wait3A_281 : memref<10240x40xf32, #tpu.memory_space<vmem_shared>>)
    %dma_wait3A_282 = arith.constant 5 : i32
    %dma_wait3A_283 = arith.constant 115 : i32
    %dma_wait3A_284 = arith.constant 0 : i32
    %dma_wait3A_285 = arith.constant 0 : i32
    %dma_wait3A_286 = tpu.memref_slice %arg9[%dma_wait3A_282, %dma_wait3A_284, %dma_wait3A_285] : memref<22x80x40xf32, #tpu.memory_space<vmem>> -> memref<1x80x40xf32, #tpu.memory_space<vmem>>
    %dma_wait3A_287 = tpu.memref_squeeze %dma_wait3A_286 : memref<1x80x40xf32, #tpu.memory_space<vmem>> -> memref<80x40xf32, #tpu.memory_space<vmem>>
    %dma_wait3A_288 = arith.constant 0 : i32
    %dma_wait3A_289 = tpu.memref_slice %arg8[%dma_wait3A_283, %dma_wait3A_288] : memref<125x80xi32, #tpu.memory_space<vmem>> -> memref<1x80xi32, #tpu.memory_space<vmem>>
    %dma_wait3A_290 = tpu.memref_squeeze %dma_wait3A_289 : memref<1x80xi32, #tpu.memory_space<vmem>> -> memref<80xi32, #tpu.memory_space<vmem>>
    %dma_wait3A_291 = arith.constant 0 : i32
    %dma_wait3A_292 = arith.constant 0 : i32
    %dma_wait3A_293 = tpu.memref_slice %arg10[%dma_wait3A_291, %dma_wait3A_292] : memref<10240x40xf32, #tpu.memory_space<vmem_shared>> -> memref<10240x40xf32, #tpu.memory_space<vmem_shared>>
    tpu.wait_indirect_dma semaphore(%arg12 : memref<!tpu.dma_semaphore, #tpu.memory_space<semaphore_mem>>) src(%dma_wait3A_287 : memref<80x40xf32, #tpu.memory_space<vmem>>) dst(%dma_wait3A_293 : memref<10240x40xf32, #tpu.memory_space<vmem_shared>>)
    %dma_wait3A_294 = arith.constant 6 : i32
    %dma_wait3A_295 = arith.constant 116 : i32
    %dma_wait3A_296 = arith.constant 0 : i32
    %dma_wait3A_297 = arith.constant 0 : i32
    %dma_wait3A_298 = tpu.memref_slice %arg9[%dma_wait3A_294, %dma_wait3A_296, %dma_wait3A_297] : memref<22x80x40xf32, #tpu.memory_space<vmem>> -> memref<1x80x40xf32, #tpu.memory_space<vmem>>
    %dma_wait3A_299 = tpu.memref_squeeze %dma_wait3A_298 : memref<1x80x40xf32, #tpu.memory_space<vmem>> -> memref<80x40xf32, #tpu.memory_space<vmem>>
    %dma_wait3A_300 = arith.constant 0 : i32
    %dma_wait3A_301 = tpu.memref_slice %arg8[%dma_wait3A_295, %dma_wait3A_300] : memref<125x80xi32, #tpu.memory_space<vmem>> -> memref<1x80xi32, #tpu.memory_space<vmem>>
    %dma_wait3A_302 = tpu.memref_squeeze %dma_wait3A_301 : memref<1x80xi32, #tpu.memory_space<vmem>> -> memref<80xi32, #tpu.memory_space<vmem>>
    %dma_wait3A_303 = arith.constant 0 : i32
    %dma_wait3A_304 = arith.constant 0 : i32
    %dma_wait3A_305 = tpu.memref_slice %arg10[%dma_wait3A_303, %dma_wait3A_304] : memref<10240x40xf32, #tpu.memory_space<vmem_shared>> -> memref<10240x40xf32, #tpu.memory_space<vmem_shared>>
    tpu.wait_indirect_dma semaphore(%arg12 : memref<!tpu.dma_semaphore, #tpu.memory_space<semaphore_mem>>) src(%dma_wait3A_299 : memref<80x40xf32, #tpu.memory_space<vmem>>) dst(%dma_wait3A_305 : memref<10240x40xf32, #tpu.memory_space<vmem_shared>>)
    %dma_wait3A_306 = arith.constant 7 : i32
    %dma_wait3A_307 = arith.constant 117 : i32
    %dma_wait3A_308 = arith.constant 0 : i32
    %dma_wait3A_309 = arith.constant 0 : i32
    %dma_wait3A_310 = tpu.memref_slice %arg9[%dma_wait3A_306, %dma_wait3A_308, %dma_wait3A_309] : memref<22x80x40xf32, #tpu.memory_space<vmem>> -> memref<1x80x40xf32, #tpu.memory_space<vmem>>
    %dma_wait3A_311 = tpu.memref_squeeze %dma_wait3A_310 : memref<1x80x40xf32, #tpu.memory_space<vmem>> -> memref<80x40xf32, #tpu.memory_space<vmem>>
    %dma_wait3A_312 = arith.constant 0 : i32
    %dma_wait3A_313 = tpu.memref_slice %arg8[%dma_wait3A_307, %dma_wait3A_312] : memref<125x80xi32, #tpu.memory_space<vmem>> -> memref<1x80xi32, #tpu.memory_space<vmem>>
    %dma_wait3A_314 = tpu.memref_squeeze %dma_wait3A_313 : memref<1x80xi32, #tpu.memory_space<vmem>> -> memref<80xi32, #tpu.memory_space<vmem>>
    %dma_wait3A_315 = arith.constant 0 : i32
    %dma_wait3A_316 = arith.constant 0 : i32
    %dma_wait3A_317 = tpu.memref_slice %arg10[%dma_wait3A_315, %dma_wait3A_316] : memref<10240x40xf32, #tpu.memory_space<vmem_shared>> -> memref<10240x40xf32, #tpu.memory_space<vmem_shared>>
    tpu.wait_indirect_dma semaphore(%arg12 : memref<!tpu.dma_semaphore, #tpu.memory_space<semaphore_mem>>) src(%dma_wait3A_311 : memref<80x40xf32, #tpu.memory_space<vmem>>) dst(%dma_wait3A_317 : memref<10240x40xf32, #tpu.memory_space<vmem_shared>>)
    %dma_wait3A_318 = arith.constant 8 : i32
    %dma_wait3A_319 = arith.constant 118 : i32
    %dma_wait3A_320 = arith.constant 0 : i32
    %dma_wait3A_321 = arith.constant 0 : i32
    %dma_wait3A_322 = tpu.memref_slice %arg9[%dma_wait3A_318, %dma_wait3A_320, %dma_wait3A_321] : memref<22x80x40xf32, #tpu.memory_space<vmem>> -> memref<1x80x40xf32, #tpu.memory_space<vmem>>
    %dma_wait3A_323 = tpu.memref_squeeze %dma_wait3A_322 : memref<1x80x40xf32, #tpu.memory_space<vmem>> -> memref<80x40xf32, #tpu.memory_space<vmem>>
    %dma_wait3A_324 = arith.constant 0 : i32
    %dma_wait3A_325 = tpu.memref_slice %arg8[%dma_wait3A_319, %dma_wait3A_324] : memref<125x80xi32, #tpu.memory_space<vmem>> -> memref<1x80xi32, #tpu.memory_space<vmem>>
    %dma_wait3A_326 = tpu.memref_squeeze %dma_wait3A_325 : memref<1x80xi32, #tpu.memory_space<vmem>> -> memref<80xi32, #tpu.memory_space<vmem>>
    %dma_wait3A_327 = arith.constant 0 : i32
    %dma_wait3A_328 = arith.constant 0 : i32
    %dma_wait3A_329 = tpu.memref_slice %arg10[%dma_wait3A_327, %dma_wait3A_328] : memref<10240x40xf32, #tpu.memory_space<vmem_shared>> -> memref<10240x40xf32, #tpu.memory_space<vmem_shared>>
    tpu.wait_indirect_dma semaphore(%arg12 : memref<!tpu.dma_semaphore, #tpu.memory_space<semaphore_mem>>) src(%dma_wait3A_323 : memref<80x40xf32, #tpu.memory_space<vmem>>) dst(%dma_wait3A_329 : memref<10240x40xf32, #tpu.memory_space<vmem_shared>>)
    %dma_wait3A_330 = arith.constant 9 : i32
    %dma_wait3A_331 = arith.constant 119 : i32
    %dma_wait3A_332 = arith.constant 0 : i32
    %dma_wait3A_333 = arith.constant 0 : i32
    %dma_wait3A_334 = tpu.memref_slice %arg9[%dma_wait3A_330, %dma_wait3A_332, %dma_wait3A_333] : memref<22x80x40xf32, #tpu.memory_space<vmem>> -> memref<1x80x40xf32, #tpu.memory_space<vmem>>
    %dma_wait3A_335 = tpu.memref_squeeze %dma_wait3A_334 : memref<1x80x40xf32, #tpu.memory_space<vmem>> -> memref<80x40xf32, #tpu.memory_space<vmem>>
    %dma_wait3A_336 = arith.constant 0 : i32
    %dma_wait3A_337 = tpu.memref_slice %arg8[%dma_wait3A_331, %dma_wait3A_336] : memref<125x80xi32, #tpu.memory_space<vmem>> -> memref<1x80xi32, #tpu.memory_space<vmem>>
    %dma_wait3A_338 = tpu.memref_squeeze %dma_wait3A_337 : memref<1x80xi32, #tpu.memory_space<vmem>> -> memref<80xi32, #tpu.memory_space<vmem>>
    %dma_wait3A_339 = arith.constant 0 : i32
    %dma_wait3A_340 = arith.constant 0 : i32
    %dma_wait3A_341 = tpu.memref_slice %arg10[%dma_wait3A_339, %dma_wait3A_340] : memref<10240x40xf32, #tpu.memory_space<vmem_shared>> -> memref<10240x40xf32, #tpu.memory_space<vmem_shared>>
    tpu.wait_indirect_dma semaphore(%arg12 : memref<!tpu.dma_semaphore, #tpu.memory_space<semaphore_mem>>) src(%dma_wait3A_335 : memref<80x40xf32, #tpu.memory_space<vmem>>) dst(%dma_wait3A_341 : memref<10240x40xf32, #tpu.memory_space<vmem_shared>>)
    %dma_wait3A_342 = arith.constant 10 : i32
    %dma_wait3A_343 = arith.constant 120 : i32
    %dma_wait3A_344 = arith.constant 0 : i32
    %dma_wait3A_345 = arith.constant 0 : i32
    %dma_wait3A_346 = tpu.memref_slice %arg9[%dma_wait3A_342, %dma_wait3A_344, %dma_wait3A_345] : memref<22x80x40xf32, #tpu.memory_space<vmem>> -> memref<1x80x40xf32, #tpu.memory_space<vmem>>
    %dma_wait3A_347 = tpu.memref_squeeze %dma_wait3A_346 : memref<1x80x40xf32, #tpu.memory_space<vmem>> -> memref<80x40xf32, #tpu.memory_space<vmem>>
    %dma_wait3A_348 = arith.constant 0 : i32
    %dma_wait3A_349 = tpu.memref_slice %arg8[%dma_wait3A_343, %dma_wait3A_348] : memref<125x80xi32, #tpu.memory_space<vmem>> -> memref<1x80xi32, #tpu.memory_space<vmem>>
    %dma_wait3A_350 = tpu.memref_squeeze %dma_wait3A_349 : memref<1x80xi32, #tpu.memory_space<vmem>> -> memref<80xi32, #tpu.memory_space<vmem>>
    %dma_wait3A_351 = arith.constant 0 : i32
    %dma_wait3A_352 = arith.constant 0 : i32
    %dma_wait3A_353 = tpu.memref_slice %arg10[%dma_wait3A_351, %dma_wait3A_352] : memref<10240x40xf32, #tpu.memory_space<vmem_shared>> -> memref<10240x40xf32, #tpu.memory_space<vmem_shared>>
    tpu.wait_indirect_dma semaphore(%arg12 : memref<!tpu.dma_semaphore, #tpu.memory_space<semaphore_mem>>) src(%dma_wait3A_347 : memref<80x40xf32, #tpu.memory_space<vmem>>) dst(%dma_wait3A_353 : memref<10240x40xf32, #tpu.memory_space<vmem_shared>>)
    %dma_wait3A_354 = arith.constant 11 : i32
    %dma_wait3A_355 = arith.constant 121 : i32
    %dma_wait3A_356 = arith.constant 0 : i32
    %dma_wait3A_357 = arith.constant 0 : i32
    %dma_wait3A_358 = tpu.memref_slice %arg9[%dma_wait3A_354, %dma_wait3A_356, %dma_wait3A_357] : memref<22x80x40xf32, #tpu.memory_space<vmem>> -> memref<1x80x40xf32, #tpu.memory_space<vmem>>
    %dma_wait3A_359 = tpu.memref_squeeze %dma_wait3A_358 : memref<1x80x40xf32, #tpu.memory_space<vmem>> -> memref<80x40xf32, #tpu.memory_space<vmem>>
    %dma_wait3A_360 = arith.constant 0 : i32
    %dma_wait3A_361 = tpu.memref_slice %arg8[%dma_wait3A_355, %dma_wait3A_360] : memref<125x80xi32, #tpu.memory_space<vmem>> -> memref<1x80xi32, #tpu.memory_space<vmem>>
    %dma_wait3A_362 = tpu.memref_squeeze %dma_wait3A_361 : memref<1x80xi32, #tpu.memory_space<vmem>> -> memref<80xi32, #tpu.memory_space<vmem>>
    %dma_wait3A_363 = arith.constant 0 : i32
    %dma_wait3A_364 = arith.constant 0 : i32
    %dma_wait3A_365 = tpu.memref_slice %arg10[%dma_wait3A_363, %dma_wait3A_364] : memref<10240x40xf32, #tpu.memory_space<vmem_shared>> -> memref<10240x40xf32, #tpu.memory_space<vmem_shared>>
    tpu.wait_indirect_dma semaphore(%arg12 : memref<!tpu.dma_semaphore, #tpu.memory_space<semaphore_mem>>) src(%dma_wait3A_359 : memref<80x40xf32, #tpu.memory_space<vmem>>) dst(%dma_wait3A_365 : memref<10240x40xf32, #tpu.memory_space<vmem_shared>>)
    %dma_wait3A_366 = arith.constant 12 : i32
    %dma_wait3A_367 = arith.constant 122 : i32
    %dma_wait3A_368 = arith.constant 0 : i32
    %dma_wait3A_369 = arith.constant 0 : i32
    %dma_wait3A_370 = tpu.memref_slice %arg9[%dma_wait3A_366, %dma_wait3A_368, %dma_wait3A_369] : memref<22x80x40xf32, #tpu.memory_space<vmem>> -> memref<1x80x40xf32, #tpu.memory_space<vmem>>
    %dma_wait3A_371 = tpu.memref_squeeze %dma_wait3A_370 : memref<1x80x40xf32, #tpu.memory_space<vmem>> -> memref<80x40xf32, #tpu.memory_space<vmem>>
    %dma_wait3A_372 = arith.constant 0 : i32
    %dma_wait3A_373 = tpu.memref_slice %arg8[%dma_wait3A_367, %dma_wait3A_372] : memref<125x80xi32, #tpu.memory_space<vmem>> -> memref<1x80xi32, #tpu.memory_space<vmem>>
    %dma_wait3A_374 = tpu.memref_squeeze %dma_wait3A_373 : memref<1x80xi32, #tpu.memory_space<vmem>> -> memref<80xi32, #tpu.memory_space<vmem>>
    %dma_wait3A_375 = arith.constant 0 : i32
    %dma_wait3A_376 = arith.constant 0 : i32
    %dma_wait3A_377 = tpu.memref_slice %arg10[%dma_wait3A_375, %dma_wait3A_376] : memref<10240x40xf32, #tpu.memory_space<vmem_shared>> -> memref<10240x40xf32, #tpu.memory_space<vmem_shared>>
    tpu.wait_indirect_dma semaphore(%arg12 : memref<!tpu.dma_semaphore, #tpu.memory_space<semaphore_mem>>) src(%dma_wait3A_371 : memref<80x40xf32, #tpu.memory_space<vmem>>) dst(%dma_wait3A_377 : memref<10240x40xf32, #tpu.memory_space<vmem_shared>>)
    %dma_wait3A_378 = arith.constant 13 : i32
    %dma_wait3A_379 = arith.constant 123 : i32
    %dma_wait3A_380 = arith.constant 0 : i32
    %dma_wait3A_381 = arith.constant 0 : i32
    %dma_wait3A_382 = tpu.memref_slice %arg9[%dma_wait3A_378, %dma_wait3A_380, %dma_wait3A_381] : memref<22x80x40xf32, #tpu.memory_space<vmem>> -> memref<1x80x40xf32, #tpu.memory_space<vmem>>
    %dma_wait3A_383 = tpu.memref_squeeze %dma_wait3A_382 : memref<1x80x40xf32, #tpu.memory_space<vmem>> -> memref<80x40xf32, #tpu.memory_space<vmem>>
    %dma_wait3A_384 = arith.constant 0 : i32
    %dma_wait3A_385 = tpu.memref_slice %arg8[%dma_wait3A_379, %dma_wait3A_384] : memref<125x80xi32, #tpu.memory_space<vmem>> -> memref<1x80xi32, #tpu.memory_space<vmem>>
    %dma_wait3A_386 = tpu.memref_squeeze %dma_wait3A_385 : memref<1x80xi32, #tpu.memory_space<vmem>> -> memref<80xi32, #tpu.memory_space<vmem>>
    %dma_wait3A_387 = arith.constant 0 : i32
    %dma_wait3A_388 = arith.constant 0 : i32
    %dma_wait3A_389 = tpu.memref_slice %arg10[%dma_wait3A_387, %dma_wait3A_388] : memref<10240x40xf32, #tpu.memory_space<vmem_shared>> -> memref<10240x40xf32, #tpu.memory_space<vmem_shared>>
    tpu.wait_indirect_dma semaphore(%arg12 : memref<!tpu.dma_semaphore, #tpu.memory_space<semaphore_mem>>) src(%dma_wait3A_383 : memref<80x40xf32, #tpu.memory_space<vmem>>) dst(%dma_wait3A_389 : memref<10240x40xf32, #tpu.memory_space<vmem_shared>>)
    %dma_wait3A_390 = arith.constant 14 : i32
    %dma_wait3A_391 = arith.constant 124 : i32
    %dma_wait3A_392 = arith.constant 0 : i32
    %dma_wait3A_393 = arith.constant 0 : i32
    %dma_wait3A_394 = tpu.memref_slice %arg9[%dma_wait3A_390, %dma_wait3A_392, %dma_wait3A_393] : memref<22x80x40xf32, #tpu.memory_space<vmem>> -> memref<1x80x40xf32, #tpu.memory_space<vmem>>
    %dma_wait3A_395 = tpu.memref_squeeze %dma_wait3A_394 : memref<1x80x40xf32, #tpu.memory_space<vmem>> -> memref<80x40xf32, #tpu.memory_space<vmem>>
    %dma_wait3A_396 = arith.constant 0 : i32
    %dma_wait3A_397 = tpu.memref_slice %arg8[%dma_wait3A_391, %dma_wait3A_396] : memref<125x80xi32, #tpu.memory_space<vmem>> -> memref<1x80xi32, #tpu.memory_space<vmem>>
    %dma_wait3A_398 = tpu.memref_squeeze %dma_wait3A_397 : memref<1x80xi32, #tpu.memory_space<vmem>> -> memref<80xi32, #tpu.memory_space<vmem>>
    %dma_wait3A_399 = arith.constant 0 : i32
    %dma_wait3A_400 = arith.constant 0 : i32
    %dma_wait3A_401 = tpu.memref_slice %arg10[%dma_wait3A_399, %dma_wait3A_400] : memref<10240x40xf32, #tpu.memory_space<vmem_shared>> -> memref<10240x40xf32, #tpu.memory_space<vmem_shared>>
    tpu.wait_indirect_dma semaphore(%arg12 : memref<!tpu.dma_semaphore, #tpu.memory_space<semaphore_mem>>) src(%dma_wait3A_395 : memref<80x40xf32, #tpu.memory_space<vmem>>) dst(%dma_wait3A_401 : memref<10240x40xf32, #tpu.memory_space<vmem_shared>>)
    %barrier3A_402 = arith.constant 0 : index
    tpu.barrier barrier_id(%barrier3A_402)
    "tpu.region"() ({
      %run_scoped3A = tpu.sem_alloc : memref<!tpu.dma_semaphore, #tpu.memory_space<semaphore_mem>>
      %dma_start3A_403 = arith.constant 0 : i32
      %dma_start3A_404 = tpu.memref_slice %arg6[%arg0, %mul3A_2, %dma_start3A_403] : memref<2x10240x128xf32, #tpu.memory_space<hbm>> -> memref<1x640x40xf32, #tpu.memory_space<hbm>>
      %dma_start3A_405 = tpu.memref_squeeze %dma_start3A_404 : memref<1x640x40xf32, #tpu.memory_space<hbm>> -> memref<640x40xf32, #tpu.memory_space<hbm>>
      %dma_start3A_406 = arith.constant 0 : i32
      %dma_start3A_407 = tpu.memref_slice %arg10[%mul3A_2, %dma_start3A_406] : memref<10240x40xf32, #tpu.memory_space<vmem_shared>> -> memref<640x40xf32, #tpu.memory_space<vmem_shared>>
      tpu.enqueue_dma source(%dma_start3A_407 : memref<640x40xf32, #tpu.memory_space<vmem_shared>>) target(%dma_start3A_405 : memref<640x40xf32, #tpu.memory_space<hbm>>) target_semaphore(%run_scoped3A : memref<!tpu.dma_semaphore, #tpu.memory_space<semaphore_mem>>)
      %dma_wait3A_408 = arith.constant 0 : i32
      %dma_wait3A_409 = tpu.memref_slice %arg6[%arg0, %mul3A_2, %dma_wait3A_408] : memref<2x10240x128xf32, #tpu.memory_space<hbm>> -> memref<1x640x40xf32, #tpu.memory_space<hbm>>
      %dma_wait3A_410 = tpu.memref_squeeze %dma_wait3A_409 : memref<1x640x40xf32, #tpu.memory_space<hbm>> -> memref<640x40xf32, #tpu.memory_space<hbm>>
      %dma_wait3A_411 = arith.constant 0 : i32
      %dma_wait3A_412 = tpu.memref_slice %arg10[%mul3A_2, %dma_wait3A_411] : memref<10240x40xf32, #tpu.memory_space<vmem_shared>> -> memref<640x40xf32, #tpu.memory_space<vmem_shared>>
      tpu.wait_dma2 semaphore(%run_scoped3A : memref<!tpu.dma_semaphore, #tpu.memory_space<semaphore_mem>>) src(%dma_wait3A_412 : memref<640x40xf32, #tpu.memory_space<vmem_shared>>) dst(%dma_wait3A_410 : memref<640x40xf32, #tpu.memory_space<hbm>>)
      tpu.yield
    }) : () -> ()
    return
  }
}

#map = affine_map<(d0, d1) -> (0, 0)>
#map1 = affine_map<(d0, d1) -> (0, 0, 0)>
module attributes {stable_mosaic.version = 14 : i64} {
  func.func @agg_kernel(%arg0: i32, %arg1: i32, %arg2: memref<10240x128xf32, #tpu.memory_space<hbm>>, %arg3: memref<32x125x80xi32, #tpu.memory_space<hbm>>, %arg4: memref<32x125x80xi32, #tpu.memory_space<hbm>>, %arg5: memref<10240x16xf32, #tpu.memory_space<hbm>>, %arg6: memref<2x10240x128xf32, #tpu.memory_space<hbm>>, %arg7: memref<125x80xi32, #tpu.memory_space<vmem>>, %arg8: memref<125x80xi32, #tpu.memory_space<vmem>>, %arg9: memref<28x80x16xf32, #tpu.memory_space<vmem>>, %arg10: memref<10240x16xf32, #tpu.memory_space<vmem_shared>>, %arg11: memref<!tpu.dma_semaphore, #tpu.memory_space<semaphore_mem>>, %arg12: memref<!tpu.dma_semaphore, #tpu.memory_space<semaphore_mem>>, %arg13: memref<640x16xf32, #tpu.memory_space<vmem>>, %arg14: memref<10240x16xf32, #tpu.memory_space<vmem_shared>>) attributes {dimension_semantics = [#tpu.dimension_semantics<core_parallel>, #tpu.dimension_semantics<subcore_parallel>], iteration_bounds = array<i64: 2, 16>, scalar_prefetch = 0 : i64, scratch_operands = 8 : i64, tpu.core_type = #tpu.core_type<sc_vector_subcore>, window_params = [{transform_indices = #map}, {transform_indices = #map1}, {transform_indices = #map1}, {transform_indices = #map}, {transform_indices = #map1}]} {
    %mul3A = arith.constant 2 : i32
    %mul3A_0 = arith.muli %arg1, %mul3A : i32
    %add3A = arith.addi %mul3A_0, %arg0 : i32
    %mul3A_1 = arith.constant 640 : i32
    %mul3A_2 = arith.muli %arg1, %mul3A_1 : i32
    "tpu.region"() ({
      %run_scoped3A = tpu.sem_alloc : memref<!tpu.dma_semaphore, #tpu.memory_space<semaphore_mem>>
      %dma_start3A_511 = arith.constant 0 : i32
      %dma_start3A_512 = tpu.memref_slice %arg10[%mul3A_2, %dma_start3A_511] : memref<10240x16xf32, #tpu.memory_space<vmem_shared>> -> memref<640x16xf32, #tpu.memory_space<vmem_shared>>
      %dma_start3A_513 = arith.constant 0 : i32
      %dma_start3A_514 = tpu.memref_slice %arg5[%mul3A_2, %dma_start3A_513] : memref<10240x16xf32, #tpu.memory_space<hbm>> -> memref<640x16xf32, #tpu.memory_space<hbm>>
      tpu.enqueue_dma source(%dma_start3A_514 : memref<640x16xf32, #tpu.memory_space<hbm>>) target(%dma_start3A_512 : memref<640x16xf32, #tpu.memory_space<vmem_shared>>) target_semaphore(%run_scoped3A : memref<!tpu.dma_semaphore, #tpu.memory_space<semaphore_mem>>)
      %dma_wait3A_515 = arith.constant 0 : i32
      %dma_wait3A_516 = tpu.memref_slice %arg10[%mul3A_2, %dma_wait3A_515] : memref<10240x16xf32, #tpu.memory_space<vmem_shared>> -> memref<640x16xf32, #tpu.memory_space<vmem_shared>>
      %dma_wait3A_517 = arith.constant 0 : i32
      %dma_wait3A_518 = tpu.memref_slice %arg5[%mul3A_2, %dma_wait3A_517] : memref<10240x16xf32, #tpu.memory_space<hbm>> -> memref<640x16xf32, #tpu.memory_space<hbm>>
      tpu.wait_dma2 semaphore(%run_scoped3A : memref<!tpu.dma_semaphore, #tpu.memory_space<semaphore_mem>>) src(%dma_wait3A_518 : memref<640x16xf32, #tpu.memory_space<hbm>>) dst(%dma_wait3A_516 : memref<640x16xf32, #tpu.memory_space<vmem_shared>>)
      tpu.yield
    }) : () -> ()
    "tpu.region"() ({
      %run_scoped3A = tpu.sem_alloc : memref<!tpu.dma_semaphore, #tpu.memory_space<semaphore_mem>>
      %dma_start3A_511 = arith.constant 0 : i32
      %dma_start3A_512 = arith.constant 0 : i32
      %dma_start3A_513 = tpu.memref_slice %arg3[%add3A, %dma_start3A_511, %dma_start3A_512] : memref<32x125x80xi32, #tpu.memory_space<hbm>> -> memref<1x125x80xi32, #tpu.memory_space<hbm>>
      %dma_start3A_514 = tpu.memref_squeeze %dma_start3A_513 : memref<1x125x80xi32, #tpu.memory_space<hbm>> -> memref<125x80xi32, #tpu.memory_space<hbm>>
      %dma_start3A_515 = arith.constant 0 : i32
      %dma_start3A_516 = arith.constant 0 : i32
      %dma_start3A_517 = tpu.memref_slice %arg3[%add3A, %dma_start3A_515, %dma_start3A_516] : memref<32x125x80xi32, #tpu.memory_space<hbm>> -> memref<1x125x80xi32, #tpu.memory_space<hbm>>
      %dma_start3A_518 = tpu.memref_squeeze %dma_start3A_517 : memref<1x125x80xi32, #tpu.memory_space<hbm>> -> memref<125x80xi32, #tpu.memory_space<hbm>>
      tpu.enqueue_dma source(%dma_start3A_518 : memref<125x80xi32, #tpu.memory_space<hbm>>) target(%arg7 : memref<125x80xi32, #tpu.memory_space<vmem>>) target_semaphore(%run_scoped3A : memref<!tpu.dma_semaphore, #tpu.memory_space<semaphore_mem>>)
      %dma_wait3A_519 = arith.constant 0 : i32
      %dma_wait3A_520 = arith.constant 0 : i32
      %dma_wait3A_521 = tpu.memref_slice %arg3[%add3A, %dma_wait3A_519, %dma_wait3A_520] : memref<32x125x80xi32, #tpu.memory_space<hbm>> -> memref<1x125x80xi32, #tpu.memory_space<hbm>>
      %dma_wait3A_522 = tpu.memref_squeeze %dma_wait3A_521 : memref<1x125x80xi32, #tpu.memory_space<hbm>> -> memref<125x80xi32, #tpu.memory_space<hbm>>
      %dma_wait3A_523 = arith.constant 0 : i32
      %dma_wait3A_524 = arith.constant 0 : i32
      %dma_wait3A_525 = tpu.memref_slice %arg3[%add3A, %dma_wait3A_523, %dma_wait3A_524] : memref<32x125x80xi32, #tpu.memory_space<hbm>> -> memref<1x125x80xi32, #tpu.memory_space<hbm>>
      %dma_wait3A_526 = tpu.memref_squeeze %dma_wait3A_525 : memref<1x125x80xi32, #tpu.memory_space<hbm>> -> memref<125x80xi32, #tpu.memory_space<hbm>>
      tpu.wait_dma2 semaphore(%run_scoped3A : memref<!tpu.dma_semaphore, #tpu.memory_space<semaphore_mem>>) src(%dma_wait3A_526 : memref<125x80xi32, #tpu.memory_space<hbm>>) dst(%arg7 : memref<125x80xi32, #tpu.memory_space<vmem>>)
      tpu.yield
    }) : () -> ()
    "tpu.region"() ({
      %run_scoped3A = tpu.sem_alloc : memref<!tpu.dma_semaphore, #tpu.memory_space<semaphore_mem>>
      %dma_start3A_511 = arith.constant 0 : i32
      %dma_start3A_512 = arith.constant 0 : i32
      %dma_start3A_513 = tpu.memref_slice %arg4[%add3A, %dma_start3A_511, %dma_start3A_512] : memref<32x125x80xi32, #tpu.memory_space<hbm>> -> memref<1x125x80xi32, #tpu.memory_space<hbm>>
      %dma_start3A_514 = tpu.memref_squeeze %dma_start3A_513 : memref<1x125x80xi32, #tpu.memory_space<hbm>> -> memref<125x80xi32, #tpu.memory_space<hbm>>
      %dma_start3A_515 = arith.constant 0 : i32
      %dma_start3A_516 = arith.constant 0 : i32
      %dma_start3A_517 = tpu.memref_slice %arg4[%add3A, %dma_start3A_515, %dma_start3A_516] : memref<32x125x80xi32, #tpu.memory_space<hbm>> -> memref<1x125x80xi32, #tpu.memory_space<hbm>>
      %dma_start3A_518 = tpu.memref_squeeze %dma_start3A_517 : memref<1x125x80xi32, #tpu.memory_space<hbm>> -> memref<125x80xi32, #tpu.memory_space<hbm>>
      tpu.enqueue_dma source(%dma_start3A_518 : memref<125x80xi32, #tpu.memory_space<hbm>>) target(%arg8 : memref<125x80xi32, #tpu.memory_space<vmem>>) target_semaphore(%run_scoped3A : memref<!tpu.dma_semaphore, #tpu.memory_space<semaphore_mem>>)
      %dma_wait3A_519 = arith.constant 0 : i32
      %dma_wait3A_520 = arith.constant 0 : i32
      %dma_wait3A_521 = tpu.memref_slice %arg4[%add3A, %dma_wait3A_519, %dma_wait3A_520] : memref<32x125x80xi32, #tpu.memory_space<hbm>> -> memref<1x125x80xi32, #tpu.memory_space<hbm>>
      %dma_wait3A_522 = tpu.memref_squeeze %dma_wait3A_521 : memref<1x125x80xi32, #tpu.memory_space<hbm>> -> memref<125x80xi32, #tpu.memory_space<hbm>>
      %dma_wait3A_523 = arith.constant 0 : i32
      %dma_wait3A_524 = arith.constant 0 : i32
      %dma_wait3A_525 = tpu.memref_slice %arg4[%add3A, %dma_wait3A_523, %dma_wait3A_524] : memref<32x125x80xi32, #tpu.memory_space<hbm>> -> memref<1x125x80xi32, #tpu.memory_space<hbm>>
      %dma_wait3A_526 = tpu.memref_squeeze %dma_wait3A_525 : memref<1x125x80xi32, #tpu.memory_space<hbm>> -> memref<125x80xi32, #tpu.memory_space<hbm>>
      tpu.wait_dma2 semaphore(%run_scoped3A : memref<!tpu.dma_semaphore, #tpu.memory_space<semaphore_mem>>) src(%dma_wait3A_526 : memref<125x80xi32, #tpu.memory_space<hbm>>) dst(%arg8 : memref<125x80xi32, #tpu.memory_space<vmem>>)
      tpu.yield
    }) : () -> ()
    "tpu.region"() ({
      %run_scoped3A = tpu.sem_alloc : memref<!tpu.dma_semaphore, #tpu.memory_space<semaphore_mem>>
      %dma_start3A_511 = arith.constant 0 : i32
      %dma_start3A_512 = tpu.memref_slice %arg2[%mul3A_2, %dma_start3A_511] : memref<10240x128xf32, #tpu.memory_space<hbm>> -> memref<640x16xf32, #tpu.memory_space<hbm>>
      %dma_start3A_513 = arith.constant 0 : i32
      %dma_start3A_514 = tpu.memref_slice %arg2[%mul3A_2, %dma_start3A_513] : memref<10240x128xf32, #tpu.memory_space<hbm>> -> memref<640x16xf32, #tpu.memory_space<hbm>>
      tpu.enqueue_dma source(%dma_start3A_514 : memref<640x16xf32, #tpu.memory_space<hbm>>) target(%arg13 : memref<640x16xf32, #tpu.memory_space<vmem>>) target_semaphore(%run_scoped3A : memref<!tpu.dma_semaphore, #tpu.memory_space<semaphore_mem>>)
      %dma_wait3A_515 = arith.constant 0 : i32
      %dma_wait3A_516 = tpu.memref_slice %arg2[%mul3A_2, %dma_wait3A_515] : memref<10240x128xf32, #tpu.memory_space<hbm>> -> memref<640x16xf32, #tpu.memory_space<hbm>>
      %dma_wait3A_517 = arith.constant 0 : i32
      %dma_wait3A_518 = tpu.memref_slice %arg2[%mul3A_2, %dma_wait3A_517] : memref<10240x128xf32, #tpu.memory_space<hbm>> -> memref<640x16xf32, #tpu.memory_space<hbm>>
      tpu.wait_dma2 semaphore(%run_scoped3A : memref<!tpu.dma_semaphore, #tpu.memory_space<semaphore_mem>>) src(%dma_wait3A_518 : memref<640x16xf32, #tpu.memory_space<hbm>>) dst(%arg13 : memref<640x16xf32, #tpu.memory_space<vmem>>)
      tpu.yield
    }) : () -> ()
    "tpu.region"() ({
      %run_scoped3A = tpu.sem_alloc : memref<!tpu.dma_semaphore, #tpu.memory_space<semaphore_mem>>
      %dma_start3A_511 = arith.constant 0 : i32
      %dma_start3A_512 = tpu.memref_slice %arg14[%mul3A_2, %dma_start3A_511] : memref<10240x16xf32, #tpu.memory_space<vmem_shared>> -> memref<640x16xf32, #tpu.memory_space<vmem_shared>>
      %dma_start3A_513 = arith.constant 0 : i32
      %dma_start3A_514 = tpu.memref_slice %arg14[%mul3A_2, %dma_start3A_513] : memref<10240x16xf32, #tpu.memory_space<vmem_shared>> -> memref<640x16xf32, #tpu.memory_space<vmem_shared>>
      tpu.enqueue_dma source(%arg13 : memref<640x16xf32, #tpu.memory_space<vmem>>) target(%dma_start3A_514 : memref<640x16xf32, #tpu.memory_space<vmem_shared>>) target_semaphore(%run_scoped3A : memref<!tpu.dma_semaphore, #tpu.memory_space<semaphore_mem>>)
      %dma_wait3A_515 = arith.constant 0 : i32
      %dma_wait3A_516 = tpu.memref_slice %arg14[%mul3A_2, %dma_wait3A_515] : memref<10240x16xf32, #tpu.memory_space<vmem_shared>> -> memref<640x16xf32, #tpu.memory_space<vmem_shared>>
      %dma_wait3A_517 = arith.constant 0 : i32
      %dma_wait3A_518 = tpu.memref_slice %arg14[%mul3A_2, %dma_wait3A_517] : memref<10240x16xf32, #tpu.memory_space<vmem_shared>> -> memref<640x16xf32, #tpu.memory_space<vmem_shared>>
      tpu.wait_dma2 semaphore(%run_scoped3A : memref<!tpu.dma_semaphore, #tpu.memory_space<semaphore_mem>>) src(%arg13 : memref<640x16xf32, #tpu.memory_space<vmem>>) dst(%dma_wait3A_518 : memref<640x16xf32, #tpu.memory_space<vmem_shared>>)
      tpu.yield
    }) : () -> ()
    %barrier3A = arith.constant 0 : index
    tpu.barrier barrier_id(%barrier3A)
    %dma_start3A = arith.constant 0 : i32
    %dma_start3A_3 = arith.constant 0 : i32
    %dma_start3A_4 = arith.constant 0 : i32
    %dma_start3A_5 = arith.constant 0 : i32
    %dma_start3A_6 = tpu.memref_slice %arg9[%dma_start3A_3, %dma_start3A_4, %dma_start3A_5] : memref<28x80x16xf32, #tpu.memory_space<vmem>> -> memref<1x80x16xf32, #tpu.memory_space<vmem>>
    %dma_start3A_7 = tpu.memref_squeeze %dma_start3A_6 : memref<1x80x16xf32, #tpu.memory_space<vmem>> -> memref<80x16xf32, #tpu.memory_space<vmem>>
    %dma_start3A_8 = arith.constant 0 : i32
    %dma_start3A_9 = tpu.memref_slice %arg7[%dma_start3A, %dma_start3A_8] : memref<125x80xi32, #tpu.memory_space<vmem>> -> memref<1x80xi32, #tpu.memory_space<vmem>>
    %dma_start3A_10 = tpu.memref_squeeze %dma_start3A_9 : memref<1x80xi32, #tpu.memory_space<vmem>> -> memref<80xi32, #tpu.memory_space<vmem>>
    %dma_start3A_11 = arith.constant 0 : i32
    %dma_start3A_12 = arith.constant 0 : i32
    %dma_start3A_13 = tpu.memref_slice %arg14[%dma_start3A_11, %dma_start3A_12] : memref<10240x16xf32, #tpu.memory_space<vmem_shared>> -> memref<10240x16xf32, #tpu.memory_space<vmem_shared>>
    tpu.enqueue_indirect_dma source(%dma_start3A_13 : memref<10240x16xf32, #tpu.memory_space<vmem_shared>>) target(%dma_start3A_7 : memref<80x16xf32, #tpu.memory_space<vmem>>) offsets(%dma_start3A_10 : memref<80xi32, #tpu.memory_space<vmem>>) semaphore(%arg11 : memref<!tpu.dma_semaphore, #tpu.memory_space<semaphore_mem>>)
    %dma_start3A_14 = arith.constant 1 : i32
    %dma_start3A_15 = arith.constant 1 : i32
    %dma_start3A_16 = arith.constant 0 : i32
    %dma_start3A_17 = arith.constant 0 : i32
    %dma_start3A_18 = tpu.memref_slice %arg9[%dma_start3A_15, %dma_start3A_16, %dma_start3A_17] : memref<28x80x16xf32, #tpu.memory_space<vmem>> -> memref<1x80x16xf32, #tpu.memory_space<vmem>>
    %dma_start3A_19 = tpu.memref_squeeze %dma_start3A_18 : memref<1x80x16xf32, #tpu.memory_space<vmem>> -> memref<80x16xf32, #tpu.memory_space<vmem>>
    %dma_start3A_20 = arith.constant 0 : i32
    %dma_start3A_21 = tpu.memref_slice %arg7[%dma_start3A_14, %dma_start3A_20] : memref<125x80xi32, #tpu.memory_space<vmem>> -> memref<1x80xi32, #tpu.memory_space<vmem>>
    %dma_start3A_22 = tpu.memref_squeeze %dma_start3A_21 : memref<1x80xi32, #tpu.memory_space<vmem>> -> memref<80xi32, #tpu.memory_space<vmem>>
    %dma_start3A_23 = arith.constant 0 : i32
    %dma_start3A_24 = arith.constant 0 : i32
    %dma_start3A_25 = tpu.memref_slice %arg14[%dma_start3A_23, %dma_start3A_24] : memref<10240x16xf32, #tpu.memory_space<vmem_shared>> -> memref<10240x16xf32, #tpu.memory_space<vmem_shared>>
    tpu.enqueue_indirect_dma source(%dma_start3A_25 : memref<10240x16xf32, #tpu.memory_space<vmem_shared>>) target(%dma_start3A_19 : memref<80x16xf32, #tpu.memory_space<vmem>>) offsets(%dma_start3A_22 : memref<80xi32, #tpu.memory_space<vmem>>) semaphore(%arg11 : memref<!tpu.dma_semaphore, #tpu.memory_space<semaphore_mem>>)
    %dma_start3A_26 = arith.constant 2 : i32
    %dma_start3A_27 = arith.constant 2 : i32
    %dma_start3A_28 = arith.constant 0 : i32
    %dma_start3A_29 = arith.constant 0 : i32
    %dma_start3A_30 = tpu.memref_slice %arg9[%dma_start3A_27, %dma_start3A_28, %dma_start3A_29] : memref<28x80x16xf32, #tpu.memory_space<vmem>> -> memref<1x80x16xf32, #tpu.memory_space<vmem>>
    %dma_start3A_31 = tpu.memref_squeeze %dma_start3A_30 : memref<1x80x16xf32, #tpu.memory_space<vmem>> -> memref<80x16xf32, #tpu.memory_space<vmem>>
    %dma_start3A_32 = arith.constant 0 : i32
    %dma_start3A_33 = tpu.memref_slice %arg7[%dma_start3A_26, %dma_start3A_32] : memref<125x80xi32, #tpu.memory_space<vmem>> -> memref<1x80xi32, #tpu.memory_space<vmem>>
    %dma_start3A_34 = tpu.memref_squeeze %dma_start3A_33 : memref<1x80xi32, #tpu.memory_space<vmem>> -> memref<80xi32, #tpu.memory_space<vmem>>
    %dma_start3A_35 = arith.constant 0 : i32
    %dma_start3A_36 = arith.constant 0 : i32
    %dma_start3A_37 = tpu.memref_slice %arg14[%dma_start3A_35, %dma_start3A_36] : memref<10240x16xf32, #tpu.memory_space<vmem_shared>> -> memref<10240x16xf32, #tpu.memory_space<vmem_shared>>
    tpu.enqueue_indirect_dma source(%dma_start3A_37 : memref<10240x16xf32, #tpu.memory_space<vmem_shared>>) target(%dma_start3A_31 : memref<80x16xf32, #tpu.memory_space<vmem>>) offsets(%dma_start3A_34 : memref<80xi32, #tpu.memory_space<vmem>>) semaphore(%arg11 : memref<!tpu.dma_semaphore, #tpu.memory_space<semaphore_mem>>)
    %dma_start3A_38 = arith.constant 3 : i32
    %dma_start3A_39 = arith.constant 3 : i32
    %dma_start3A_40 = arith.constant 0 : i32
    %dma_start3A_41 = arith.constant 0 : i32
    %dma_start3A_42 = tpu.memref_slice %arg9[%dma_start3A_39, %dma_start3A_40, %dma_start3A_41] : memref<28x80x16xf32, #tpu.memory_space<vmem>> -> memref<1x80x16xf32, #tpu.memory_space<vmem>>
    %dma_start3A_43 = tpu.memref_squeeze %dma_start3A_42 : memref<1x80x16xf32, #tpu.memory_space<vmem>> -> memref<80x16xf32, #tpu.memory_space<vmem>>
    %dma_start3A_44 = arith.constant 0 : i32
    %dma_start3A_45 = tpu.memref_slice %arg7[%dma_start3A_38, %dma_start3A_44] : memref<125x80xi32, #tpu.memory_space<vmem>> -> memref<1x80xi32, #tpu.memory_space<vmem>>
    %dma_start3A_46 = tpu.memref_squeeze %dma_start3A_45 : memref<1x80xi32, #tpu.memory_space<vmem>> -> memref<80xi32, #tpu.memory_space<vmem>>
    %dma_start3A_47 = arith.constant 0 : i32
    %dma_start3A_48 = arith.constant 0 : i32
    %dma_start3A_49 = tpu.memref_slice %arg14[%dma_start3A_47, %dma_start3A_48] : memref<10240x16xf32, #tpu.memory_space<vmem_shared>> -> memref<10240x16xf32, #tpu.memory_space<vmem_shared>>
    tpu.enqueue_indirect_dma source(%dma_start3A_49 : memref<10240x16xf32, #tpu.memory_space<vmem_shared>>) target(%dma_start3A_43 : memref<80x16xf32, #tpu.memory_space<vmem>>) offsets(%dma_start3A_46 : memref<80xi32, #tpu.memory_space<vmem>>) semaphore(%arg11 : memref<!tpu.dma_semaphore, #tpu.memory_space<semaphore_mem>>)
    %dma_start3A_50 = arith.constant 4 : i32
    %dma_start3A_51 = arith.constant 4 : i32
    %dma_start3A_52 = arith.constant 0 : i32
    %dma_start3A_53 = arith.constant 0 : i32
    %dma_start3A_54 = tpu.memref_slice %arg9[%dma_start3A_51, %dma_start3A_52, %dma_start3A_53] : memref<28x80x16xf32, #tpu.memory_space<vmem>> -> memref<1x80x16xf32, #tpu.memory_space<vmem>>
    %dma_start3A_55 = tpu.memref_squeeze %dma_start3A_54 : memref<1x80x16xf32, #tpu.memory_space<vmem>> -> memref<80x16xf32, #tpu.memory_space<vmem>>
    %dma_start3A_56 = arith.constant 0 : i32
    %dma_start3A_57 = tpu.memref_slice %arg7[%dma_start3A_50, %dma_start3A_56] : memref<125x80xi32, #tpu.memory_space<vmem>> -> memref<1x80xi32, #tpu.memory_space<vmem>>
    %dma_start3A_58 = tpu.memref_squeeze %dma_start3A_57 : memref<1x80xi32, #tpu.memory_space<vmem>> -> memref<80xi32, #tpu.memory_space<vmem>>
    %dma_start3A_59 = arith.constant 0 : i32
    %dma_start3A_60 = arith.constant 0 : i32
    %dma_start3A_61 = tpu.memref_slice %arg14[%dma_start3A_59, %dma_start3A_60] : memref<10240x16xf32, #tpu.memory_space<vmem_shared>> -> memref<10240x16xf32, #tpu.memory_space<vmem_shared>>
    tpu.enqueue_indirect_dma source(%dma_start3A_61 : memref<10240x16xf32, #tpu.memory_space<vmem_shared>>) target(%dma_start3A_55 : memref<80x16xf32, #tpu.memory_space<vmem>>) offsets(%dma_start3A_58 : memref<80xi32, #tpu.memory_space<vmem>>) semaphore(%arg11 : memref<!tpu.dma_semaphore, #tpu.memory_space<semaphore_mem>>)
    %dma_start3A_62 = arith.constant 5 : i32
    %dma_start3A_63 = arith.constant 5 : i32
    %dma_start3A_64 = arith.constant 0 : i32
    %dma_start3A_65 = arith.constant 0 : i32
    %dma_start3A_66 = tpu.memref_slice %arg9[%dma_start3A_63, %dma_start3A_64, %dma_start3A_65] : memref<28x80x16xf32, #tpu.memory_space<vmem>> -> memref<1x80x16xf32, #tpu.memory_space<vmem>>
    %dma_start3A_67 = tpu.memref_squeeze %dma_start3A_66 : memref<1x80x16xf32, #tpu.memory_space<vmem>> -> memref<80x16xf32, #tpu.memory_space<vmem>>
    %dma_start3A_68 = arith.constant 0 : i32
    %dma_start3A_69 = tpu.memref_slice %arg7[%dma_start3A_62, %dma_start3A_68] : memref<125x80xi32, #tpu.memory_space<vmem>> -> memref<1x80xi32, #tpu.memory_space<vmem>>
    %dma_start3A_70 = tpu.memref_squeeze %dma_start3A_69 : memref<1x80xi32, #tpu.memory_space<vmem>> -> memref<80xi32, #tpu.memory_space<vmem>>
    %dma_start3A_71 = arith.constant 0 : i32
    %dma_start3A_72 = arith.constant 0 : i32
    %dma_start3A_73 = tpu.memref_slice %arg14[%dma_start3A_71, %dma_start3A_72] : memref<10240x16xf32, #tpu.memory_space<vmem_shared>> -> memref<10240x16xf32, #tpu.memory_space<vmem_shared>>
    tpu.enqueue_indirect_dma source(%dma_start3A_73 : memref<10240x16xf32, #tpu.memory_space<vmem_shared>>) target(%dma_start3A_67 : memref<80x16xf32, #tpu.memory_space<vmem>>) offsets(%dma_start3A_70 : memref<80xi32, #tpu.memory_space<vmem>>) semaphore(%arg11 : memref<!tpu.dma_semaphore, #tpu.memory_space<semaphore_mem>>)
    %dma_start3A_74 = arith.constant 6 : i32
    %dma_start3A_75 = arith.constant 6 : i32
    %dma_start3A_76 = arith.constant 0 : i32
    %dma_start3A_77 = arith.constant 0 : i32
    %dma_start3A_78 = tpu.memref_slice %arg9[%dma_start3A_75, %dma_start3A_76, %dma_start3A_77] : memref<28x80x16xf32, #tpu.memory_space<vmem>> -> memref<1x80x16xf32, #tpu.memory_space<vmem>>
    %dma_start3A_79 = tpu.memref_squeeze %dma_start3A_78 : memref<1x80x16xf32, #tpu.memory_space<vmem>> -> memref<80x16xf32, #tpu.memory_space<vmem>>
    %dma_start3A_80 = arith.constant 0 : i32
    %dma_start3A_81 = tpu.memref_slice %arg7[%dma_start3A_74, %dma_start3A_80] : memref<125x80xi32, #tpu.memory_space<vmem>> -> memref<1x80xi32, #tpu.memory_space<vmem>>
    %dma_start3A_82 = tpu.memref_squeeze %dma_start3A_81 : memref<1x80xi32, #tpu.memory_space<vmem>> -> memref<80xi32, #tpu.memory_space<vmem>>
    %dma_start3A_83 = arith.constant 0 : i32
    %dma_start3A_84 = arith.constant 0 : i32
    %dma_start3A_85 = tpu.memref_slice %arg14[%dma_start3A_83, %dma_start3A_84] : memref<10240x16xf32, #tpu.memory_space<vmem_shared>> -> memref<10240x16xf32, #tpu.memory_space<vmem_shared>>
    tpu.enqueue_indirect_dma source(%dma_start3A_85 : memref<10240x16xf32, #tpu.memory_space<vmem_shared>>) target(%dma_start3A_79 : memref<80x16xf32, #tpu.memory_space<vmem>>) offsets(%dma_start3A_82 : memref<80xi32, #tpu.memory_space<vmem>>) semaphore(%arg11 : memref<!tpu.dma_semaphore, #tpu.memory_space<semaphore_mem>>)
    %dma_start3A_86 = arith.constant 7 : i32
    %dma_start3A_87 = arith.constant 7 : i32
    %dma_start3A_88 = arith.constant 0 : i32
    %dma_start3A_89 = arith.constant 0 : i32
    %dma_start3A_90 = tpu.memref_slice %arg9[%dma_start3A_87, %dma_start3A_88, %dma_start3A_89] : memref<28x80x16xf32, #tpu.memory_space<vmem>> -> memref<1x80x16xf32, #tpu.memory_space<vmem>>
    %dma_start3A_91 = tpu.memref_squeeze %dma_start3A_90 : memref<1x80x16xf32, #tpu.memory_space<vmem>> -> memref<80x16xf32, #tpu.memory_space<vmem>>
    %dma_start3A_92 = arith.constant 0 : i32
    %dma_start3A_93 = tpu.memref_slice %arg7[%dma_start3A_86, %dma_start3A_92] : memref<125x80xi32, #tpu.memory_space<vmem>> -> memref<1x80xi32, #tpu.memory_space<vmem>>
    %dma_start3A_94 = tpu.memref_squeeze %dma_start3A_93 : memref<1x80xi32, #tpu.memory_space<vmem>> -> memref<80xi32, #tpu.memory_space<vmem>>
    %dma_start3A_95 = arith.constant 0 : i32
    %dma_start3A_96 = arith.constant 0 : i32
    %dma_start3A_97 = tpu.memref_slice %arg14[%dma_start3A_95, %dma_start3A_96] : memref<10240x16xf32, #tpu.memory_space<vmem_shared>> -> memref<10240x16xf32, #tpu.memory_space<vmem_shared>>
    tpu.enqueue_indirect_dma source(%dma_start3A_97 : memref<10240x16xf32, #tpu.memory_space<vmem_shared>>) target(%dma_start3A_91 : memref<80x16xf32, #tpu.memory_space<vmem>>) offsets(%dma_start3A_94 : memref<80xi32, #tpu.memory_space<vmem>>) semaphore(%arg11 : memref<!tpu.dma_semaphore, #tpu.memory_space<semaphore_mem>>)
    %dma_start3A_98 = arith.constant 8 : i32
    %dma_start3A_99 = arith.constant 8 : i32
    %dma_start3A_100 = arith.constant 0 : i32
    %dma_start3A_101 = arith.constant 0 : i32
    %dma_start3A_102 = tpu.memref_slice %arg9[%dma_start3A_99, %dma_start3A_100, %dma_start3A_101] : memref<28x80x16xf32, #tpu.memory_space<vmem>> -> memref<1x80x16xf32, #tpu.memory_space<vmem>>
    %dma_start3A_103 = tpu.memref_squeeze %dma_start3A_102 : memref<1x80x16xf32, #tpu.memory_space<vmem>> -> memref<80x16xf32, #tpu.memory_space<vmem>>
    %dma_start3A_104 = arith.constant 0 : i32
    %dma_start3A_105 = tpu.memref_slice %arg7[%dma_start3A_98, %dma_start3A_104] : memref<125x80xi32, #tpu.memory_space<vmem>> -> memref<1x80xi32, #tpu.memory_space<vmem>>
    %dma_start3A_106 = tpu.memref_squeeze %dma_start3A_105 : memref<1x80xi32, #tpu.memory_space<vmem>> -> memref<80xi32, #tpu.memory_space<vmem>>
    %dma_start3A_107 = arith.constant 0 : i32
    %dma_start3A_108 = arith.constant 0 : i32
    %dma_start3A_109 = tpu.memref_slice %arg14[%dma_start3A_107, %dma_start3A_108] : memref<10240x16xf32, #tpu.memory_space<vmem_shared>> -> memref<10240x16xf32, #tpu.memory_space<vmem_shared>>
    tpu.enqueue_indirect_dma source(%dma_start3A_109 : memref<10240x16xf32, #tpu.memory_space<vmem_shared>>) target(%dma_start3A_103 : memref<80x16xf32, #tpu.memory_space<vmem>>) offsets(%dma_start3A_106 : memref<80xi32, #tpu.memory_space<vmem>>) semaphore(%arg11 : memref<!tpu.dma_semaphore, #tpu.memory_space<semaphore_mem>>)
    %dma_start3A_110 = arith.constant 9 : i32
    %dma_start3A_111 = arith.constant 9 : i32
    %dma_start3A_112 = arith.constant 0 : i32
    %dma_start3A_113 = arith.constant 0 : i32
    %dma_start3A_114 = tpu.memref_slice %arg9[%dma_start3A_111, %dma_start3A_112, %dma_start3A_113] : memref<28x80x16xf32, #tpu.memory_space<vmem>> -> memref<1x80x16xf32, #tpu.memory_space<vmem>>
    %dma_start3A_115 = tpu.memref_squeeze %dma_start3A_114 : memref<1x80x16xf32, #tpu.memory_space<vmem>> -> memref<80x16xf32, #tpu.memory_space<vmem>>
    %dma_start3A_116 = arith.constant 0 : i32
    %dma_start3A_117 = tpu.memref_slice %arg7[%dma_start3A_110, %dma_start3A_116] : memref<125x80xi32, #tpu.memory_space<vmem>> -> memref<1x80xi32, #tpu.memory_space<vmem>>
    %dma_start3A_118 = tpu.memref_squeeze %dma_start3A_117 : memref<1x80xi32, #tpu.memory_space<vmem>> -> memref<80xi32, #tpu.memory_space<vmem>>
    %dma_start3A_119 = arith.constant 0 : i32
    %dma_start3A_120 = arith.constant 0 : i32
    %dma_start3A_121 = tpu.memref_slice %arg14[%dma_start3A_119, %dma_start3A_120] : memref<10240x16xf32, #tpu.memory_space<vmem_shared>> -> memref<10240x16xf32, #tpu.memory_space<vmem_shared>>
    tpu.enqueue_indirect_dma source(%dma_start3A_121 : memref<10240x16xf32, #tpu.memory_space<vmem_shared>>) target(%dma_start3A_115 : memref<80x16xf32, #tpu.memory_space<vmem>>) offsets(%dma_start3A_118 : memref<80xi32, #tpu.memory_space<vmem>>) semaphore(%arg11 : memref<!tpu.dma_semaphore, #tpu.memory_space<semaphore_mem>>)
    %dma_start3A_122 = arith.constant 10 : i32
    %dma_start3A_123 = arith.constant 10 : i32
    %dma_start3A_124 = arith.constant 0 : i32
    %dma_start3A_125 = arith.constant 0 : i32
    %dma_start3A_126 = tpu.memref_slice %arg9[%dma_start3A_123, %dma_start3A_124, %dma_start3A_125] : memref<28x80x16xf32, #tpu.memory_space<vmem>> -> memref<1x80x16xf32, #tpu.memory_space<vmem>>
    %dma_start3A_127 = tpu.memref_squeeze %dma_start3A_126 : memref<1x80x16xf32, #tpu.memory_space<vmem>> -> memref<80x16xf32, #tpu.memory_space<vmem>>
    %dma_start3A_128 = arith.constant 0 : i32
    %dma_start3A_129 = tpu.memref_slice %arg7[%dma_start3A_122, %dma_start3A_128] : memref<125x80xi32, #tpu.memory_space<vmem>> -> memref<1x80xi32, #tpu.memory_space<vmem>>
    %dma_start3A_130 = tpu.memref_squeeze %dma_start3A_129 : memref<1x80xi32, #tpu.memory_space<vmem>> -> memref<80xi32, #tpu.memory_space<vmem>>
    %dma_start3A_131 = arith.constant 0 : i32
    %dma_start3A_132 = arith.constant 0 : i32
    %dma_start3A_133 = tpu.memref_slice %arg14[%dma_start3A_131, %dma_start3A_132] : memref<10240x16xf32, #tpu.memory_space<vmem_shared>> -> memref<10240x16xf32, #tpu.memory_space<vmem_shared>>
    tpu.enqueue_indirect_dma source(%dma_start3A_133 : memref<10240x16xf32, #tpu.memory_space<vmem_shared>>) target(%dma_start3A_127 : memref<80x16xf32, #tpu.memory_space<vmem>>) offsets(%dma_start3A_130 : memref<80xi32, #tpu.memory_space<vmem>>) semaphore(%arg11 : memref<!tpu.dma_semaphore, #tpu.memory_space<semaphore_mem>>)
    %dma_start3A_134 = arith.constant 11 : i32
    %dma_start3A_135 = arith.constant 11 : i32
    %dma_start3A_136 = arith.constant 0 : i32
    %dma_start3A_137 = arith.constant 0 : i32
    %dma_start3A_138 = tpu.memref_slice %arg9[%dma_start3A_135, %dma_start3A_136, %dma_start3A_137] : memref<28x80x16xf32, #tpu.memory_space<vmem>> -> memref<1x80x16xf32, #tpu.memory_space<vmem>>
    %dma_start3A_139 = tpu.memref_squeeze %dma_start3A_138 : memref<1x80x16xf32, #tpu.memory_space<vmem>> -> memref<80x16xf32, #tpu.memory_space<vmem>>
    %dma_start3A_140 = arith.constant 0 : i32
    %dma_start3A_141 = tpu.memref_slice %arg7[%dma_start3A_134, %dma_start3A_140] : memref<125x80xi32, #tpu.memory_space<vmem>> -> memref<1x80xi32, #tpu.memory_space<vmem>>
    %dma_start3A_142 = tpu.memref_squeeze %dma_start3A_141 : memref<1x80xi32, #tpu.memory_space<vmem>> -> memref<80xi32, #tpu.memory_space<vmem>>
    %dma_start3A_143 = arith.constant 0 : i32
    %dma_start3A_144 = arith.constant 0 : i32
    %dma_start3A_145 = tpu.memref_slice %arg14[%dma_start3A_143, %dma_start3A_144] : memref<10240x16xf32, #tpu.memory_space<vmem_shared>> -> memref<10240x16xf32, #tpu.memory_space<vmem_shared>>
    tpu.enqueue_indirect_dma source(%dma_start3A_145 : memref<10240x16xf32, #tpu.memory_space<vmem_shared>>) target(%dma_start3A_139 : memref<80x16xf32, #tpu.memory_space<vmem>>) offsets(%dma_start3A_142 : memref<80xi32, #tpu.memory_space<vmem>>) semaphore(%arg11 : memref<!tpu.dma_semaphore, #tpu.memory_space<semaphore_mem>>)
    %dma_start3A_146 = arith.constant 12 : i32
    %dma_start3A_147 = arith.constant 12 : i32
    %dma_start3A_148 = arith.constant 0 : i32
    %dma_start3A_149 = arith.constant 0 : i32
    %dma_start3A_150 = tpu.memref_slice %arg9[%dma_start3A_147, %dma_start3A_148, %dma_start3A_149] : memref<28x80x16xf32, #tpu.memory_space<vmem>> -> memref<1x80x16xf32, #tpu.memory_space<vmem>>
    %dma_start3A_151 = tpu.memref_squeeze %dma_start3A_150 : memref<1x80x16xf32, #tpu.memory_space<vmem>> -> memref<80x16xf32, #tpu.memory_space<vmem>>
    %dma_start3A_152 = arith.constant 0 : i32
    %dma_start3A_153 = tpu.memref_slice %arg7[%dma_start3A_146, %dma_start3A_152] : memref<125x80xi32, #tpu.memory_space<vmem>> -> memref<1x80xi32, #tpu.memory_space<vmem>>
    %dma_start3A_154 = tpu.memref_squeeze %dma_start3A_153 : memref<1x80xi32, #tpu.memory_space<vmem>> -> memref<80xi32, #tpu.memory_space<vmem>>
    %dma_start3A_155 = arith.constant 0 : i32
    %dma_start3A_156 = arith.constant 0 : i32
    %dma_start3A_157 = tpu.memref_slice %arg14[%dma_start3A_155, %dma_start3A_156] : memref<10240x16xf32, #tpu.memory_space<vmem_shared>> -> memref<10240x16xf32, #tpu.memory_space<vmem_shared>>
    tpu.enqueue_indirect_dma source(%dma_start3A_157 : memref<10240x16xf32, #tpu.memory_space<vmem_shared>>) target(%dma_start3A_151 : memref<80x16xf32, #tpu.memory_space<vmem>>) offsets(%dma_start3A_154 : memref<80xi32, #tpu.memory_space<vmem>>) semaphore(%arg11 : memref<!tpu.dma_semaphore, #tpu.memory_space<semaphore_mem>>)
    %dma_start3A_158 = arith.constant 13 : i32
    %dma_start3A_159 = arith.constant 13 : i32
    %dma_start3A_160 = arith.constant 0 : i32
    %dma_start3A_161 = arith.constant 0 : i32
    %dma_start3A_162 = tpu.memref_slice %arg9[%dma_start3A_159, %dma_start3A_160, %dma_start3A_161] : memref<28x80x16xf32, #tpu.memory_space<vmem>> -> memref<1x80x16xf32, #tpu.memory_space<vmem>>
    %dma_start3A_163 = tpu.memref_squeeze %dma_start3A_162 : memref<1x80x16xf32, #tpu.memory_space<vmem>> -> memref<80x16xf32, #tpu.memory_space<vmem>>
    %dma_start3A_164 = arith.constant 0 : i32
    %dma_start3A_165 = tpu.memref_slice %arg7[%dma_start3A_158, %dma_start3A_164] : memref<125x80xi32, #tpu.memory_space<vmem>> -> memref<1x80xi32, #tpu.memory_space<vmem>>
    %dma_start3A_166 = tpu.memref_squeeze %dma_start3A_165 : memref<1x80xi32, #tpu.memory_space<vmem>> -> memref<80xi32, #tpu.memory_space<vmem>>
    %dma_start3A_167 = arith.constant 0 : i32
    %dma_start3A_168 = arith.constant 0 : i32
    %dma_start3A_169 = tpu.memref_slice %arg14[%dma_start3A_167, %dma_start3A_168] : memref<10240x16xf32, #tpu.memory_space<vmem_shared>> -> memref<10240x16xf32, #tpu.memory_space<vmem_shared>>
    tpu.enqueue_indirect_dma source(%dma_start3A_169 : memref<10240x16xf32, #tpu.memory_space<vmem_shared>>) target(%dma_start3A_163 : memref<80x16xf32, #tpu.memory_space<vmem>>) offsets(%dma_start3A_166 : memref<80xi32, #tpu.memory_space<vmem>>) semaphore(%arg11 : memref<!tpu.dma_semaphore, #tpu.memory_space<semaphore_mem>>)
    %scan3A = arith.constant 0 : i32
    %scan3A_170 = arith.constant 0 : i32
    %scan3A_171 = arith.constant 125 : i32
    %scan3A_172 = arith.addi %scan3A_170, %scan3A_171 : i32
    %scan3A_173 = arith.constant 1 : i32
    scf.for %scan3A_511 = %scan3A_170 to %scan3A_172 step %scan3A_173  : i32 {
      %add3A_512 = arith.constant 14 : i32
      %add3A_513 = arith.addi %scan3A_511, %add3A_512 : i32
      %ge3A = arith.constant 28 : i32
      %ge3A_514 = arith.cmpi sge, %add3A_513, %ge3A : i32
      %add3A_515 = arith.constant 14 : i32
      %add3A_516 = arith.addi %scan3A_511, %add3A_515 : i32
      %lt3A = arith.constant 125 : i32
      %lt3A_517 = arith.cmpi slt, %add3A_516, %lt3A : i32
      %and3A = arith.andi %ge3A_514, %lt3A_517 : i1
      %convert_element_type3A = arith.extui %and3A : i1 to i32
      %cond3A = arith.constant 0 : i32
      %cond3A_518 = arith.cmpi ne, %convert_element_type3A, %cond3A : i32
      scf.if %cond3A_518 {
        %add3A_573 = arith.constant 14 : i32
        %add3A_574 = arith.addi %scan3A_511, %add3A_573 : i32
        %jit3A_575 = arith.constant 28 : i32
        %eq3A_576 = arith.constant 0 : i32
        %eq3A_577 = arith.cmpi eq, %jit3A_575, %eq3A_576 : i32
        %jit3A_578 = arith.constant 1 : i32
        %select_n3A_579 = arith.select %eq3A_577, %jit3A_578, %jit3A_575 : i32
        %rem3A_580 = arith.remsi %add3A_574, %select_n3A_579 : i32
        %ne3A_581 = arith.constant 0 : i32
        %ne3A_582 = arith.cmpi ne, %rem3A_580, %ne3A_581 : i32
        %lt3A_583 = arith.constant 0 : i32
        %lt3A_584 = arith.cmpi slt, %rem3A_580, %lt3A_583 : i32
        %lt3A_585 = arith.constant 0 : i32
        %lt3A_586 = arith.cmpi slt, %select_n3A_579, %lt3A_585 : i32
        %ne3A_587 = arith.xori %lt3A_584, %lt3A_586 : i1
        %and3A_588 = arith.andi %ne3A_587, %ne3A_582 : i1
        %add3A_589 = arith.addi %rem3A_580, %select_n3A_579 : i32
        %select_n3A_590 = arith.select %and3A_588, %add3A_589, %rem3A_580 : i32
        %add3A_591 = arith.constant 14 : i32
        %add3A_592 = arith.addi %scan3A_511, %add3A_591 : i32
        %sub3A = arith.constant 28 : i32
        %sub3A_593 = arith.subi %add3A_592, %sub3A : i32
        %dma_wait3A_594 = arith.constant 0 : i32
        %dma_wait3A_595 = arith.constant 0 : i32
        %dma_wait3A_596 = tpu.memref_slice %arg9[%select_n3A_590, %dma_wait3A_594, %dma_wait3A_595] : memref<28x80x16xf32, #tpu.memory_space<vmem>> -> memref<1x80x16xf32, #tpu.memory_space<vmem>>
        %dma_wait3A_597 = tpu.memref_squeeze %dma_wait3A_596 : memref<1x80x16xf32, #tpu.memory_space<vmem>> -> memref<80x16xf32, #tpu.memory_space<vmem>>
        %dma_wait3A_598 = arith.constant 0 : i32
        %dma_wait3A_599 = tpu.memref_slice %arg8[%sub3A_593, %dma_wait3A_598] : memref<125x80xi32, #tpu.memory_space<vmem>> -> memref<1x80xi32, #tpu.memory_space<vmem>>
        %dma_wait3A_600 = tpu.memref_squeeze %dma_wait3A_599 : memref<1x80xi32, #tpu.memory_space<vmem>> -> memref<80xi32, #tpu.memory_space<vmem>>
        %dma_wait3A_601 = arith.constant 0 : i32
        %dma_wait3A_602 = arith.constant 0 : i32
        %dma_wait3A_603 = tpu.memref_slice %arg10[%dma_wait3A_601, %dma_wait3A_602] : memref<10240x16xf32, #tpu.memory_space<vmem_shared>> -> memref<10240x16xf32, #tpu.memory_space<vmem_shared>>
        tpu.wait_indirect_dma semaphore(%arg12 : memref<!tpu.dma_semaphore, #tpu.memory_space<semaphore_mem>>) src(%dma_wait3A_597 : memref<80x16xf32, #tpu.memory_space<vmem>>) dst(%dma_wait3A_603 : memref<10240x16xf32, #tpu.memory_space<vmem_shared>>)
      } else {
      }
      %add3A_519 = arith.constant 14 : i32
      %add3A_520 = arith.addi %scan3A_511, %add3A_519 : i32
      %lt3A_521 = arith.constant 125 : i32
      %lt3A_522 = arith.cmpi slt, %add3A_520, %lt3A_521 : i32
      %convert_element_type3A_523 = arith.extui %lt3A_522 : i1 to i32
      %cond3A_524 = arith.constant 0 : i32
      %cond3A_525 = arith.cmpi ne, %convert_element_type3A_523, %cond3A_524 : i32
      scf.if %cond3A_525 {
        %add3A_573 = arith.constant 14 : i32
        %add3A_574 = arith.addi %scan3A_511, %add3A_573 : i32
        %add3A_575 = arith.constant 14 : i32
        %add3A_576 = arith.addi %scan3A_511, %add3A_575 : i32
        %jit3A_577 = arith.constant 28 : i32
        %eq3A_578 = arith.constant 0 : i32
        %eq3A_579 = arith.cmpi eq, %jit3A_577, %eq3A_578 : i32
        %jit3A_580 = arith.constant 1 : i32
        %select_n3A_581 = arith.select %eq3A_579, %jit3A_580, %jit3A_577 : i32
        %rem3A_582 = arith.remsi %add3A_576, %select_n3A_581 : i32
        %ne3A_583 = arith.constant 0 : i32
        %ne3A_584 = arith.cmpi ne, %rem3A_582, %ne3A_583 : i32
        %lt3A_585 = arith.constant 0 : i32
        %lt3A_586 = arith.cmpi slt, %rem3A_582, %lt3A_585 : i32
        %lt3A_587 = arith.constant 0 : i32
        %lt3A_588 = arith.cmpi slt, %select_n3A_581, %lt3A_587 : i32
        %ne3A_589 = arith.xori %lt3A_586, %lt3A_588 : i1
        %and3A_590 = arith.andi %ne3A_589, %ne3A_584 : i1
        %add3A_591 = arith.addi %rem3A_582, %select_n3A_581 : i32
        %select_n3A_592 = arith.select %and3A_590, %add3A_591, %rem3A_582 : i32
        %dma_start3A_593 = arith.constant 0 : i32
        %dma_start3A_594 = arith.constant 0 : i32
        %dma_start3A_595 = tpu.memref_slice %arg9[%select_n3A_592, %dma_start3A_593, %dma_start3A_594] : memref<28x80x16xf32, #tpu.memory_space<vmem>> -> memref<1x80x16xf32, #tpu.memory_space<vmem>>
        %dma_start3A_596 = tpu.memref_squeeze %dma_start3A_595 : memref<1x80x16xf32, #tpu.memory_space<vmem>> -> memref<80x16xf32, #tpu.memory_space<vmem>>
        %dma_start3A_597 = arith.constant 0 : i32
        %dma_start3A_598 = tpu.memref_slice %arg7[%add3A_574, %dma_start3A_597] : memref<125x80xi32, #tpu.memory_space<vmem>> -> memref<1x80xi32, #tpu.memory_space<vmem>>
        %dma_start3A_599 = tpu.memref_squeeze %dma_start3A_598 : memref<1x80xi32, #tpu.memory_space<vmem>> -> memref<80xi32, #tpu.memory_space<vmem>>
        %dma_start3A_600 = arith.constant 0 : i32
        %dma_start3A_601 = arith.constant 0 : i32
        %dma_start3A_602 = tpu.memref_slice %arg14[%dma_start3A_600, %dma_start3A_601] : memref<10240x16xf32, #tpu.memory_space<vmem_shared>> -> memref<10240x16xf32, #tpu.memory_space<vmem_shared>>
        tpu.enqueue_indirect_dma source(%dma_start3A_602 : memref<10240x16xf32, #tpu.memory_space<vmem_shared>>) target(%dma_start3A_596 : memref<80x16xf32, #tpu.memory_space<vmem>>) offsets(%dma_start3A_599 : memref<80xi32, #tpu.memory_space<vmem>>) semaphore(%arg11 : memref<!tpu.dma_semaphore, #tpu.memory_space<semaphore_mem>>)
      } else {
      }
      %jit3A = arith.constant 28 : i32
      %eq3A = arith.constant 0 : i32
      %eq3A_526 = arith.cmpi eq, %jit3A, %eq3A : i32
      %jit3A_527 = arith.constant 1 : i32
      %select_n3A = arith.select %eq3A_526, %jit3A_527, %jit3A : i32
      %rem3A = arith.remsi %scan3A_511, %select_n3A : i32
      %ne3A = arith.constant 0 : i32
      %ne3A_528 = arith.cmpi ne, %rem3A, %ne3A : i32
      %lt3A_529 = arith.constant 0 : i32
      %lt3A_530 = arith.cmpi slt, %rem3A, %lt3A_529 : i32
      %lt3A_531 = arith.constant 0 : i32
      %lt3A_532 = arith.cmpi slt, %select_n3A, %lt3A_531 : i32
      %ne3A_533 = arith.xori %lt3A_530, %lt3A_532 : i1
      %and3A_534 = arith.andi %ne3A_533, %ne3A_528 : i1
      %add3A_535 = arith.addi %rem3A, %select_n3A : i32
      %select_n3A_536 = arith.select %and3A_534, %add3A_535, %rem3A : i32
      %dma_wait3A_537 = arith.constant 0 : i32
      %dma_wait3A_538 = arith.constant 0 : i32
      %dma_wait3A_539 = tpu.memref_slice %arg9[%select_n3A_536, %dma_wait3A_537, %dma_wait3A_538] : memref<28x80x16xf32, #tpu.memory_space<vmem>> -> memref<1x80x16xf32, #tpu.memory_space<vmem>>
      %dma_wait3A_540 = tpu.memref_squeeze %dma_wait3A_539 : memref<1x80x16xf32, #tpu.memory_space<vmem>> -> memref<80x16xf32, #tpu.memory_space<vmem>>
      %dma_wait3A_541 = arith.constant 0 : i32
      %dma_wait3A_542 = tpu.memref_slice %arg7[%scan3A_511, %dma_wait3A_541] : memref<125x80xi32, #tpu.memory_space<vmem>> -> memref<1x80xi32, #tpu.memory_space<vmem>>
      %dma_wait3A_543 = tpu.memref_squeeze %dma_wait3A_542 : memref<1x80xi32, #tpu.memory_space<vmem>> -> memref<80xi32, #tpu.memory_space<vmem>>
      %dma_wait3A_544 = arith.constant 0 : i32
      %dma_wait3A_545 = arith.constant 0 : i32
      %dma_wait3A_546 = tpu.memref_slice %arg14[%dma_wait3A_544, %dma_wait3A_545] : memref<10240x16xf32, #tpu.memory_space<vmem_shared>> -> memref<10240x16xf32, #tpu.memory_space<vmem_shared>>
      tpu.wait_indirect_dma semaphore(%arg11 : memref<!tpu.dma_semaphore, #tpu.memory_space<semaphore_mem>>) src(%dma_wait3A_546 : memref<10240x16xf32, #tpu.memory_space<vmem_shared>>) dst(%dma_wait3A_540 : memref<80x16xf32, #tpu.memory_space<vmem>>)
      %jit3A_547 = arith.constant 28 : i32
      %eq3A_548 = arith.constant 0 : i32
      %eq3A_549 = arith.cmpi eq, %jit3A_547, %eq3A_548 : i32
      %jit3A_550 = arith.constant 1 : i32
      %select_n3A_551 = arith.select %eq3A_549, %jit3A_550, %jit3A_547 : i32
      %rem3A_552 = arith.remsi %scan3A_511, %select_n3A_551 : i32
      %ne3A_553 = arith.constant 0 : i32
      %ne3A_554 = arith.cmpi ne, %rem3A_552, %ne3A_553 : i32
      %lt3A_555 = arith.constant 0 : i32
      %lt3A_556 = arith.cmpi slt, %rem3A_552, %lt3A_555 : i32
      %lt3A_557 = arith.constant 0 : i32
      %lt3A_558 = arith.cmpi slt, %select_n3A_551, %lt3A_557 : i32
      %ne3A_559 = arith.xori %lt3A_556, %lt3A_558 : i1
      %and3A_560 = arith.andi %ne3A_559, %ne3A_554 : i1
      %add3A_561 = arith.addi %rem3A_552, %select_n3A_551 : i32
      %select_n3A_562 = arith.select %and3A_560, %add3A_561, %rem3A_552 : i32
      %dma_start3A_563 = arith.constant 0 : i32
      %dma_start3A_564 = arith.constant 0 : i32
      %dma_start3A_565 = tpu.memref_slice %arg9[%select_n3A_562, %dma_start3A_563, %dma_start3A_564] : memref<28x80x16xf32, #tpu.memory_space<vmem>> -> memref<1x80x16xf32, #tpu.memory_space<vmem>>
      %dma_start3A_566 = tpu.memref_squeeze %dma_start3A_565 : memref<1x80x16xf32, #tpu.memory_space<vmem>> -> memref<80x16xf32, #tpu.memory_space<vmem>>
      %dma_start3A_567 = arith.constant 0 : i32
      %dma_start3A_568 = tpu.memref_slice %arg8[%scan3A_511, %dma_start3A_567] : memref<125x80xi32, #tpu.memory_space<vmem>> -> memref<1x80xi32, #tpu.memory_space<vmem>>
      %dma_start3A_569 = tpu.memref_squeeze %dma_start3A_568 : memref<1x80xi32, #tpu.memory_space<vmem>> -> memref<80xi32, #tpu.memory_space<vmem>>
      %dma_start3A_570 = arith.constant 0 : i32
      %dma_start3A_571 = arith.constant 0 : i32
      %dma_start3A_572 = tpu.memref_slice %arg10[%dma_start3A_570, %dma_start3A_571] : memref<10240x16xf32, #tpu.memory_space<vmem_shared>> -> memref<10240x16xf32, #tpu.memory_space<vmem_shared>>
      tpu.enqueue_indirect_dma source(%dma_start3A_566 : memref<80x16xf32, #tpu.memory_space<vmem>>) target(%dma_start3A_572 : memref<10240x16xf32, #tpu.memory_space<vmem_shared>>) offsets(%dma_start3A_569 : memref<80xi32, #tpu.memory_space<vmem>>) semaphore(%arg12 : memref<!tpu.dma_semaphore, #tpu.memory_space<semaphore_mem>>) {add = true}
    }
    %scan3A_174 = arith.constant 125 : i32
    %dma_wait3A = arith.constant 13 : i32
    %dma_wait3A_175 = arith.constant 97 : i32
    %dma_wait3A_176 = arith.constant 0 : i32
    %dma_wait3A_177 = arith.constant 0 : i32
    %dma_wait3A_178 = tpu.memref_slice %arg9[%dma_wait3A, %dma_wait3A_176, %dma_wait3A_177] : memref<28x80x16xf32, #tpu.memory_space<vmem>> -> memref<1x80x16xf32, #tpu.memory_space<vmem>>
    %dma_wait3A_179 = tpu.memref_squeeze %dma_wait3A_178 : memref<1x80x16xf32, #tpu.memory_space<vmem>> -> memref<80x16xf32, #tpu.memory_space<vmem>>
    %dma_wait3A_180 = arith.constant 0 : i32
    %dma_wait3A_181 = tpu.memref_slice %arg8[%dma_wait3A_175, %dma_wait3A_180] : memref<125x80xi32, #tpu.memory_space<vmem>> -> memref<1x80xi32, #tpu.memory_space<vmem>>
    %dma_wait3A_182 = tpu.memref_squeeze %dma_wait3A_181 : memref<1x80xi32, #tpu.memory_space<vmem>> -> memref<80xi32, #tpu.memory_space<vmem>>
    %dma_wait3A_183 = arith.constant 0 : i32
    %dma_wait3A_184 = arith.constant 0 : i32
    %dma_wait3A_185 = tpu.memref_slice %arg10[%dma_wait3A_183, %dma_wait3A_184] : memref<10240x16xf32, #tpu.memory_space<vmem_shared>> -> memref<10240x16xf32, #tpu.memory_space<vmem_shared>>
    tpu.wait_indirect_dma semaphore(%arg12 : memref<!tpu.dma_semaphore, #tpu.memory_space<semaphore_mem>>) src(%dma_wait3A_179 : memref<80x16xf32, #tpu.memory_space<vmem>>) dst(%dma_wait3A_185 : memref<10240x16xf32, #tpu.memory_space<vmem_shared>>)
    %dma_wait3A_186 = arith.constant 14 : i32
    %dma_wait3A_187 = arith.constant 98 : i32
    %dma_wait3A_188 = arith.constant 0 : i32
    %dma_wait3A_189 = arith.constant 0 : i32
    %dma_wait3A_190 = tpu.memref_slice %arg9[%dma_wait3A_186, %dma_wait3A_188, %dma_wait3A_189] : memref<28x80x16xf32, #tpu.memory_space<vmem>> -> memref<1x80x16xf32, #tpu.memory_space<vmem>>
    %dma_wait3A_191 = tpu.memref_squeeze %dma_wait3A_190 : memref<1x80x16xf32, #tpu.memory_space<vmem>> -> memref<80x16xf32, #tpu.memory_space<vmem>>
    %dma_wait3A_192 = arith.constant 0 : i32
    %dma_wait3A_193 = tpu.memref_slice %arg8[%dma_wait3A_187, %dma_wait3A_192] : memref<125x80xi32, #tpu.memory_space<vmem>> -> memref<1x80xi32, #tpu.memory_space<vmem>>
    %dma_wait3A_194 = tpu.memref_squeeze %dma_wait3A_193 : memref<1x80xi32, #tpu.memory_space<vmem>> -> memref<80xi32, #tpu.memory_space<vmem>>
    %dma_wait3A_195 = arith.constant 0 : i32
    %dma_wait3A_196 = arith.constant 0 : i32
    %dma_wait3A_197 = tpu.memref_slice %arg10[%dma_wait3A_195, %dma_wait3A_196] : memref<10240x16xf32, #tpu.memory_space<vmem_shared>> -> memref<10240x16xf32, #tpu.memory_space<vmem_shared>>
    tpu.wait_indirect_dma semaphore(%arg12 : memref<!tpu.dma_semaphore, #tpu.memory_space<semaphore_mem>>) src(%dma_wait3A_191 : memref<80x16xf32, #tpu.memory_space<vmem>>) dst(%dma_wait3A_197 : memref<10240x16xf32, #tpu.memory_space<vmem_shared>>)
    %dma_wait3A_198 = arith.constant 15 : i32
    %dma_wait3A_199 = arith.constant 99 : i32
    %dma_wait3A_200 = arith.constant 0 : i32
    %dma_wait3A_201 = arith.constant 0 : i32
    %dma_wait3A_202 = tpu.memref_slice %arg9[%dma_wait3A_198, %dma_wait3A_200, %dma_wait3A_201] : memref<28x80x16xf32, #tpu.memory_space<vmem>> -> memref<1x80x16xf32, #tpu.memory_space<vmem>>
    %dma_wait3A_203 = tpu.memref_squeeze %dma_wait3A_202 : memref<1x80x16xf32, #tpu.memory_space<vmem>> -> memref<80x16xf32, #tpu.memory_space<vmem>>
    %dma_wait3A_204 = arith.constant 0 : i32
    %dma_wait3A_205 = tpu.memref_slice %arg8[%dma_wait3A_199, %dma_wait3A_204] : memref<125x80xi32, #tpu.memory_space<vmem>> -> memref<1x80xi32, #tpu.memory_space<vmem>>
    %dma_wait3A_206 = tpu.memref_squeeze %dma_wait3A_205 : memref<1x80xi32, #tpu.memory_space<vmem>> -> memref<80xi32, #tpu.memory_space<vmem>>
    %dma_wait3A_207 = arith.constant 0 : i32
    %dma_wait3A_208 = arith.constant 0 : i32
    %dma_wait3A_209 = tpu.memref_slice %arg10[%dma_wait3A_207, %dma_wait3A_208] : memref<10240x16xf32, #tpu.memory_space<vmem_shared>> -> memref<10240x16xf32, #tpu.memory_space<vmem_shared>>
    tpu.wait_indirect_dma semaphore(%arg12 : memref<!tpu.dma_semaphore, #tpu.memory_space<semaphore_mem>>) src(%dma_wait3A_203 : memref<80x16xf32, #tpu.memory_space<vmem>>) dst(%dma_wait3A_209 : memref<10240x16xf32, #tpu.memory_space<vmem_shared>>)
    %dma_wait3A_210 = arith.constant 16 : i32
    %dma_wait3A_211 = arith.constant 100 : i32
    %dma_wait3A_212 = arith.constant 0 : i32
    %dma_wait3A_213 = arith.constant 0 : i32
    %dma_wait3A_214 = tpu.memref_slice %arg9[%dma_wait3A_210, %dma_wait3A_212, %dma_wait3A_213] : memref<28x80x16xf32, #tpu.memory_space<vmem>> -> memref<1x80x16xf32, #tpu.memory_space<vmem>>
    %dma_wait3A_215 = tpu.memref_squeeze %dma_wait3A_214 : memref<1x80x16xf32, #tpu.memory_space<vmem>> -> memref<80x16xf32, #tpu.memory_space<vmem>>
    %dma_wait3A_216 = arith.constant 0 : i32
    %dma_wait3A_217 = tpu.memref_slice %arg8[%dma_wait3A_211, %dma_wait3A_216] : memref<125x80xi32, #tpu.memory_space<vmem>> -> memref<1x80xi32, #tpu.memory_space<vmem>>
    %dma_wait3A_218 = tpu.memref_squeeze %dma_wait3A_217 : memref<1x80xi32, #tpu.memory_space<vmem>> -> memref<80xi32, #tpu.memory_space<vmem>>
    %dma_wait3A_219 = arith.constant 0 : i32
    %dma_wait3A_220 = arith.constant 0 : i32
    %dma_wait3A_221 = tpu.memref_slice %arg10[%dma_wait3A_219, %dma_wait3A_220] : memref<10240x16xf32, #tpu.memory_space<vmem_shared>> -> memref<10240x16xf32, #tpu.memory_space<vmem_shared>>
    tpu.wait_indirect_dma semaphore(%arg12 : memref<!tpu.dma_semaphore, #tpu.memory_space<semaphore_mem>>) src(%dma_wait3A_215 : memref<80x16xf32, #tpu.memory_space<vmem>>) dst(%dma_wait3A_221 : memref<10240x16xf32, #tpu.memory_space<vmem_shared>>)
    %dma_wait3A_222 = arith.constant 17 : i32
    %dma_wait3A_223 = arith.constant 101 : i32
    %dma_wait3A_224 = arith.constant 0 : i32
    %dma_wait3A_225 = arith.constant 0 : i32
    %dma_wait3A_226 = tpu.memref_slice %arg9[%dma_wait3A_222, %dma_wait3A_224, %dma_wait3A_225] : memref<28x80x16xf32, #tpu.memory_space<vmem>> -> memref<1x80x16xf32, #tpu.memory_space<vmem>>
    %dma_wait3A_227 = tpu.memref_squeeze %dma_wait3A_226 : memref<1x80x16xf32, #tpu.memory_space<vmem>> -> memref<80x16xf32, #tpu.memory_space<vmem>>
    %dma_wait3A_228 = arith.constant 0 : i32
    %dma_wait3A_229 = tpu.memref_slice %arg8[%dma_wait3A_223, %dma_wait3A_228] : memref<125x80xi32, #tpu.memory_space<vmem>> -> memref<1x80xi32, #tpu.memory_space<vmem>>
    %dma_wait3A_230 = tpu.memref_squeeze %dma_wait3A_229 : memref<1x80xi32, #tpu.memory_space<vmem>> -> memref<80xi32, #tpu.memory_space<vmem>>
    %dma_wait3A_231 = arith.constant 0 : i32
    %dma_wait3A_232 = arith.constant 0 : i32
    %dma_wait3A_233 = tpu.memref_slice %arg10[%dma_wait3A_231, %dma_wait3A_232] : memref<10240x16xf32, #tpu.memory_space<vmem_shared>> -> memref<10240x16xf32, #tpu.memory_space<vmem_shared>>
    tpu.wait_indirect_dma semaphore(%arg12 : memref<!tpu.dma_semaphore, #tpu.memory_space<semaphore_mem>>) src(%dma_wait3A_227 : memref<80x16xf32, #tpu.memory_space<vmem>>) dst(%dma_wait3A_233 : memref<10240x16xf32, #tpu.memory_space<vmem_shared>>)
    %dma_wait3A_234 = arith.constant 18 : i32
    %dma_wait3A_235 = arith.constant 102 : i32
    %dma_wait3A_236 = arith.constant 0 : i32
    %dma_wait3A_237 = arith.constant 0 : i32
    %dma_wait3A_238 = tpu.memref_slice %arg9[%dma_wait3A_234, %dma_wait3A_236, %dma_wait3A_237] : memref<28x80x16xf32, #tpu.memory_space<vmem>> -> memref<1x80x16xf32, #tpu.memory_space<vmem>>
    %dma_wait3A_239 = tpu.memref_squeeze %dma_wait3A_238 : memref<1x80x16xf32, #tpu.memory_space<vmem>> -> memref<80x16xf32, #tpu.memory_space<vmem>>
    %dma_wait3A_240 = arith.constant 0 : i32
    %dma_wait3A_241 = tpu.memref_slice %arg8[%dma_wait3A_235, %dma_wait3A_240] : memref<125x80xi32, #tpu.memory_space<vmem>> -> memref<1x80xi32, #tpu.memory_space<vmem>>
    %dma_wait3A_242 = tpu.memref_squeeze %dma_wait3A_241 : memref<1x80xi32, #tpu.memory_space<vmem>> -> memref<80xi32, #tpu.memory_space<vmem>>
    %dma_wait3A_243 = arith.constant 0 : i32
    %dma_wait3A_244 = arith.constant 0 : i32
    %dma_wait3A_245 = tpu.memref_slice %arg10[%dma_wait3A_243, %dma_wait3A_244] : memref<10240x16xf32, #tpu.memory_space<vmem_shared>> -> memref<10240x16xf32, #tpu.memory_space<vmem_shared>>
    tpu.wait_indirect_dma semaphore(%arg12 : memref<!tpu.dma_semaphore, #tpu.memory_space<semaphore_mem>>) src(%dma_wait3A_239 : memref<80x16xf32, #tpu.memory_space<vmem>>) dst(%dma_wait3A_245 : memref<10240x16xf32, #tpu.memory_space<vmem_shared>>)
    %dma_wait3A_246 = arith.constant 19 : i32
    %dma_wait3A_247 = arith.constant 103 : i32
    %dma_wait3A_248 = arith.constant 0 : i32
    %dma_wait3A_249 = arith.constant 0 : i32
    %dma_wait3A_250 = tpu.memref_slice %arg9[%dma_wait3A_246, %dma_wait3A_248, %dma_wait3A_249] : memref<28x80x16xf32, #tpu.memory_space<vmem>> -> memref<1x80x16xf32, #tpu.memory_space<vmem>>
    %dma_wait3A_251 = tpu.memref_squeeze %dma_wait3A_250 : memref<1x80x16xf32, #tpu.memory_space<vmem>> -> memref<80x16xf32, #tpu.memory_space<vmem>>
    %dma_wait3A_252 = arith.constant 0 : i32
    %dma_wait3A_253 = tpu.memref_slice %arg8[%dma_wait3A_247, %dma_wait3A_252] : memref<125x80xi32, #tpu.memory_space<vmem>> -> memref<1x80xi32, #tpu.memory_space<vmem>>
    %dma_wait3A_254 = tpu.memref_squeeze %dma_wait3A_253 : memref<1x80xi32, #tpu.memory_space<vmem>> -> memref<80xi32, #tpu.memory_space<vmem>>
    %dma_wait3A_255 = arith.constant 0 : i32
    %dma_wait3A_256 = arith.constant 0 : i32
    %dma_wait3A_257 = tpu.memref_slice %arg10[%dma_wait3A_255, %dma_wait3A_256] : memref<10240x16xf32, #tpu.memory_space<vmem_shared>> -> memref<10240x16xf32, #tpu.memory_space<vmem_shared>>
    tpu.wait_indirect_dma semaphore(%arg12 : memref<!tpu.dma_semaphore, #tpu.memory_space<semaphore_mem>>) src(%dma_wait3A_251 : memref<80x16xf32, #tpu.memory_space<vmem>>) dst(%dma_wait3A_257 : memref<10240x16xf32, #tpu.memory_space<vmem_shared>>)
    %dma_wait3A_258 = arith.constant 20 : i32
    %dma_wait3A_259 = arith.constant 104 : i32
    %dma_wait3A_260 = arith.constant 0 : i32
    %dma_wait3A_261 = arith.constant 0 : i32
    %dma_wait3A_262 = tpu.memref_slice %arg9[%dma_wait3A_258, %dma_wait3A_260, %dma_wait3A_261] : memref<28x80x16xf32, #tpu.memory_space<vmem>> -> memref<1x80x16xf32, #tpu.memory_space<vmem>>
    %dma_wait3A_263 = tpu.memref_squeeze %dma_wait3A_262 : memref<1x80x16xf32, #tpu.memory_space<vmem>> -> memref<80x16xf32, #tpu.memory_space<vmem>>
    %dma_wait3A_264 = arith.constant 0 : i32
    %dma_wait3A_265 = tpu.memref_slice %arg8[%dma_wait3A_259, %dma_wait3A_264] : memref<125x80xi32, #tpu.memory_space<vmem>> -> memref<1x80xi32, #tpu.memory_space<vmem>>
    %dma_wait3A_266 = tpu.memref_squeeze %dma_wait3A_265 : memref<1x80xi32, #tpu.memory_space<vmem>> -> memref<80xi32, #tpu.memory_space<vmem>>
    %dma_wait3A_267 = arith.constant 0 : i32
    %dma_wait3A_268 = arith.constant 0 : i32
    %dma_wait3A_269 = tpu.memref_slice %arg10[%dma_wait3A_267, %dma_wait3A_268] : memref<10240x16xf32, #tpu.memory_space<vmem_shared>> -> memref<10240x16xf32, #tpu.memory_space<vmem_shared>>
    tpu.wait_indirect_dma semaphore(%arg12 : memref<!tpu.dma_semaphore, #tpu.memory_space<semaphore_mem>>) src(%dma_wait3A_263 : memref<80x16xf32, #tpu.memory_space<vmem>>) dst(%dma_wait3A_269 : memref<10240x16xf32, #tpu.memory_space<vmem_shared>>)
    %dma_wait3A_270 = arith.constant 21 : i32
    %dma_wait3A_271 = arith.constant 105 : i32
    %dma_wait3A_272 = arith.constant 0 : i32
    %dma_wait3A_273 = arith.constant 0 : i32
    %dma_wait3A_274 = tpu.memref_slice %arg9[%dma_wait3A_270, %dma_wait3A_272, %dma_wait3A_273] : memref<28x80x16xf32, #tpu.memory_space<vmem>> -> memref<1x80x16xf32, #tpu.memory_space<vmem>>
    %dma_wait3A_275 = tpu.memref_squeeze %dma_wait3A_274 : memref<1x80x16xf32, #tpu.memory_space<vmem>> -> memref<80x16xf32, #tpu.memory_space<vmem>>
    %dma_wait3A_276 = arith.constant 0 : i32
    %dma_wait3A_277 = tpu.memref_slice %arg8[%dma_wait3A_271, %dma_wait3A_276] : memref<125x80xi32, #tpu.memory_space<vmem>> -> memref<1x80xi32, #tpu.memory_space<vmem>>
    %dma_wait3A_278 = tpu.memref_squeeze %dma_wait3A_277 : memref<1x80xi32, #tpu.memory_space<vmem>> -> memref<80xi32, #tpu.memory_space<vmem>>
    %dma_wait3A_279 = arith.constant 0 : i32
    %dma_wait3A_280 = arith.constant 0 : i32
    %dma_wait3A_281 = tpu.memref_slice %arg10[%dma_wait3A_279, %dma_wait3A_280] : memref<10240x16xf32, #tpu.memory_space<vmem_shared>> -> memref<10240x16xf32, #tpu.memory_space<vmem_shared>>
    tpu.wait_indirect_dma semaphore(%arg12 : memref<!tpu.dma_semaphore, #tpu.memory_space<semaphore_mem>>) src(%dma_wait3A_275 : memref<80x16xf32, #tpu.memory_space<vmem>>) dst(%dma_wait3A_281 : memref<10240x16xf32, #tpu.memory_space<vmem_shared>>)
    %dma_wait3A_282 = arith.constant 22 : i32
    %dma_wait3A_283 = arith.constant 106 : i32
    %dma_wait3A_284 = arith.constant 0 : i32
    %dma_wait3A_285 = arith.constant 0 : i32
    %dma_wait3A_286 = tpu.memref_slice %arg9[%dma_wait3A_282, %dma_wait3A_284, %dma_wait3A_285] : memref<28x80x16xf32, #tpu.memory_space<vmem>> -> memref<1x80x16xf32, #tpu.memory_space<vmem>>
    %dma_wait3A_287 = tpu.memref_squeeze %dma_wait3A_286 : memref<1x80x16xf32, #tpu.memory_space<vmem>> -> memref<80x16xf32, #tpu.memory_space<vmem>>
    %dma_wait3A_288 = arith.constant 0 : i32
    %dma_wait3A_289 = tpu.memref_slice %arg8[%dma_wait3A_283, %dma_wait3A_288] : memref<125x80xi32, #tpu.memory_space<vmem>> -> memref<1x80xi32, #tpu.memory_space<vmem>>
    %dma_wait3A_290 = tpu.memref_squeeze %dma_wait3A_289 : memref<1x80xi32, #tpu.memory_space<vmem>> -> memref<80xi32, #tpu.memory_space<vmem>>
    %dma_wait3A_291 = arith.constant 0 : i32
    %dma_wait3A_292 = arith.constant 0 : i32
    %dma_wait3A_293 = tpu.memref_slice %arg10[%dma_wait3A_291, %dma_wait3A_292] : memref<10240x16xf32, #tpu.memory_space<vmem_shared>> -> memref<10240x16xf32, #tpu.memory_space<vmem_shared>>
    tpu.wait_indirect_dma semaphore(%arg12 : memref<!tpu.dma_semaphore, #tpu.memory_space<semaphore_mem>>) src(%dma_wait3A_287 : memref<80x16xf32, #tpu.memory_space<vmem>>) dst(%dma_wait3A_293 : memref<10240x16xf32, #tpu.memory_space<vmem_shared>>)
    %dma_wait3A_294 = arith.constant 23 : i32
    %dma_wait3A_295 = arith.constant 107 : i32
    %dma_wait3A_296 = arith.constant 0 : i32
    %dma_wait3A_297 = arith.constant 0 : i32
    %dma_wait3A_298 = tpu.memref_slice %arg9[%dma_wait3A_294, %dma_wait3A_296, %dma_wait3A_297] : memref<28x80x16xf32, #tpu.memory_space<vmem>> -> memref<1x80x16xf32, #tpu.memory_space<vmem>>
    %dma_wait3A_299 = tpu.memref_squeeze %dma_wait3A_298 : memref<1x80x16xf32, #tpu.memory_space<vmem>> -> memref<80x16xf32, #tpu.memory_space<vmem>>
    %dma_wait3A_300 = arith.constant 0 : i32
    %dma_wait3A_301 = tpu.memref_slice %arg8[%dma_wait3A_295, %dma_wait3A_300] : memref<125x80xi32, #tpu.memory_space<vmem>> -> memref<1x80xi32, #tpu.memory_space<vmem>>
    %dma_wait3A_302 = tpu.memref_squeeze %dma_wait3A_301 : memref<1x80xi32, #tpu.memory_space<vmem>> -> memref<80xi32, #tpu.memory_space<vmem>>
    %dma_wait3A_303 = arith.constant 0 : i32
    %dma_wait3A_304 = arith.constant 0 : i32
    %dma_wait3A_305 = tpu.memref_slice %arg10[%dma_wait3A_303, %dma_wait3A_304] : memref<10240x16xf32, #tpu.memory_space<vmem_shared>> -> memref<10240x16xf32, #tpu.memory_space<vmem_shared>>
    tpu.wait_indirect_dma semaphore(%arg12 : memref<!tpu.dma_semaphore, #tpu.memory_space<semaphore_mem>>) src(%dma_wait3A_299 : memref<80x16xf32, #tpu.memory_space<vmem>>) dst(%dma_wait3A_305 : memref<10240x16xf32, #tpu.memory_space<vmem_shared>>)
    %dma_wait3A_306 = arith.constant 24 : i32
    %dma_wait3A_307 = arith.constant 108 : i32
    %dma_wait3A_308 = arith.constant 0 : i32
    %dma_wait3A_309 = arith.constant 0 : i32
    %dma_wait3A_310 = tpu.memref_slice %arg9[%dma_wait3A_306, %dma_wait3A_308, %dma_wait3A_309] : memref<28x80x16xf32, #tpu.memory_space<vmem>> -> memref<1x80x16xf32, #tpu.memory_space<vmem>>
    %dma_wait3A_311 = tpu.memref_squeeze %dma_wait3A_310 : memref<1x80x16xf32, #tpu.memory_space<vmem>> -> memref<80x16xf32, #tpu.memory_space<vmem>>
    %dma_wait3A_312 = arith.constant 0 : i32
    %dma_wait3A_313 = tpu.memref_slice %arg8[%dma_wait3A_307, %dma_wait3A_312] : memref<125x80xi32, #tpu.memory_space<vmem>> -> memref<1x80xi32, #tpu.memory_space<vmem>>
    %dma_wait3A_314 = tpu.memref_squeeze %dma_wait3A_313 : memref<1x80xi32, #tpu.memory_space<vmem>> -> memref<80xi32, #tpu.memory_space<vmem>>
    %dma_wait3A_315 = arith.constant 0 : i32
    %dma_wait3A_316 = arith.constant 0 : i32
    %dma_wait3A_317 = tpu.memref_slice %arg10[%dma_wait3A_315, %dma_wait3A_316] : memref<10240x16xf32, #tpu.memory_space<vmem_shared>> -> memref<10240x16xf32, #tpu.memory_space<vmem_shared>>
    tpu.wait_indirect_dma semaphore(%arg12 : memref<!tpu.dma_semaphore, #tpu.memory_space<semaphore_mem>>) src(%dma_wait3A_311 : memref<80x16xf32, #tpu.memory_space<vmem>>) dst(%dma_wait3A_317 : memref<10240x16xf32, #tpu.memory_space<vmem_shared>>)
    %dma_wait3A_318 = arith.constant 25 : i32
    %dma_wait3A_319 = arith.constant 109 : i32
    %dma_wait3A_320 = arith.constant 0 : i32
    %dma_wait3A_321 = arith.constant 0 : i32
    %dma_wait3A_322 = tpu.memref_slice %arg9[%dma_wait3A_318, %dma_wait3A_320, %dma_wait3A_321] : memref<28x80x16xf32, #tpu.memory_space<vmem>> -> memref<1x80x16xf32, #tpu.memory_space<vmem>>
    %dma_wait3A_323 = tpu.memref_squeeze %dma_wait3A_322 : memref<1x80x16xf32, #tpu.memory_space<vmem>> -> memref<80x16xf32, #tpu.memory_space<vmem>>
    %dma_wait3A_324 = arith.constant 0 : i32
    %dma_wait3A_325 = tpu.memref_slice %arg8[%dma_wait3A_319, %dma_wait3A_324] : memref<125x80xi32, #tpu.memory_space<vmem>> -> memref<1x80xi32, #tpu.memory_space<vmem>>
    %dma_wait3A_326 = tpu.memref_squeeze %dma_wait3A_325 : memref<1x80xi32, #tpu.memory_space<vmem>> -> memref<80xi32, #tpu.memory_space<vmem>>
    %dma_wait3A_327 = arith.constant 0 : i32
    %dma_wait3A_328 = arith.constant 0 : i32
    %dma_wait3A_329 = tpu.memref_slice %arg10[%dma_wait3A_327, %dma_wait3A_328] : memref<10240x16xf32, #tpu.memory_space<vmem_shared>> -> memref<10240x16xf32, #tpu.memory_space<vmem_shared>>
    tpu.wait_indirect_dma semaphore(%arg12 : memref<!tpu.dma_semaphore, #tpu.memory_space<semaphore_mem>>) src(%dma_wait3A_323 : memref<80x16xf32, #tpu.memory_space<vmem>>) dst(%dma_wait3A_329 : memref<10240x16xf32, #tpu.memory_space<vmem_shared>>)
    %dma_wait3A_330 = arith.constant 26 : i32
    %dma_wait3A_331 = arith.constant 110 : i32
    %dma_wait3A_332 = arith.constant 0 : i32
    %dma_wait3A_333 = arith.constant 0 : i32
    %dma_wait3A_334 = tpu.memref_slice %arg9[%dma_wait3A_330, %dma_wait3A_332, %dma_wait3A_333] : memref<28x80x16xf32, #tpu.memory_space<vmem>> -> memref<1x80x16xf32, #tpu.memory_space<vmem>>
    %dma_wait3A_335 = tpu.memref_squeeze %dma_wait3A_334 : memref<1x80x16xf32, #tpu.memory_space<vmem>> -> memref<80x16xf32, #tpu.memory_space<vmem>>
    %dma_wait3A_336 = arith.constant 0 : i32
    %dma_wait3A_337 = tpu.memref_slice %arg8[%dma_wait3A_331, %dma_wait3A_336] : memref<125x80xi32, #tpu.memory_space<vmem>> -> memref<1x80xi32, #tpu.memory_space<vmem>>
    %dma_wait3A_338 = tpu.memref_squeeze %dma_wait3A_337 : memref<1x80xi32, #tpu.memory_space<vmem>> -> memref<80xi32, #tpu.memory_space<vmem>>
    %dma_wait3A_339 = arith.constant 0 : i32
    %dma_wait3A_340 = arith.constant 0 : i32
    %dma_wait3A_341 = tpu.memref_slice %arg10[%dma_wait3A_339, %dma_wait3A_340] : memref<10240x16xf32, #tpu.memory_space<vmem_shared>> -> memref<10240x16xf32, #tpu.memory_space<vmem_shared>>
    tpu.wait_indirect_dma semaphore(%arg12 : memref<!tpu.dma_semaphore, #tpu.memory_space<semaphore_mem>>) src(%dma_wait3A_335 : memref<80x16xf32, #tpu.memory_space<vmem>>) dst(%dma_wait3A_341 : memref<10240x16xf32, #tpu.memory_space<vmem_shared>>)
    %dma_wait3A_342 = arith.constant 27 : i32
    %dma_wait3A_343 = arith.constant 111 : i32
    %dma_wait3A_344 = arith.constant 0 : i32
    %dma_wait3A_345 = arith.constant 0 : i32
    %dma_wait3A_346 = tpu.memref_slice %arg9[%dma_wait3A_342, %dma_wait3A_344, %dma_wait3A_345] : memref<28x80x16xf32, #tpu.memory_space<vmem>> -> memref<1x80x16xf32, #tpu.memory_space<vmem>>
    %dma_wait3A_347 = tpu.memref_squeeze %dma_wait3A_346 : memref<1x80x16xf32, #tpu.memory_space<vmem>> -> memref<80x16xf32, #tpu.memory_space<vmem>>
    %dma_wait3A_348 = arith.constant 0 : i32
    %dma_wait3A_349 = tpu.memref_slice %arg8[%dma_wait3A_343, %dma_wait3A_348] : memref<125x80xi32, #tpu.memory_space<vmem>> -> memref<1x80xi32, #tpu.memory_space<vmem>>
    %dma_wait3A_350 = tpu.memref_squeeze %dma_wait3A_349 : memref<1x80xi32, #tpu.memory_space<vmem>> -> memref<80xi32, #tpu.memory_space<vmem>>
    %dma_wait3A_351 = arith.constant 0 : i32
    %dma_wait3A_352 = arith.constant 0 : i32
    %dma_wait3A_353 = tpu.memref_slice %arg10[%dma_wait3A_351, %dma_wait3A_352] : memref<10240x16xf32, #tpu.memory_space<vmem_shared>> -> memref<10240x16xf32, #tpu.memory_space<vmem_shared>>
    tpu.wait_indirect_dma semaphore(%arg12 : memref<!tpu.dma_semaphore, #tpu.memory_space<semaphore_mem>>) src(%dma_wait3A_347 : memref<80x16xf32, #tpu.memory_space<vmem>>) dst(%dma_wait3A_353 : memref<10240x16xf32, #tpu.memory_space<vmem_shared>>)
    %dma_wait3A_354 = arith.constant 0 : i32
    %dma_wait3A_355 = arith.constant 112 : i32
    %dma_wait3A_356 = arith.constant 0 : i32
    %dma_wait3A_357 = arith.constant 0 : i32
    %dma_wait3A_358 = tpu.memref_slice %arg9[%dma_wait3A_354, %dma_wait3A_356, %dma_wait3A_357] : memref<28x80x16xf32, #tpu.memory_space<vmem>> -> memref<1x80x16xf32, #tpu.memory_space<vmem>>
    %dma_wait3A_359 = tpu.memref_squeeze %dma_wait3A_358 : memref<1x80x16xf32, #tpu.memory_space<vmem>> -> memref<80x16xf32, #tpu.memory_space<vmem>>
    %dma_wait3A_360 = arith.constant 0 : i32
    %dma_wait3A_361 = tpu.memref_slice %arg8[%dma_wait3A_355, %dma_wait3A_360] : memref<125x80xi32, #tpu.memory_space<vmem>> -> memref<1x80xi32, #tpu.memory_space<vmem>>
    %dma_wait3A_362 = tpu.memref_squeeze %dma_wait3A_361 : memref<1x80xi32, #tpu.memory_space<vmem>> -> memref<80xi32, #tpu.memory_space<vmem>>
    %dma_wait3A_363 = arith.constant 0 : i32
    %dma_wait3A_364 = arith.constant 0 : i32
    %dma_wait3A_365 = tpu.memref_slice %arg10[%dma_wait3A_363, %dma_wait3A_364] : memref<10240x16xf32, #tpu.memory_space<vmem_shared>> -> memref<10240x16xf32, #tpu.memory_space<vmem_shared>>
    tpu.wait_indirect_dma semaphore(%arg12 : memref<!tpu.dma_semaphore, #tpu.memory_space<semaphore_mem>>) src(%dma_wait3A_359 : memref<80x16xf32, #tpu.memory_space<vmem>>) dst(%dma_wait3A_365 : memref<10240x16xf32, #tpu.memory_space<vmem_shared>>)
    %dma_wait3A_366 = arith.constant 1 : i32
    %dma_wait3A_367 = arith.constant 113 : i32
    %dma_wait3A_368 = arith.constant 0 : i32
    %dma_wait3A_369 = arith.constant 0 : i32
    %dma_wait3A_370 = tpu.memref_slice %arg9[%dma_wait3A_366, %dma_wait3A_368, %dma_wait3A_369] : memref<28x80x16xf32, #tpu.memory_space<vmem>> -> memref<1x80x16xf32, #tpu.memory_space<vmem>>
    %dma_wait3A_371 = tpu.memref_squeeze %dma_wait3A_370 : memref<1x80x16xf32, #tpu.memory_space<vmem>> -> memref<80x16xf32, #tpu.memory_space<vmem>>
    %dma_wait3A_372 = arith.constant 0 : i32
    %dma_wait3A_373 = tpu.memref_slice %arg8[%dma_wait3A_367, %dma_wait3A_372] : memref<125x80xi32, #tpu.memory_space<vmem>> -> memref<1x80xi32, #tpu.memory_space<vmem>>
    %dma_wait3A_374 = tpu.memref_squeeze %dma_wait3A_373 : memref<1x80xi32, #tpu.memory_space<vmem>> -> memref<80xi32, #tpu.memory_space<vmem>>
    %dma_wait3A_375 = arith.constant 0 : i32
    %dma_wait3A_376 = arith.constant 0 : i32
    %dma_wait3A_377 = tpu.memref_slice %arg10[%dma_wait3A_375, %dma_wait3A_376] : memref<10240x16xf32, #tpu.memory_space<vmem_shared>> -> memref<10240x16xf32, #tpu.memory_space<vmem_shared>>
    tpu.wait_indirect_dma semaphore(%arg12 : memref<!tpu.dma_semaphore, #tpu.memory_space<semaphore_mem>>) src(%dma_wait3A_371 : memref<80x16xf32, #tpu.memory_space<vmem>>) dst(%dma_wait3A_377 : memref<10240x16xf32, #tpu.memory_space<vmem_shared>>)
    %dma_wait3A_378 = arith.constant 2 : i32
    %dma_wait3A_379 = arith.constant 114 : i32
    %dma_wait3A_380 = arith.constant 0 : i32
    %dma_wait3A_381 = arith.constant 0 : i32
    %dma_wait3A_382 = tpu.memref_slice %arg9[%dma_wait3A_378, %dma_wait3A_380, %dma_wait3A_381] : memref<28x80x16xf32, #tpu.memory_space<vmem>> -> memref<1x80x16xf32, #tpu.memory_space<vmem>>
    %dma_wait3A_383 = tpu.memref_squeeze %dma_wait3A_382 : memref<1x80x16xf32, #tpu.memory_space<vmem>> -> memref<80x16xf32, #tpu.memory_space<vmem>>
    %dma_wait3A_384 = arith.constant 0 : i32
    %dma_wait3A_385 = tpu.memref_slice %arg8[%dma_wait3A_379, %dma_wait3A_384] : memref<125x80xi32, #tpu.memory_space<vmem>> -> memref<1x80xi32, #tpu.memory_space<vmem>>
    %dma_wait3A_386 = tpu.memref_squeeze %dma_wait3A_385 : memref<1x80xi32, #tpu.memory_space<vmem>> -> memref<80xi32, #tpu.memory_space<vmem>>
    %dma_wait3A_387 = arith.constant 0 : i32
    %dma_wait3A_388 = arith.constant 0 : i32
    %dma_wait3A_389 = tpu.memref_slice %arg10[%dma_wait3A_387, %dma_wait3A_388] : memref<10240x16xf32, #tpu.memory_space<vmem_shared>> -> memref<10240x16xf32, #tpu.memory_space<vmem_shared>>
    tpu.wait_indirect_dma semaphore(%arg12 : memref<!tpu.dma_semaphore, #tpu.memory_space<semaphore_mem>>) src(%dma_wait3A_383 : memref<80x16xf32, #tpu.memory_space<vmem>>) dst(%dma_wait3A_389 : memref<10240x16xf32, #tpu.memory_space<vmem_shared>>)
    %dma_wait3A_390 = arith.constant 3 : i32
    %dma_wait3A_391 = arith.constant 115 : i32
    %dma_wait3A_392 = arith.constant 0 : i32
    %dma_wait3A_393 = arith.constant 0 : i32
    %dma_wait3A_394 = tpu.memref_slice %arg9[%dma_wait3A_390, %dma_wait3A_392, %dma_wait3A_393] : memref<28x80x16xf32, #tpu.memory_space<vmem>> -> memref<1x80x16xf32, #tpu.memory_space<vmem>>
    %dma_wait3A_395 = tpu.memref_squeeze %dma_wait3A_394 : memref<1x80x16xf32, #tpu.memory_space<vmem>> -> memref<80x16xf32, #tpu.memory_space<vmem>>
    %dma_wait3A_396 = arith.constant 0 : i32
    %dma_wait3A_397 = tpu.memref_slice %arg8[%dma_wait3A_391, %dma_wait3A_396] : memref<125x80xi32, #tpu.memory_space<vmem>> -> memref<1x80xi32, #tpu.memory_space<vmem>>
    %dma_wait3A_398 = tpu.memref_squeeze %dma_wait3A_397 : memref<1x80xi32, #tpu.memory_space<vmem>> -> memref<80xi32, #tpu.memory_space<vmem>>
    %dma_wait3A_399 = arith.constant 0 : i32
    %dma_wait3A_400 = arith.constant 0 : i32
    %dma_wait3A_401 = tpu.memref_slice %arg10[%dma_wait3A_399, %dma_wait3A_400] : memref<10240x16xf32, #tpu.memory_space<vmem_shared>> -> memref<10240x16xf32, #tpu.memory_space<vmem_shared>>
    tpu.wait_indirect_dma semaphore(%arg12 : memref<!tpu.dma_semaphore, #tpu.memory_space<semaphore_mem>>) src(%dma_wait3A_395 : memref<80x16xf32, #tpu.memory_space<vmem>>) dst(%dma_wait3A_401 : memref<10240x16xf32, #tpu.memory_space<vmem_shared>>)
    %dma_wait3A_402 = arith.constant 4 : i32
    %dma_wait3A_403 = arith.constant 116 : i32
    %dma_wait3A_404 = arith.constant 0 : i32
    %dma_wait3A_405 = arith.constant 0 : i32
    %dma_wait3A_406 = tpu.memref_slice %arg9[%dma_wait3A_402, %dma_wait3A_404, %dma_wait3A_405] : memref<28x80x16xf32, #tpu.memory_space<vmem>> -> memref<1x80x16xf32, #tpu.memory_space<vmem>>
    %dma_wait3A_407 = tpu.memref_squeeze %dma_wait3A_406 : memref<1x80x16xf32, #tpu.memory_space<vmem>> -> memref<80x16xf32, #tpu.memory_space<vmem>>
    %dma_wait3A_408 = arith.constant 0 : i32
    %dma_wait3A_409 = tpu.memref_slice %arg8[%dma_wait3A_403, %dma_wait3A_408] : memref<125x80xi32, #tpu.memory_space<vmem>> -> memref<1x80xi32, #tpu.memory_space<vmem>>
    %dma_wait3A_410 = tpu.memref_squeeze %dma_wait3A_409 : memref<1x80xi32, #tpu.memory_space<vmem>> -> memref<80xi32, #tpu.memory_space<vmem>>
    %dma_wait3A_411 = arith.constant 0 : i32
    %dma_wait3A_412 = arith.constant 0 : i32
    %dma_wait3A_413 = tpu.memref_slice %arg10[%dma_wait3A_411, %dma_wait3A_412] : memref<10240x16xf32, #tpu.memory_space<vmem_shared>> -> memref<10240x16xf32, #tpu.memory_space<vmem_shared>>
    tpu.wait_indirect_dma semaphore(%arg12 : memref<!tpu.dma_semaphore, #tpu.memory_space<semaphore_mem>>) src(%dma_wait3A_407 : memref<80x16xf32, #tpu.memory_space<vmem>>) dst(%dma_wait3A_413 : memref<10240x16xf32, #tpu.memory_space<vmem_shared>>)
    %dma_wait3A_414 = arith.constant 5 : i32
    %dma_wait3A_415 = arith.constant 117 : i32
    %dma_wait3A_416 = arith.constant 0 : i32
    %dma_wait3A_417 = arith.constant 0 : i32
    %dma_wait3A_418 = tpu.memref_slice %arg9[%dma_wait3A_414, %dma_wait3A_416, %dma_wait3A_417] : memref<28x80x16xf32, #tpu.memory_space<vmem>> -> memref<1x80x16xf32, #tpu.memory_space<vmem>>
    %dma_wait3A_419 = tpu.memref_squeeze %dma_wait3A_418 : memref<1x80x16xf32, #tpu.memory_space<vmem>> -> memref<80x16xf32, #tpu.memory_space<vmem>>
    %dma_wait3A_420 = arith.constant 0 : i32
    %dma_wait3A_421 = tpu.memref_slice %arg8[%dma_wait3A_415, %dma_wait3A_420] : memref<125x80xi32, #tpu.memory_space<vmem>> -> memref<1x80xi32, #tpu.memory_space<vmem>>
    %dma_wait3A_422 = tpu.memref_squeeze %dma_wait3A_421 : memref<1x80xi32, #tpu.memory_space<vmem>> -> memref<80xi32, #tpu.memory_space<vmem>>
    %dma_wait3A_423 = arith.constant 0 : i32
    %dma_wait3A_424 = arith.constant 0 : i32
    %dma_wait3A_425 = tpu.memref_slice %arg10[%dma_wait3A_423, %dma_wait3A_424] : memref<10240x16xf32, #tpu.memory_space<vmem_shared>> -> memref<10240x16xf32, #tpu.memory_space<vmem_shared>>
    tpu.wait_indirect_dma semaphore(%arg12 : memref<!tpu.dma_semaphore, #tpu.memory_space<semaphore_mem>>) src(%dma_wait3A_419 : memref<80x16xf32, #tpu.memory_space<vmem>>) dst(%dma_wait3A_425 : memref<10240x16xf32, #tpu.memory_space<vmem_shared>>)
    %dma_wait3A_426 = arith.constant 6 : i32
    %dma_wait3A_427 = arith.constant 118 : i32
    %dma_wait3A_428 = arith.constant 0 : i32
    %dma_wait3A_429 = arith.constant 0 : i32
    %dma_wait3A_430 = tpu.memref_slice %arg9[%dma_wait3A_426, %dma_wait3A_428, %dma_wait3A_429] : memref<28x80x16xf32, #tpu.memory_space<vmem>> -> memref<1x80x16xf32, #tpu.memory_space<vmem>>
    %dma_wait3A_431 = tpu.memref_squeeze %dma_wait3A_430 : memref<1x80x16xf32, #tpu.memory_space<vmem>> -> memref<80x16xf32, #tpu.memory_space<vmem>>
    %dma_wait3A_432 = arith.constant 0 : i32
    %dma_wait3A_433 = tpu.memref_slice %arg8[%dma_wait3A_427, %dma_wait3A_432] : memref<125x80xi32, #tpu.memory_space<vmem>> -> memref<1x80xi32, #tpu.memory_space<vmem>>
    %dma_wait3A_434 = tpu.memref_squeeze %dma_wait3A_433 : memref<1x80xi32, #tpu.memory_space<vmem>> -> memref<80xi32, #tpu.memory_space<vmem>>
    %dma_wait3A_435 = arith.constant 0 : i32
    %dma_wait3A_436 = arith.constant 0 : i32
    %dma_wait3A_437 = tpu.memref_slice %arg10[%dma_wait3A_435, %dma_wait3A_436] : memref<10240x16xf32, #tpu.memory_space<vmem_shared>> -> memref<10240x16xf32, #tpu.memory_space<vmem_shared>>
    tpu.wait_indirect_dma semaphore(%arg12 : memref<!tpu.dma_semaphore, #tpu.memory_space<semaphore_mem>>) src(%dma_wait3A_431 : memref<80x16xf32, #tpu.memory_space<vmem>>) dst(%dma_wait3A_437 : memref<10240x16xf32, #tpu.memory_space<vmem_shared>>)
    %dma_wait3A_438 = arith.constant 7 : i32
    %dma_wait3A_439 = arith.constant 119 : i32
    %dma_wait3A_440 = arith.constant 0 : i32
    %dma_wait3A_441 = arith.constant 0 : i32
    %dma_wait3A_442 = tpu.memref_slice %arg9[%dma_wait3A_438, %dma_wait3A_440, %dma_wait3A_441] : memref<28x80x16xf32, #tpu.memory_space<vmem>> -> memref<1x80x16xf32, #tpu.memory_space<vmem>>
    %dma_wait3A_443 = tpu.memref_squeeze %dma_wait3A_442 : memref<1x80x16xf32, #tpu.memory_space<vmem>> -> memref<80x16xf32, #tpu.memory_space<vmem>>
    %dma_wait3A_444 = arith.constant 0 : i32
    %dma_wait3A_445 = tpu.memref_slice %arg8[%dma_wait3A_439, %dma_wait3A_444] : memref<125x80xi32, #tpu.memory_space<vmem>> -> memref<1x80xi32, #tpu.memory_space<vmem>>
    %dma_wait3A_446 = tpu.memref_squeeze %dma_wait3A_445 : memref<1x80xi32, #tpu.memory_space<vmem>> -> memref<80xi32, #tpu.memory_space<vmem>>
    %dma_wait3A_447 = arith.constant 0 : i32
    %dma_wait3A_448 = arith.constant 0 : i32
    %dma_wait3A_449 = tpu.memref_slice %arg10[%dma_wait3A_447, %dma_wait3A_448] : memref<10240x16xf32, #tpu.memory_space<vmem_shared>> -> memref<10240x16xf32, #tpu.memory_space<vmem_shared>>
    tpu.wait_indirect_dma semaphore(%arg12 : memref<!tpu.dma_semaphore, #tpu.memory_space<semaphore_mem>>) src(%dma_wait3A_443 : memref<80x16xf32, #tpu.memory_space<vmem>>) dst(%dma_wait3A_449 : memref<10240x16xf32, #tpu.memory_space<vmem_shared>>)
    %dma_wait3A_450 = arith.constant 8 : i32
    %dma_wait3A_451 = arith.constant 120 : i32
    %dma_wait3A_452 = arith.constant 0 : i32
    %dma_wait3A_453 = arith.constant 0 : i32
    %dma_wait3A_454 = tpu.memref_slice %arg9[%dma_wait3A_450, %dma_wait3A_452, %dma_wait3A_453] : memref<28x80x16xf32, #tpu.memory_space<vmem>> -> memref<1x80x16xf32, #tpu.memory_space<vmem>>
    %dma_wait3A_455 = tpu.memref_squeeze %dma_wait3A_454 : memref<1x80x16xf32, #tpu.memory_space<vmem>> -> memref<80x16xf32, #tpu.memory_space<vmem>>
    %dma_wait3A_456 = arith.constant 0 : i32
    %dma_wait3A_457 = tpu.memref_slice %arg8[%dma_wait3A_451, %dma_wait3A_456] : memref<125x80xi32, #tpu.memory_space<vmem>> -> memref<1x80xi32, #tpu.memory_space<vmem>>
    %dma_wait3A_458 = tpu.memref_squeeze %dma_wait3A_457 : memref<1x80xi32, #tpu.memory_space<vmem>> -> memref<80xi32, #tpu.memory_space<vmem>>
    %dma_wait3A_459 = arith.constant 0 : i32
    %dma_wait3A_460 = arith.constant 0 : i32
    %dma_wait3A_461 = tpu.memref_slice %arg10[%dma_wait3A_459, %dma_wait3A_460] : memref<10240x16xf32, #tpu.memory_space<vmem_shared>> -> memref<10240x16xf32, #tpu.memory_space<vmem_shared>>
    tpu.wait_indirect_dma semaphore(%arg12 : memref<!tpu.dma_semaphore, #tpu.memory_space<semaphore_mem>>) src(%dma_wait3A_455 : memref<80x16xf32, #tpu.memory_space<vmem>>) dst(%dma_wait3A_461 : memref<10240x16xf32, #tpu.memory_space<vmem_shared>>)
    %dma_wait3A_462 = arith.constant 9 : i32
    %dma_wait3A_463 = arith.constant 121 : i32
    %dma_wait3A_464 = arith.constant 0 : i32
    %dma_wait3A_465 = arith.constant 0 : i32
    %dma_wait3A_466 = tpu.memref_slice %arg9[%dma_wait3A_462, %dma_wait3A_464, %dma_wait3A_465] : memref<28x80x16xf32, #tpu.memory_space<vmem>> -> memref<1x80x16xf32, #tpu.memory_space<vmem>>
    %dma_wait3A_467 = tpu.memref_squeeze %dma_wait3A_466 : memref<1x80x16xf32, #tpu.memory_space<vmem>> -> memref<80x16xf32, #tpu.memory_space<vmem>>
    %dma_wait3A_468 = arith.constant 0 : i32
    %dma_wait3A_469 = tpu.memref_slice %arg8[%dma_wait3A_463, %dma_wait3A_468] : memref<125x80xi32, #tpu.memory_space<vmem>> -> memref<1x80xi32, #tpu.memory_space<vmem>>
    %dma_wait3A_470 = tpu.memref_squeeze %dma_wait3A_469 : memref<1x80xi32, #tpu.memory_space<vmem>> -> memref<80xi32, #tpu.memory_space<vmem>>
    %dma_wait3A_471 = arith.constant 0 : i32
    %dma_wait3A_472 = arith.constant 0 : i32
    %dma_wait3A_473 = tpu.memref_slice %arg10[%dma_wait3A_471, %dma_wait3A_472] : memref<10240x16xf32, #tpu.memory_space<vmem_shared>> -> memref<10240x16xf32, #tpu.memory_space<vmem_shared>>
    tpu.wait_indirect_dma semaphore(%arg12 : memref<!tpu.dma_semaphore, #tpu.memory_space<semaphore_mem>>) src(%dma_wait3A_467 : memref<80x16xf32, #tpu.memory_space<vmem>>) dst(%dma_wait3A_473 : memref<10240x16xf32, #tpu.memory_space<vmem_shared>>)
    %dma_wait3A_474 = arith.constant 10 : i32
    %dma_wait3A_475 = arith.constant 122 : i32
    %dma_wait3A_476 = arith.constant 0 : i32
    %dma_wait3A_477 = arith.constant 0 : i32
    %dma_wait3A_478 = tpu.memref_slice %arg9[%dma_wait3A_474, %dma_wait3A_476, %dma_wait3A_477] : memref<28x80x16xf32, #tpu.memory_space<vmem>> -> memref<1x80x16xf32, #tpu.memory_space<vmem>>
    %dma_wait3A_479 = tpu.memref_squeeze %dma_wait3A_478 : memref<1x80x16xf32, #tpu.memory_space<vmem>> -> memref<80x16xf32, #tpu.memory_space<vmem>>
    %dma_wait3A_480 = arith.constant 0 : i32
    %dma_wait3A_481 = tpu.memref_slice %arg8[%dma_wait3A_475, %dma_wait3A_480] : memref<125x80xi32, #tpu.memory_space<vmem>> -> memref<1x80xi32, #tpu.memory_space<vmem>>
    %dma_wait3A_482 = tpu.memref_squeeze %dma_wait3A_481 : memref<1x80xi32, #tpu.memory_space<vmem>> -> memref<80xi32, #tpu.memory_space<vmem>>
    %dma_wait3A_483 = arith.constant 0 : i32
    %dma_wait3A_484 = arith.constant 0 : i32
    %dma_wait3A_485 = tpu.memref_slice %arg10[%dma_wait3A_483, %dma_wait3A_484] : memref<10240x16xf32, #tpu.memory_space<vmem_shared>> -> memref<10240x16xf32, #tpu.memory_space<vmem_shared>>
    tpu.wait_indirect_dma semaphore(%arg12 : memref<!tpu.dma_semaphore, #tpu.memory_space<semaphore_mem>>) src(%dma_wait3A_479 : memref<80x16xf32, #tpu.memory_space<vmem>>) dst(%dma_wait3A_485 : memref<10240x16xf32, #tpu.memory_space<vmem_shared>>)
    %dma_wait3A_486 = arith.constant 11 : i32
    %dma_wait3A_487 = arith.constant 123 : i32
    %dma_wait3A_488 = arith.constant 0 : i32
    %dma_wait3A_489 = arith.constant 0 : i32
    %dma_wait3A_490 = tpu.memref_slice %arg9[%dma_wait3A_486, %dma_wait3A_488, %dma_wait3A_489] : memref<28x80x16xf32, #tpu.memory_space<vmem>> -> memref<1x80x16xf32, #tpu.memory_space<vmem>>
    %dma_wait3A_491 = tpu.memref_squeeze %dma_wait3A_490 : memref<1x80x16xf32, #tpu.memory_space<vmem>> -> memref<80x16xf32, #tpu.memory_space<vmem>>
    %dma_wait3A_492 = arith.constant 0 : i32
    %dma_wait3A_493 = tpu.memref_slice %arg8[%dma_wait3A_487, %dma_wait3A_492] : memref<125x80xi32, #tpu.memory_space<vmem>> -> memref<1x80xi32, #tpu.memory_space<vmem>>
    %dma_wait3A_494 = tpu.memref_squeeze %dma_wait3A_493 : memref<1x80xi32, #tpu.memory_space<vmem>> -> memref<80xi32, #tpu.memory_space<vmem>>
    %dma_wait3A_495 = arith.constant 0 : i32
    %dma_wait3A_496 = arith.constant 0 : i32
    %dma_wait3A_497 = tpu.memref_slice %arg10[%dma_wait3A_495, %dma_wait3A_496] : memref<10240x16xf32, #tpu.memory_space<vmem_shared>> -> memref<10240x16xf32, #tpu.memory_space<vmem_shared>>
    tpu.wait_indirect_dma semaphore(%arg12 : memref<!tpu.dma_semaphore, #tpu.memory_space<semaphore_mem>>) src(%dma_wait3A_491 : memref<80x16xf32, #tpu.memory_space<vmem>>) dst(%dma_wait3A_497 : memref<10240x16xf32, #tpu.memory_space<vmem_shared>>)
    %dma_wait3A_498 = arith.constant 12 : i32
    %dma_wait3A_499 = arith.constant 124 : i32
    %dma_wait3A_500 = arith.constant 0 : i32
    %dma_wait3A_501 = arith.constant 0 : i32
    %dma_wait3A_502 = tpu.memref_slice %arg9[%dma_wait3A_498, %dma_wait3A_500, %dma_wait3A_501] : memref<28x80x16xf32, #tpu.memory_space<vmem>> -> memref<1x80x16xf32, #tpu.memory_space<vmem>>
    %dma_wait3A_503 = tpu.memref_squeeze %dma_wait3A_502 : memref<1x80x16xf32, #tpu.memory_space<vmem>> -> memref<80x16xf32, #tpu.memory_space<vmem>>
    %dma_wait3A_504 = arith.constant 0 : i32
    %dma_wait3A_505 = tpu.memref_slice %arg8[%dma_wait3A_499, %dma_wait3A_504] : memref<125x80xi32, #tpu.memory_space<vmem>> -> memref<1x80xi32, #tpu.memory_space<vmem>>
    %dma_wait3A_506 = tpu.memref_squeeze %dma_wait3A_505 : memref<1x80xi32, #tpu.memory_space<vmem>> -> memref<80xi32, #tpu.memory_space<vmem>>
    %dma_wait3A_507 = arith.constant 0 : i32
    %dma_wait3A_508 = arith.constant 0 : i32
    %dma_wait3A_509 = tpu.memref_slice %arg10[%dma_wait3A_507, %dma_wait3A_508] : memref<10240x16xf32, #tpu.memory_space<vmem_shared>> -> memref<10240x16xf32, #tpu.memory_space<vmem_shared>>
    tpu.wait_indirect_dma semaphore(%arg12 : memref<!tpu.dma_semaphore, #tpu.memory_space<semaphore_mem>>) src(%dma_wait3A_503 : memref<80x16xf32, #tpu.memory_space<vmem>>) dst(%dma_wait3A_509 : memref<10240x16xf32, #tpu.memory_space<vmem_shared>>)
    %barrier3A_510 = arith.constant 0 : index
    tpu.barrier barrier_id(%barrier3A_510)
    "tpu.region"() ({
      %run_scoped3A = tpu.sem_alloc : memref<!tpu.dma_semaphore, #tpu.memory_space<semaphore_mem>>
      %dma_start3A_511 = arith.constant 0 : i32
      %dma_start3A_512 = tpu.memref_slice %arg6[%arg0, %mul3A_2, %dma_start3A_511] : memref<2x10240x128xf32, #tpu.memory_space<hbm>> -> memref<1x640x16xf32, #tpu.memory_space<hbm>>
      %dma_start3A_513 = tpu.memref_squeeze %dma_start3A_512 : memref<1x640x16xf32, #tpu.memory_space<hbm>> -> memref<640x16xf32, #tpu.memory_space<hbm>>
      %dma_start3A_514 = arith.constant 0 : i32
      %dma_start3A_515 = tpu.memref_slice %arg10[%mul3A_2, %dma_start3A_514] : memref<10240x16xf32, #tpu.memory_space<vmem_shared>> -> memref<640x16xf32, #tpu.memory_space<vmem_shared>>
      tpu.enqueue_dma source(%dma_start3A_515 : memref<640x16xf32, #tpu.memory_space<vmem_shared>>) target(%dma_start3A_513 : memref<640x16xf32, #tpu.memory_space<hbm>>) target_semaphore(%run_scoped3A : memref<!tpu.dma_semaphore, #tpu.memory_space<semaphore_mem>>)
      %dma_wait3A_516 = arith.constant 0 : i32
      %dma_wait3A_517 = tpu.memref_slice %arg6[%arg0, %mul3A_2, %dma_wait3A_516] : memref<2x10240x128xf32, #tpu.memory_space<hbm>> -> memref<1x640x16xf32, #tpu.memory_space<hbm>>
      %dma_wait3A_518 = tpu.memref_squeeze %dma_wait3A_517 : memref<1x640x16xf32, #tpu.memory_space<hbm>> -> memref<640x16xf32, #tpu.memory_space<hbm>>
      %dma_wait3A_519 = arith.constant 0 : i32
      %dma_wait3A_520 = tpu.memref_slice %arg10[%mul3A_2, %dma_wait3A_519] : memref<10240x16xf32, #tpu.memory_space<vmem_shared>> -> memref<640x16xf32, #tpu.memory_space<vmem_shared>>
      tpu.wait_dma2 semaphore(%run_scoped3A : memref<!tpu.dma_semaphore, #tpu.memory_space<semaphore_mem>>) src(%dma_wait3A_520 : memref<640x16xf32, #tpu.memory_space<vmem_shared>>) dst(%dma_wait3A_518 : memref<640x16xf32, #tpu.memory_space<hbm>>)
      tpu.yield
    }) : () -> ()
    return
  }
}

module attributes {stable_mosaic.version = 14 : i64} {
  func.func @_tc_2_body(%arg0: i32, %arg1: memref<1x10000x128xf32, #tpu.memory_space<vmem>>, %arg2: memref<1x10000x128xf32, #tpu.memory_space<vmem>>, %arg3: memref<10000x128xf32, #tpu.memory_space<vmem>>, %arg4: memref<1x16xf32, #tpu.memory_space<vmem>>, %arg5: memref<16x40xf32, #tpu.memory_space<vmem>>, %arg6: memref<10000x40xf32, #tpu.memory_space<vmem>>) attributes {dimension_semantics = [#tpu.dimension_semantics<arbitrary>], iteration_bounds = array<i64: 1>, scalar_prefetch = 0 : i64, scratch_operands = 0 : i64, tpu.core_type = #tpu.core_type<tc>, window_params = [{transform_indices = @transform_0, window_bounds = array<i64: 1, 10000, 128>}, {transform_indices = @transform_1, window_bounds = array<i64: 1, 10000, 128>}, {transform_indices = @transform_2, window_bounds = array<i64: 10000, 128>}, {pipeline_mode = #tpu.pipeline_mode<synchronous>, transform_indices = @transform_3, window_bounds = array<i64: 1, 16>}, {pipeline_mode = #tpu.pipeline_mode<synchronous>, transform_indices = @transform_4, window_bounds = array<i64: 16, 40>}, {transform_indices = @transform_5, window_bounds = array<i64: 10000, 40>}]} {
    %get3A = arith.constant 0 : index
    %get3A_0 = arith.constant 16 : index
    %get3A_1 = vector.load %arg3[%get3A, %get3A_0] : memref<10000x128xf32, #tpu.memory_space<vmem>>, vector<10000x1xf32>
    %get3A_2 = arith.constant 0 : index
    %get3A_3 = arith.constant 0 : index
    %get3A_4 = vector.load %arg3[%get3A_2, %get3A_3] : memref<10000x128xf32, #tpu.memory_space<vmem>>, vector<10000x16xf32>
    %get3A_5 = arith.constant 0 : index
    %get3A_6 = arith.constant 0 : index
    %get3A_7 = arith.constant 0 : index
    %get3A_8 = vector.load %arg1[%get3A_5, %get3A_6, %get3A_7] : memref<1x10000x128xf32, #tpu.memory_space<vmem>>, vector<1x10000x16xf32>
    %get3A_9 = vector.shape_cast %get3A_8 : vector<1x10000x16xf32> to vector<10000x16xf32>
    %get3A_10 = arith.constant 0 : index
    %get3A_11 = arith.constant 0 : index
    %get3A_12 = arith.constant 0 : index
    %get3A_13 = vector.load %arg2[%get3A_10, %get3A_11, %get3A_12] : memref<1x10000x128xf32, #tpu.memory_space<vmem>>, vector<1x10000x16xf32>
    %get3A_14 = vector.shape_cast %get3A_13 : vector<1x10000x16xf32> to vector<10000x16xf32>
    %add3A = arith.addf %get3A_9, %get3A_14 : vector<10000x16xf32>
    %add3A_15 = arith.addf %add3A, %get3A_4 : vector<10000x16xf32>
    %mul3A = vector.broadcast %get3A_1 : vector<10000x1xf32> to vector<10000x16xf32>
    %mul3A_16 = arith.mulf %add3A_15, %mul3A : vector<10000x16xf32>
    %get3A_17 = arith.constant 0 : index
    %get3A_18 = arith.constant 0 : index
    %get3A_19 = vector.load %arg4[%get3A_17, %get3A_18] : memref<1x16xf32, #tpu.memory_space<vmem>>, vector<1x16xf32>
    %add3A_20 = vector.broadcast %get3A_19 : vector<1x16xf32> to vector<10000x16xf32>
    %add3A_21 = arith.addf %mul3A_16, %add3A_20 : vector<10000x16xf32>
    %max3A = arith.constant 0.000000e+00 : f32
    %max3A_22 = vector.broadcast %max3A : f32 to vector<10000x16xf32>
    %max3A_23 = arith.maximumf %add3A_21, %max3A_22 : vector<10000x16xf32>
    %get3A_24 = arith.constant 0 : index
    %get3A_25 = arith.constant 0 : index
    %get3A_26 = vector.load %arg5[%get3A_24, %get3A_25] : memref<16x40xf32, #tpu.memory_space<vmem>>, vector<16x40xf32>
    %dot_general3A = arith.constant dense<0.000000e+00> : vector<10000x40xf32>
    %dot_general3A_27 = tpu.matmul %max3A_23, %get3A_26, %dot_general3A {dimension_numbers = #tpu.dot_dimension_numbers<[1], [0], [0], [1], [0, 0, 1, 1], [], []>, transpose_lhs_hint = false} : vector<10000x16xf32>, vector<16x40xf32>, vector<10000x40xf32> -> vector<10000x40xf32>
    %mul3A_28 = vector.broadcast %get3A_1 : vector<10000x1xf32> to vector<10000x40xf32>
    %mul3A_29 = arith.mulf %dot_general3A_27, %mul3A_28 : vector<10000x40xf32>
    %swap3A = arith.constant 0 : index
    %swap3A_30 = arith.constant 0 : index
    %swap3A_31 = vector.load %arg6[%swap3A, %swap3A_30] : memref<10000x40xf32, #tpu.memory_space<vmem>>, vector<10000x40xf32>
    tpu.vector_store %arg6[%swap3A, %swap3A_30], %mul3A_29 {strides = array<i32>} : memref<10000x40xf32, #tpu.memory_space<vmem>>, vector<10000x40xf32>,
    return
  }
  func.func @transform_0(%arg0: i32) -> (i32, i32, i32) {
    %c0_i32 = arith.constant 0 : i32
    %c0_i32_0 = arith.constant 0 : i32
    %c0_i32_1 = arith.constant 0 : i32
    return %c0_i32, %arg0, %c0_i32_0 : i32, i32, i32
  }
  func.func @transform_1(%arg0: i32) -> (i32, i32, i32) {
    %c1_i32 = arith.constant 1 : i32
    %c0_i32 = arith.constant 0 : i32
    %c0_i32_0 = arith.constant 0 : i32
    return %c1_i32, %arg0, %c0_i32 : i32, i32, i32
  }
  func.func @transform_2(%arg0: i32) -> (i32, i32) {
    %c0_i32 = arith.constant 0 : i32
    %c0_i32_0 = arith.constant 0 : i32
    return %arg0, %c0_i32 : i32, i32
  }
  func.func @transform_3(%arg0: i32) -> (i32, i32) {
    %c0_i32 = arith.constant 0 : i32
    %c0_i32_0 = arith.constant 0 : i32
    %c0_i32_1 = arith.constant 0 : i32
    return %c0_i32, %c0_i32_0 : i32, i32
  }
  func.func @transform_4(%arg0: i32) -> (i32, i32) {
    %c0_i32 = arith.constant 0 : i32
    %c0_i32_0 = arith.constant 0 : i32
    %c0_i32_1 = arith.constant 0 : i32
    return %c0_i32, %c0_i32_0 : i32, i32
  }
  func.func @transform_5(%arg0: i32) -> (i32, i32) {
    %c0_i32 = arith.constant 0 : i32
    %c0_i32_0 = arith.constant 0 : i32
    return %arg0, %c0_i32 : i32, i32
  }
}

module attributes {stable_mosaic.version = 14 : i64} {
  func.func @_tc_h1_body(%arg0: i32, %arg1: memref<10000x128xf32, #tpu.memory_space<vmem>>, %arg2: memref<128x16xf32, #tpu.memory_space<vmem>>, %arg3: memref<10000x16xf32, #tpu.memory_space<vmem>>) attributes {dimension_semantics = [#tpu.dimension_semantics<arbitrary>], iteration_bounds = array<i64: 1>, scalar_prefetch = 0 : i64, scratch_operands = 0 : i64, tpu.core_type = #tpu.core_type<tc>, window_params = [{transform_indices = @transform_0, window_bounds = array<i64: 10000, 128>}, {pipeline_mode = #tpu.pipeline_mode<synchronous>, transform_indices = @transform_1, window_bounds = array<i64: 128, 16>}, {transform_indices = @transform_2, window_bounds = array<i64: 10000, 16>}]} {
    %get3A = arith.constant 0 : index
    %get3A_0 = arith.constant 0 : index
    %get3A_1 = vector.load %arg1[%get3A, %get3A_0] : memref<10000x128xf32, #tpu.memory_space<vmem>>, vector<10000x128xf32>
    %get3A_2 = arith.constant 0 : index
    %get3A_3 = arith.constant 0 : index
    %get3A_4 = vector.load %arg2[%get3A_2, %get3A_3] : memref<128x16xf32, #tpu.memory_space<vmem>>, vector<128x16xf32>
    %dot_general3A = arith.constant dense<0.000000e+00> : vector<10000x16xf32>
    %dot_general3A_5 = tpu.matmul %get3A_1, %get3A_4, %dot_general3A {dimension_numbers = #tpu.dot_dimension_numbers<[1], [0], [0], [1], [0, 0, 1, 1], [], []>, transpose_lhs_hint = false} : vector<10000x128xf32>, vector<128x16xf32>, vector<10000x16xf32> -> vector<10000x16xf32>
    %swap3A = arith.constant 0 : index
    %swap3A_6 = arith.constant 0 : index
    %swap3A_7 = vector.load %arg3[%swap3A, %swap3A_6] : memref<10000x16xf32, #tpu.memory_space<vmem>>, vector<10000x16xf32>
    tpu.vector_store %arg3[%swap3A, %swap3A_6], %dot_general3A_5 {strides = array<i32>} : memref<10000x16xf32, #tpu.memory_space<vmem>>, vector<10000x16xf32>,
    return
  }
  func.func @transform_0(%arg0: i32) -> (i32, i32) {
    %c0_i32 = arith.constant 0 : i32
    %c0_i32_0 = arith.constant 0 : i32
    return %arg0, %c0_i32 : i32, i32
  }
  func.func @transform_1(%arg0: i32) -> (i32, i32) {
    %c0_i32 = arith.constant 0 : i32
    %c0_i32_0 = arith.constant 0 : i32
    %c0_i32_1 = arith.constant 0 : i32
    return %c0_i32, %c0_i32_0 : i32, i32
  }
  func.func @transform_2(%arg0: i32) -> (i32, i32) {
    %c0_i32 = arith.constant 0 : i32
    %c0_i32_0 = arith.constant 0 : i32
    return %arg0, %c0_i32 : i32, i32
  }
}

module attributes {stable_mosaic.version = 14 : i64} {
  func.func @_tc_1_body(%arg0: i32, %arg1: memref<10000x16xf32, #tpu.memory_space<vmem>>, %arg2: memref<1x10000x128xf32, #tpu.memory_space<vmem>>, %arg3: memref<1x10000x128xf32, #tpu.memory_space<vmem>>, %arg4: memref<10000x128xf32, #tpu.memory_space<vmem>>) attributes {dimension_semantics = [#tpu.dimension_semantics<arbitrary>], iteration_bounds = array<i64: 1>, scalar_prefetch = 0 : i64, scratch_operands = 0 : i64, tpu.core_type = #tpu.core_type<tc>, window_params = [{transform_indices = @transform_0, window_bounds = array<i64: 10000, 16>}, {transform_indices = @transform_1, window_bounds = array<i64: 1, 10000, 128>}, {transform_indices = @transform_2, window_bounds = array<i64: 1, 10000, 128>}, {transform_indices = @transform_3, window_bounds = array<i64: 10000, 128>}]} {
    %get3A = arith.constant 0 : index
    %get3A_0 = arith.constant 0 : index
    %get3A_1 = arith.constant 0 : index
    %get3A_2 = vector.load %arg2[%get3A, %get3A_0, %get3A_1] : memref<1x10000x128xf32, #tpu.memory_space<vmem>>, vector<1x10000x1xf32>
    %get3A_3 = vector.shape_cast %get3A_2 : vector<1x10000x1xf32> to vector<10000x1xf32>
    %get3A_4 = arith.constant 0 : index
    %get3A_5 = arith.constant 0 : index
    %get3A_6 = arith.constant 0 : index
    %get3A_7 = vector.load %arg3[%get3A_4, %get3A_5, %get3A_6] : memref<1x10000x128xf32, #tpu.memory_space<vmem>>, vector<1x10000x1xf32>
    %get3A_8 = vector.shape_cast %get3A_7 : vector<1x10000x1xf32> to vector<10000x1xf32>
    %add3A = arith.addf %get3A_3, %get3A_8 : vector<10000x1xf32>
    %add3A_9 = arith.constant 1.000000e+00 : f32
    %add3A_10 = vector.broadcast %add3A_9 : f32 to vector<10000x1xf32>
    %add3A_11 = arith.addf %add3A, %add3A_10 : vector<10000x1xf32>
    %rsqrt3A = math.rsqrt %add3A_11 : vector<10000x1xf32>
    %get3A_12 = arith.constant 0 : index
    %get3A_13 = arith.constant 0 : index
    %get3A_14 = vector.load %arg1[%get3A_12, %get3A_13] : memref<10000x16xf32, #tpu.memory_space<vmem>>, vector<10000x16xf32>
    %mul3A = vector.broadcast %rsqrt3A : vector<10000x1xf32> to vector<10000x16xf32>
    %mul3A_15 = arith.mulf %get3A_14, %mul3A : vector<10000x16xf32>
    %swap3A = arith.constant 0 : index
    %swap3A_16 = arith.constant 0 : index
    %swap3A_17 = vector.load %arg4[%swap3A, %swap3A_16] : memref<10000x128xf32, #tpu.memory_space<vmem>>, vector<10000x16xf32>
    tpu.vector_store %arg4[%swap3A, %swap3A_16], %mul3A_15 {strides = array<i32>} : memref<10000x128xf32, #tpu.memory_space<vmem>>, vector<10000x16xf32>,
    %swap3A_18 = arith.constant 0 : index
    %swap3A_19 = arith.constant 16 : index
    %swap3A_20 = vector.load %arg4[%swap3A_18, %swap3A_19] : memref<10000x128xf32, #tpu.memory_space<vmem>>, vector<10000x1xf32>
    tpu.vector_store %arg4[%swap3A_18, %swap3A_19], %rsqrt3A {strides = array<i32>} : memref<10000x128xf32, #tpu.memory_space<vmem>>, vector<10000x1xf32>,
    return
  }
  func.func @transform_0(%arg0: i32) -> (i32, i32) {
    %c0_i32 = arith.constant 0 : i32
    %c0_i32_0 = arith.constant 0 : i32
    return %arg0, %c0_i32 : i32, i32
  }
  func.func @transform_1(%arg0: i32) -> (i32, i32, i32) {
    %c0_i32 = arith.constant 0 : i32
    %c0_i32_0 = arith.constant 0 : i32
    %c0_i32_1 = arith.constant 0 : i32
    return %c0_i32, %arg0, %c0_i32_0 : i32, i32, i32
  }
  func.func @transform_2(%arg0: i32) -> (i32, i32, i32) {
    %c1_i32 = arith.constant 1 : i32
    %c0_i32 = arith.constant 0 : i32
    %c0_i32_0 = arith.constant 0 : i32
    return %c1_i32, %arg0, %c0_i32 : i32, i32, i32
  }
  func.func @transform_3(%arg0: i32) -> (i32, i32) {
    %c0_i32 = arith.constant 0 : i32
    %c0_i32_0 = arith.constant 0 : i32
    return %arg0, %c0_i32 : i32, i32
  }
}

module attributes {stable_mosaic.version = 14 : i64} {
  func.func @_tc_3_body(%arg0: i32, %arg1: memref<1x10000x128xf32, #tpu.memory_space<vmem>>, %arg2: memref<1x10000x128xf32, #tpu.memory_space<vmem>>, %arg3: memref<10000x128xf32, #tpu.memory_space<vmem>>, %arg4: memref<10000x40xf32, #tpu.memory_space<vmem>>, %arg5: memref<1x40xf32, #tpu.memory_space<vmem>>, %arg6: memref<10000x40xf32, #tpu.memory_space<vmem>>) attributes {dimension_semantics = [#tpu.dimension_semantics<arbitrary>], iteration_bounds = array<i64: 1>, scalar_prefetch = 0 : i64, scratch_operands = 0 : i64, tpu.core_type = #tpu.core_type<tc>, window_params = [{transform_indices = @transform_0, window_bounds = array<i64: 1, 10000, 128>}, {transform_indices = @transform_1, window_bounds = array<i64: 1, 10000, 128>}, {transform_indices = @transform_2, window_bounds = array<i64: 10000, 128>}, {transform_indices = @transform_3, window_bounds = array<i64: 10000, 40>}, {pipeline_mode = #tpu.pipeline_mode<synchronous>, transform_indices = @transform_4, window_bounds = array<i64: 1, 40>}, {transform_indices = @transform_5, window_bounds = array<i64: 10000, 40>}]} {
    %get3A = arith.constant 0 : index
    %get3A_0 = arith.constant 16 : index
    %get3A_1 = vector.load %arg3[%get3A, %get3A_0] : memref<10000x128xf32, #tpu.memory_space<vmem>>, vector<10000x1xf32>
    %get3A_2 = arith.constant 0 : index
    %get3A_3 = arith.constant 0 : index
    %get3A_4 = arith.constant 0 : index
    %get3A_5 = vector.load %arg1[%get3A_2, %get3A_3, %get3A_4] : memref<1x10000x128xf32, #tpu.memory_space<vmem>>, vector<1x10000x40xf32>
    %get3A_6 = vector.shape_cast %get3A_5 : vector<1x10000x40xf32> to vector<10000x40xf32>
    %get3A_7 = arith.constant 0 : index
    %get3A_8 = arith.constant 0 : index
    %get3A_9 = arith.constant 0 : index
    %get3A_10 = vector.load %arg2[%get3A_7, %get3A_8, %get3A_9] : memref<1x10000x128xf32, #tpu.memory_space<vmem>>, vector<1x10000x40xf32>
    %get3A_11 = vector.shape_cast %get3A_10 : vector<1x10000x40xf32> to vector<10000x40xf32>
    %add3A = arith.addf %get3A_6, %get3A_11 : vector<10000x40xf32>
    %get3A_12 = arith.constant 0 : index
    %get3A_13 = arith.constant 0 : index
    %get3A_14 = vector.load %arg4[%get3A_12, %get3A_13] : memref<10000x40xf32, #tpu.memory_space<vmem>>, vector<10000x40xf32>
    %add3A_15 = arith.addf %add3A, %get3A_14 : vector<10000x40xf32>
    %mul3A = vector.broadcast %get3A_1 : vector<10000x1xf32> to vector<10000x40xf32>
    %mul3A_16 = arith.mulf %add3A_15, %mul3A : vector<10000x40xf32>
    %get3A_17 = arith.constant 0 : index
    %get3A_18 = arith.constant 0 : index
    %get3A_19 = vector.load %arg5[%get3A_17, %get3A_18] : memref<1x40xf32, #tpu.memory_space<vmem>>, vector<1x40xf32>
    %add3A_20 = vector.broadcast %get3A_19 : vector<1x40xf32> to vector<10000x40xf32>
    %add3A_21 = arith.addf %mul3A_16, %add3A_20 : vector<10000x40xf32>
    %reduce_max3A = arith.constant dense<0xFF800000> : vector<10000xf32>
    %reduce_max3A_22 = vector.multi_reduction <maximumf>, %add3A_21, %reduce_max3A [1] : vector<10000x40xf32> to vector<10000xf32>
    %broadcast_in_dim3A = vector.shape_cast %reduce_max3A_22 : vector<10000xf32> to vector<10000x1xf32>
    %sub3A = vector.broadcast %broadcast_in_dim3A : vector<10000x1xf32> to vector<10000x40xf32>
    %sub3A_23 = arith.subf %add3A_21, %sub3A : vector<10000x40xf32>
    %exp3A = math.exp %sub3A_23 : vector<10000x40xf32>
    %reduce_sum3A = arith.constant dense<0.000000e+00> : vector<10000xf32>
    %reduce_sum3A_24 = vector.multi_reduction <add>, %exp3A, %reduce_sum3A [1] : vector<10000x40xf32> to vector<10000xf32>
    %broadcast_in_dim3A_25 = vector.shape_cast %reduce_sum3A_24 : vector<10000xf32> to vector<10000x1xf32>
    %log3A = math.log %broadcast_in_dim3A_25 : vector<10000x1xf32>
    %add3A_26 = arith.addf %log3A, %broadcast_in_dim3A : vector<10000x1xf32>
    %sub3A_27 = vector.broadcast %add3A_26 : vector<10000x1xf32> to vector<10000x40xf32>
    %sub3A_28 = arith.subf %add3A_21, %sub3A_27 : vector<10000x40xf32>
    %swap3A = arith.constant 0 : index
    %swap3A_29 = arith.constant 0 : index
    %swap3A_30 = vector.load %arg6[%swap3A, %swap3A_29] : memref<10000x40xf32, #tpu.memory_space<vmem>>, vector<10000x40xf32>
    tpu.vector_store %arg6[%swap3A, %swap3A_29], %sub3A_28 {strides = array<i32>} : memref<10000x40xf32, #tpu.memory_space<vmem>>, vector<10000x40xf32>,
    return
  }
  func.func @transform_0(%arg0: i32) -> (i32, i32, i32) {
    %c0_i32 = arith.constant 0 : i32
    %c0_i32_0 = arith.constant 0 : i32
    %c0_i32_1 = arith.constant 0 : i32
    return %c0_i32, %arg0, %c0_i32_0 : i32, i32, i32
  }
  func.func @transform_1(%arg0: i32) -> (i32, i32, i32) {
    %c1_i32 = arith.constant 1 : i32
    %c0_i32 = arith.constant 0 : i32
    %c0_i32_0 = arith.constant 0 : i32
    return %c1_i32, %arg0, %c0_i32 : i32, i32, i32
  }
  func.func @transform_2(%arg0: i32) -> (i32, i32) {
    %c0_i32 = arith.constant 0 : i32
    %c0_i32_0 = arith.constant 0 : i32
    return %arg0, %c0_i32 : i32, i32
  }
  func.func @transform_3(%arg0: i32) -> (i32, i32) {
    %c0_i32 = arith.constant 0 : i32
    %c0_i32_0 = arith.constant 0 : i32
    return %arg0, %c0_i32 : i32, i32
  }
  func.func @transform_4(%arg0: i32) -> (i32, i32) {
    %c0_i32 = arith.constant 0 : i32
    %c0_i32_0 = arith.constant 0 : i32
    %c0_i32_1 = arith.constant 0 : i32
    return %c0_i32, %c0_i32_0 : i32, i32
  }
  func.func @transform_5(%arg0: i32) -> (i32, i32) {
    %c0_i32 = arith.constant 0 : i32
    %c0_i32_0 = arith.constant 0 : i32
    return %arg0, %c0_i32 : i32, i32
  }
}

</mosaic_0001>

<sc_bundles>
// kernel: kernel.12.cloned.1.call-start
scs
__scs_entry_jumppad:
0x0: {  	(pc) =	sbr.rel $0x88, $3  }
0x1: {  	(tag) =	ssettag $0x0;
	lr =	simm.s32 $0x1  }
0x2: {  	[smem:$0x3F9B] =	sst lr;
	_ =	strace $0xD0000000  }
0x3: {  	_ = 	snop  }
0x4: {  	_ = 	snop  }
0x5: {  	_ = 	snop  }
0x6: {  	_ = 	snop  }
0x7: {  	_ = 	snop  }
__scs_overlays_trampoline_lowered:
0x8: {  	[smem:$0x3FAA] =	sst s0  }
0x9: {  	[smem:$0x3FAB] =	sst s1  }
0xa: {  	[smem:$0x3FAC] =	sst s2  }
0xb: {  	[smem:$0x3FAD] =	sst s3  }
0xc: {  	[smem:$0x3FAE] =	sst s4  }
0xd: {  	[smem:$0x3FAF] =	sst s5  }
0xe: {  	[smem:$0x3FB0] =	sst s6  }
0xf: {  	[smem:$0x3FB1] =	sst s7  }
0x10: {  	[smem:$0x3FB2] =	sst s8  }
0x11: {  	[smem:$0x3FB3] =	sst s9;
	s0 =	simm.s32 @!p0 $0x0  }
0x12: {  	s1 =	sld [smem:$0x3F99];
	s0 =	simm.s32 @p0 $0x1  }
0x13: {  	[smem:$0x3FB4] =	sst s0;
	s0 =	simm.s32 @!p1 $0x0  }
0x14: {  	s2 =	sld [smem:$0x3F98];
	s0 =	simm.s32 @p1 $0x1  }
0x15: {  	[smem:$0x3FB5] =	sst s0;
	s0 =	simm.s32 @!p2 $0x0  }
0x16: {  	s3 =	sld [smem:$0x3FDB];
	s0 =	simm.s32 @p2 $0x1  }
0x17: {  	s4 =	simm.s32 $0x1BF5;
	[smem:$0x3FB7] =	sst s0  }
0x18: {  	s0 =	sld [smem:$0x3F9A];
	_ =	swait.ge [sflag:s4], $0x0  }
0x19: {  	s7 =	sld [smem:$0x3F9B]  }
0x1a: {  	s8 =	sadd.s32 $0xFFFFE003, lr  }
0x1b: {  	s9 =	sadd.s32 $0xFFFFFEF7, lr;
	s5 =	simm.s32 $0xFFFFFFFF;
	p2 =	slt.u32 s8, $0xFFFFF086  }
0x1c: {  	p1 =	slt.u32 s9, $0xF7A;
	s5 =	simm.s32 @!p2 $0x0  }
0x1d: {  	s5 =	simm.s32 @p1 $0x1;
	p0 =	seq.s32 s7, s2  }
0x1e: {  	s7 =	smul.u32 @!p0 $0xF7A, s2;
	p2 =	seq.s32 @!p0 s5, $0x0  }
0x1f: {  	s9 =	smul.u32 $0xF7A, s1;
	s8 =	simm.s32 @!p0 $0x1BF5;
	p2 =	por !p2, p0  }
0x20: {  	[sflag:s8] =	ssyncset.s32 @!p0 $0xFFFFF086;
	s6 =	sadd.s32 @!p0 s3, s7;
	s7 =	simm.s32 @!p0 $0x108  }
0x21: {  	s3 =	sadd.s32 s3, s9;
	s6 =	sadd.s32 @!p0 $0x88, s6;
	s7 =	simm.s32 @p2 $0x1082  }
0x22: {  	[simem:s7], [sflag:s8] =	dma.local @!p0 [hbm:s6], $0xF7A  }
0x23: {  	s9 =	sor.u32 $0xD0000000, s2;
	s6 =	simm.s32 $0x108;
	_ =	swait.ge @!p0 [sflag:s8], $0x0  }
0x24: {  	s3 =	sadd.s32 $0x88, s3;
	s6 =	simm.s32 @!p1 $0x1082;
	[sflag:s4] =	ssyncset.s32 $0xFFFFF086  }
0x25: {  	[simem:s6], [sflag:s4] =	dma.local [hbm:s3], $0xF7A  }
0x26: {  	[smem:$0x3F9B] =	sst s1;
	(tag) =	ssettag s2;
	_ =	strace s9  }
0x27: {  	s1 =	sld [smem:$0x3FAB]  }
0x28: {  	s2 =	sld [smem:$0x3FAC]  }
0x29: {  	s4 =	sld [smem:$0x3FAE]  }
0x2a: {  	p0 =	seq.s32 s5, $0x0;
	s5 =	sld [smem:$0x3FAF]  }
0x2b: {  	s6 =	sld [smem:$0x3FB0]  }
0x2c: {  	s7 =	sld [smem:$0x3FB1]  }
0x2d: {  	s3 =	simm.s32 $0x108;
	s8 =	sld [smem:$0x3FB2]  }
0x2e: {  	s3 =	simm.s32 @!p0 $0x1082;
	s9 =	sld [smem:$0x3FB3]  }
0x2f: {  	lr =	sadd.s32 s0, s3;
	s0 =	sld [smem:$0x3FAA]  }
0x30: {  	s3 =	sld [smem:$0x3FAD]  }
0x31: {  	[smem:$0x3FB6] =	sst s10  }
0x32: {  	s10 =	sld [smem:$0x3FB4];
	_ =	sdelay $0x3  }
0x33: {  	p0 =	seq.s32 s10, $0x1;
	s10 =	sld [smem:$0x3FB6];
	_ =	sdelay $0x3  }
0x34: {  	[smem:$0x3FB6] =	sst s10  }
0x35: {  	s10 =	sld [smem:$0x3FB5];
	_ =	sdelay $0x3  }
0x36: {  	p1 =	seq.s32 s10, $0x1;
	s10 =	sld [smem:$0x3FB6];
	_ =	sdelay $0x3  }
0x37: {  	[smem:$0x3FB6] =	sst s10  }
0x38: {  	s10 =	sld [smem:$0x3FB7]  }
0x39: {  	_ = 	snop;
	(pc) =	sbr.ind lr, $3  }
0x3a: {  	_ = 	snop  }
0x3b: {  	_ = 	snop  }
0x3c: {  	p2 =	seq.s32 s10, $0x1;
	s10 =	sld [smem:$0x3FB6]  }
0x3d: {  	_ =	shalt  }
0x3e: {  	_ =	shalt  }
0x3f: {  	_ =	shalt  }
0x40: {  	_ =	shalt  }
0x41: {  	_ =	shalt  }
0x42: {  	_ =	shalt  }
0x43: {  	_ =	shalt  }
0x44: {  	_ =	shalt  }
0x45: {  	_ =	shalt  }
0x46: {  	_ =	shalt  }
0x47: {  	_ =	shalt  }
0x48: {  	_ =	shalt  }
0x49: {  	_ =	shalt  }
0x4a: {  	_ =	shalt  }
0x4b: {  	_ =	shalt  }
0x4c: {  	_ =	shalt  }
0x4d: {  	_ =	shalt  }
0x4e: {  	_ =	shalt  }
0x4f: {  	_ =	shalt  }
0x50: {  	_ =	shalt  }
0x51: {  	_ =	shalt  }
0x52: {  	_ =	shalt  }
0x53: {  	_ =	shalt  }
0x54: {  	_ =	shalt  }
0x55: {  	_ =	shalt  }
0x56: {  	_ =	shalt  }
0x57: {  	_ =	shalt  }
0x58: {  	_ =	shalt  }
0x59: {  	_ =	shalt  }
0x5a: {  	_ =	shalt  }
0x5b: {  	_ =	shalt  }
0x5c: {  	_ =	shalt  }
0x5d: {  	_ =	shalt  }
0x5e: {  	_ =	shalt  }
0x5f: {  	_ =	shalt  }
0x60: {  	_ =	shalt  }
0x61: {  	_ =	shalt  }
0x62: {  	_ =	shalt  }
0x63: {  	_ =	shalt  }
0x64: {  	_ =	shalt  }
0x65: {  	_ =	shalt  }
0x66: {  	_ =	shalt  }
0x67: {  	_ =	shalt  }
0x68: {  	_ =	shalt  }
0x69: {  	_ =	shalt  }
0x6a: {  	_ =	shalt  }
0x6b: {  	_ =	shalt  }
0x6c: {  	_ =	shalt  }
0x6d: {  	_ =	shalt  }
0x6e: {  	_ =	shalt  }
0x6f: {  	_ =	shalt  }
0x70: {  	_ =	shalt  }
0x71: {  	_ =	shalt  }
0x72: {  	_ =	shalt  }
0x73: {  	_ =	shalt  }
0x74: {  	_ =	shalt  }
0x75: {  	_ =	shalt  }
0x76: {  	_ =	shalt  }
0x77: {  	_ =	shalt  }
0x78: {  	_ =	shalt  }
0x79: {  	_ =	shalt  }
0x7a: {  	_ =	shalt  }
0x7b: {  	_ =	shalt  }
0x7c: {  	_ =	shalt  }
0x7d: {  	_ =	shalt  }
0x7e: {  	_ =	shalt  }
0x7f: {  	_ =	shalt  }
0x80: {  	_ =	shalt  }
0x81: {  	_ =	shalt  }
0x82: {  	_ =	shalt  }
0x83: {  	_ =	shalt  }
0x84: {  	_ =	shalt  }
0x85: {  	_ =	shalt  }
0x86: {  	_ =	shalt  }
0x87: {  	_ =	shalt  }
.Lfunc_end0:
.L_simem_size_0:
called_computation.1_lowered:
.L_overlay_start_0:
0x88: {  	s2 =	sld [smem:$0x3FD9]  }
0x89: {  	s3 =	sld [smem:$0x3FFE];
	_ =	sdelay $0x1  }
0x8a: {  	s1 =	srdreg.scid  }
0x8b: {  	s0 =	sand.u32 $0x1, s1  }
0x8c: {  	s17 =	sshll.u32 s0, $0xA;
	s2 =	sadd.s32 s3, s2  }
0x8d: {  	s2 =	sadd.s32 s2, s17  }
0x8e: {  	[smem:$0x3FC2] =	sst s2  }
0x8f: {  	_ = 	snop  }
0x90: {  	s2 =	sld [smem:$0x3FD0];
	(tm) =	ssettm $0x1  }
0x91: {  	s18 =	sld [smem:$0x3FFB];
	_ =	sdelay $0x3  }
0x92: {  	_ =	strace s18  }
0x93: {  	s3 =	sld [smem:$0x3FFC];
	_ =	sdelay $0x3  }
0x94: {  	_ =	strace s3  }
0x95: {  	s3 =	sld [smem:$0x3FFD];
	_ =	sdelay $0x3  }
0x96: {  	_ =	strace s3  }
0x97: {  	_ =	strace $0x8FFFFFFF  }
0x98: {  	s19 =	sld [smem:$0x3FDB];
	_ =	sdelay $0x1  }
0x99: {  	s4 =	simm.s32 $_scs_section_size  }
0x9a: {  	s5 =	simm.s32 $_size__tile_overlayer_lowered;
	s6 =	simm.s32 $_tile_overlayer_lowered  }
0x9b: {  	s22 =	simm.s32 $0x1BFF;
	s21 =	sshll.u32 s6, $0x1;
	s3 =	sadd.s32 s4, s19  }
0x9c: {  	s7 =	simm.s32 $0x0;
	s20 =	sshll.u32 s5, $0x1;
	s5 =	sadd.s32 s21, s3  }
0x9d: {  	[timem:s7], [sflag:s22] =	dma.local [hbm:s5], s20  }
0x9e: {  	_ =	swait.ge [sflag:s22], s20  }
0x9f: {  	s4 =	ssub.s32 $0x0, s20;
	[sflag:s22] =	ssyncset.done $0x0  }
0xa0: {  	[sflag:s22] =	ssyncadd.s32 s4;
	_ =	sdelay $0x1  }
0xa1: {  	s23 =	simm.s32 $0x1B8B  }
0xa2: {  	_ =	swait.ge [sflag:s23], $0x1  }
0xa3: {  	[sflag:s23] =	ssyncset.done $0x0  }
0xa4: {  	s25 =	simm.s32 $0x1B8E;
	s24 =	sld [smem:$0x3FFE];
	[sflag:s23] =	ssyncadd.s32 $0xFFFFFFFF  }
0xa5: {  	s26 =	simm.s32 $execute0_lowered;
	[smem:$0x3FD2] =	sst s25  }
0xa6: {  	s5 =	sshll.u32 s26, $0x1;
	_ =	strace $0x80000049;
	[dreg:$0x1] =	wrdreg $0xFFFFFFFF  }
0xa7: {  	s28 =	simm.s32 $_size_execute0_lowered;
	s3 =	sadd.s32 s3, s5;
	[dreg:$0x0] =	wrdreg $0x0  }
0xa8: {  	s5 =	sshll.u32 s28, $0x1;
	[dreg:$0x2] =	wrdreg s3  }
0xa9: {  	[dreg:$0x3] =	wrdreg s5  }
0xaa: {  	[dreg:$0x4] =	wrdreg $0xC0  }
0xab: {  	_ =	task [dreg:s7], $0x5FFFF  }
0xac: {  	[dreg:$0x1] =	wrdreg $0xFFFFFFFF  }
0xad: {  	[dreg:$0x0] =	wrdreg $0x60  }
0xae: {  	[dreg:$0x2] =	wrdreg s24  }
0xaf: {  	[dreg:$0x3] =	wrdreg s2  }
0xb0: {  	[dreg:$0x4] =	wrdreg $0xDA200  }
0xb1: {  	[dreg:$0x5] =	wrdreg $0x12A200  }
0xb2: {  	[dreg:$0x6] =	wrdreg $0x9  }
0xb3: {  	_ =	task.clear_ibuf [dreg:s7], $0x7FFFF;
	_ =	strace $0x90000049  }
0xb4: {  	s29 =	simm.s32 $0x9;
	_ =	strace $0x8000004B  }
0xb5: {  	_ =	swait.ge [sflag:s29], $0x1  }
0xb6: {  	[sflag:s29] =	ssyncadd.s32 $0xFFFFFFFF  }
0xb7: {  	_ =	strace $0x9000004B  }
0xb8: {  	_ =	sfence  }
0xb9: {  	s30 =	sld [smem:$0x0];
	_ =	sdelay $0x2  }
0xba: {  	s31 =	sshll.u32 s1, $0xD;
	s1 =	sshrl.u32 s1, $0x2  }
0xbb: {  	s3 =	sand.u32 $0x4000, s31;
	s1 =	sadd.s32 s1, s30  }
0xbc: {  	s0 =	sor.u32 s3, s0;
	s1 =	sshll.u32 s1, $0x11  }
0xbd: {  	s0 =	sor.u32 s1, s0  }
0xbe: {  	s0 =	sadd.s32 $0x8F2B, s0  }
0xbf: {  	[sflag:s0] =	ssyncadd.remote.s32 $0x1  }
0xc0: {  	_ =	sfence.sel $0xFFFF  }
0xc1: {  	[dreg:$0x0] =	wrdreg $0xFFFFFFFF;
	(pc) =	sbr.abs _section_cstart, $3  }
0xc2: {  	[dreg:$0x1] =	wrdreg $0xFFFFFFFF  }
0xc3: {  	_ =	task.clear_ibuf [dreg:s7], $0x2FFFF;
	_ =	strace $0x9FFFFFFF  }
0xc4: {  	(tm) =	ssettm $0x7FFFFFFF  }
0xc5: {  	_ =	shalt  }
tec
execute0_lowered:
.L_overlay_start_1:
0x0: {  	(tag) =	ssettag $0x1  }
0x1: {  	s0 =	rddreg [dreg:$0x0]  }
0x2: {  	s1 =	rddreg [dreg:$0x1]  }
0x3: {  	s2 =	rddreg [dreg:$0x2]  }
0x4: {  	s3 =	rddreg [dreg:$0x3];
	s14 =	stileid.u32;
	s4 =	simm.s32 $0x0  }
0x5: {  	s6 =	srdreg.scid;
	s15 =	simm.s32 $0x10;
	s17 =	simm.s32 $0x10220  }
0x6: {  	s18 =	simm.s32 $0x50;
	s28 =	simm.s32 $0x8A20;
	s29 =	simm.s32 $0x410  }
0x7: {  	s30 =	simm.s32 $0x8F20;
	s31 =	simm.s32 $0x2;
	s5 =	smul.u32 $0x14000, s14  }
0x8: {  	[smem:$0x7FF] =	sst s4;
	s6 =	sand.u32 $0x1, s6;
	s7 =	sshll.u32 s14, $0x1  }
0x9: {  	s11 =	smul.u32 $0x2800, s14;
	s26 =	sshll.u32 s14, $0x6;
	s14 =	simm.s32 $0x3  }
0xa: {  	s7 =	sor.u32 s6, s7;
	s9 =	smul.u32 $0x140000, s6;
	_ =	strace $0x8000004A  }
0xb: {  	s6 =	ssub.s32 $0x2, s6;
	s8 =	sshrl.u32 s5, $0x3;
	s7 =	smul.u32 $0x4E2, s7  }
0xc: {  	s24 =	sshrl.u32 s6, $0x1;
	s25 =	sshrl.u32 s11, $0x3;
	s13 =	sadd.s32 s11, s2  }
0xd: {  	s10 =	sadd.s32 s8, s0;
	s5 =	sadd.s32 s5, s9;
	s12 =	ssub.s32 s6, s24  }
0xe: {  	s6 =	sor.u32 $0x1C03, s26;
	s13 =	sshrl.u32 s13, $0x3;
	s24 =	simm.s32 $0x370  }
.Ltmp0:
0xf: {  	s26 =	simm.s32 $0x3C0;
	s23 =	sadd.s32 s7, s0;
	(pc) =	sbr.rel .LBB2_1-.Ltmp0, $4  }
0x10: {  	s5 =	sshrl.u32 s5, $0x3;
	s9 =	sadd.s32 $0x15E00, s10;
	s10 =	sadd.s32 s11, s3  }
0x11: {  	s12 =	smax.u32 s12, $0x1;
	s0 =	sadd.s32 s5, s0;
	s5 =	sadd.s32 s1, s25  }
0x12: {  	s7 =	sadd.s32 $0x2200, s23;
	s8 =	sadd.s32 $0xC000, s23;
	s25 =	simm.s32 $0x8520  }
0x13: {  	s1 =	simm.s32 $0x0;
	s11 =	sadd.s32 $0x3DE00, s0;
	s0 =	simm.s32 $0x1  }
.LBB2_7:
0x14: {  	_ =	swait.ge [sflag:s31], $0x500  }
0x15: {  	[sflag:s31] =	ssyncset.done $0x0  }
0x16: {  	[sflag:s31] =	ssyncadd.s32 $0xFFFFFB00  }
0x17: {  	_ =	swait.ge [sflag:s31], $0x500  }
0x18: {  	[sflag:s31] =	ssyncset.done $0x0  }
0x19: {  	[sflag:s31] =	ssyncadd.s32 $0xFFFFFB00  }
0x1a: {  	_ =	swait.ge [sflag:s31], $0x500  }
0x1b: {  	[sflag:s31] =	ssyncset.done $0x0  }
0x1c: {  	[sflag:s31] =	ssyncadd.s32 $0xFFFFFB00  }
0x1d: {  	_ =	swait.ge [sflag:s31], $0x500  }
0x1e: {  	[sflag:s31] =	ssyncset.done $0x0  }
0x1f: {  	[sflag:s31] =	ssyncadd.s32 $0xFFFFFB00  }
0x20: {  	_ =	swait.ge [sflag:s31], $0x500  }
0x21: {  	[sflag:s31] =	ssyncset.done $0x0  }
0x22: {  	[sflag:s31] =	ssyncadd.s32 $0xFFFFFB00  }
0x23: {  	_ =	swait.ge [sflag:s31], $0x500  }
0x24: {  	[sflag:s31] =	ssyncset.done $0x0  }
0x25: {  	[sflag:s31] =	ssyncadd.s32 $0xFFFFFB00  }
0x26: {  	_ =	swait.ge [sflag:s31], $0x500  }
0x27: {  	[sflag:s31] =	ssyncset.done $0x0  }
0x28: {  	[sflag:s31] =	ssyncadd.s32 $0xFFFFFB00  }
0x29: {  	_ =	swait.ge [sflag:s31], $0x500  }
0x2a: {  	[sflag:s31] =	ssyncset.done $0x0  }
0x2b: {  	[sflag:s31] =	ssyncadd.s32 $0xFFFFFB00  }
0x2c: {  	_ =	swait.ge [sflag:s31], $0x500  }
0x2d: {  	[sflag:s31] =	ssyncset.done $0x0  }
0x2e: {  	[sflag:s31] =	ssyncadd.s32 $0xFFFFFB00  }
0x2f: {  	_ =	swait.ge [sflag:s31], $0x500  }
0x30: {  	[sflag:s31] =	ssyncset.done $0x0  }
0x31: {  	[sflag:s31] =	ssyncadd.s32 $0xFFFFFB00  }
0x32: {  	_ =	swait.ge [sflag:s31], $0x500  }
0x33: {  	[sflag:s31] =	ssyncset.done $0x0  }
0x34: {  	[sflag:s31] =	ssyncadd.s32 $0xFFFFFB00  }
0x35: {  	_ =	swait.ge [sflag:s31], $0x500  }
0x36: {  	[sflag:s31] =	ssyncset.done $0x0  }
0x37: {  	[sflag:s31] =	ssyncadd.s32 $0xFFFFFB00  }
0x38: {  	_ =	swait.ge [sflag:s31], $0x500  }
0x39: {  	[sflag:s31] =	ssyncset.done $0x0  }
0x3a: {  	[sflag:s31] =	ssyncadd.s32 $0xFFFFFB00  }
0x3b: {  	_ =	swait.ge [sflag:s31], $0x500  }
0x3c: {  	[sflag:s31] =	ssyncset.done $0x0  }
0x3d: {  	[sflag:s31] =	ssyncadd.s32 $0xFFFFFB00  }
0x3e: {  	_ =	swait.ge [sflag:s31], $0x500  }
0x3f: {  	[sflag:s31] =	ssyncset.done $0x0  }
0x40: {  	[sflag:s31] =	ssyncadd.s32 $0xFFFFFB00  }
0x41: {  	_ =	swait.ge [sflag:s31], $0x500  }
0x42: {  	[sflag:s31] =	ssyncset.done $0x0  }
0x43: {  	[sflag:s31] =	ssyncadd.s32 $0xFFFFFB00  }
0x44: {  	_ =	swait.ge [sflag:s31], $0x500  }
0x45: {  	[sflag:s31] =	ssyncset.done $0x0  }
0x46: {  	[sflag:s31] =	ssyncadd.s32 $0xFFFFFB00  }
0x47: {  	_ =	swait.ge [sflag:s31], $0x500  }
0x48: {  	[sflag:s31] =	ssyncset.done $0x0  }
0x49: {  	[sflag:s31] =	ssyncadd.s32 $0xFFFFFB00  }
0x4a: {  	_ =	swait.ge [sflag:s31], $0x500  }
0x4b: {  	[sflag:s31] =	ssyncset.done $0x0  }
0x4c: {  	[sflag:s31] =	ssyncadd.s32 $0xFFFFFB00  }
0x4d: {  	_ =	swait.ge [sflag:s31], $0x500  }
0x4e: {  	[sflag:s31] =	ssyncset.done $0x0  }
0x4f: {  	[sflag:s31] =	ssyncadd.s32 $0xFFFFFB00  }
0x50: {  	_ =	swait.ge [sflag:s31], $0x500  }
0x51: {  	[sflag:s31] =	ssyncset.done $0x0  }
0x52: {  	[sflag:s31] =	ssyncadd.s32 $0xFFFFFB00  }
0x53: {  	_ =	swait.ge [sflag:s31], $0x500  }
0x54: {  	[sflag:s31] =	ssyncset.done $0x0  }
0x55: {  	[sflag:s31] =	ssyncadd.s32 $0xFFFFFB00  }
0x56: {  	_ =	swait.ge [sflag:s31], $0x500  }
0x57: {  	[sflag:s31] =	ssyncset.done $0x0  }
0x58: {  	[sflag:s31] =	ssyncadd.s32 $0xFFFFFB00  }
0x59: {  	_ =	swait.ge [sflag:s31], $0x500  }
0x5a: {  	[sflag:s31] =	ssyncset.done $0x0  }
0x5b: {  	[sflag:s31] =	ssyncadd.s32 $0xFFFFFB00  }
0x5c: {  	_ =	swait.ge [sflag:s31], $0x500  }
0x5d: {  	[sflag:s31] =	ssyncset.done $0x0  }
0x5e: {  	[sflag:s31] =	ssyncadd.s32 $0xFFFFFB00  }
0x5f: {  	_ =	swait.ge [sflag:s31], $0x500  }
0x60: {  	[sflag:s31] =	ssyncset.done $0x0  }
0x61: {  	[sflag:s31] =	ssyncadd.s32 $0xFFFFFB00  }
0x62: {  	_ =	swait.ge [sflag:s31], $0x500  }
0x63: {  	[sflag:s31] =	ssyncset.done $0x0  }
0x64: {  	[sflag:s31] =	ssyncadd.s32 $0xFFFFFB00  }
0x65: {  	_ =	swait.ge [sflag:s31], $0x500  }
0x66: {  	s1 =	sadd.s32 $0x1, s1;
	[sflag:s31] =	ssyncset.done $0x0  }
0x67: {  	p0 =	sne.s32 s1, s12;
	[sflag:s31] =	ssyncadd.s32 $0xFFFFFB00  }
.Ltmp1:
0x68: {  	[bflag:$0x0] =	sbarrier.arrive $0xFFFF;
	(pc) =	sbr.rel @!p0 .LBB2_8-.Ltmp1, $4  }
0x69: {  	[hbm:s11@s15], [sflag:s6] =	dma.strided [spmem:s13@s31], $0x500, s0, $0x2   }
0x6a: {  	_ =	swait.ge [sflag:s14], $0x500  }
0x6b: {  	[sflag:s14] =	ssyncset.done $0x0  }
0x6c: {  	[sflag:s14] =	ssyncadd.s32 $0xFFFFFB00  }
.LBB2_1:
0x6d: {  	[spmem:s13], [sflag:s6] =	dma.local [hbm:s5], $0x500  }
0x6e: {  	_ =	swait.ge [sflag:s14], $0x500  }
0x6f: {  	[sflag:s14] =	ssyncset.done $0x0  }
0x70: {  	[sflag:s14] =	ssyncadd.s32 $0xFFFFFB00  }
0x71: {  	[tilespmem:s4], [sflag:$0x3] =	stream.linear.gather [hbm4b:s7+s4], $0x2710, $0x38;
	[tilespmem:$0x15220] =	vst v63  }
0x72: {  	_ =	swait.ge [sflag:s14], $0x2710  }
0x73: {  	[sflag:s14] =	ssyncset.done $0x0  }
0x74: {  	s16 =	simm.s32 $0x2710;
	[sflag:s14] =	ssyncadd.s32 $0xFFFFD8F0  }
0x75: {  	[tilespmem:s16], [sflag:$0x3] =	stream.linear.gather [hbm4b:s8+s4], $0x2710, $0x38;
	[tilespmem:$0x15220] =	vst v63  }
0x76: {  	_ =	swait.ge [sflag:s14], $0x2710  }
0x77: {  	[sflag:s14] =	ssyncset.done $0x0  }
0x78: {  	s19 =	simm.s32 $0x80;
	[sflag:s14] =	ssyncadd.s32 $0xFFFFD8F0  }
0x79: {  	[tilespmem:s17], [sflag:$0x3] =	stream.strided.gather [hbm4b:s9+s15], $0x2800, s19, s15, $0x38;
	[tilespmem:$0x15220] =	vst v63  }
0x7a: {  	_ =	swait.ge [sflag:s14], $0x2800  }
0x7b: {  	[sflag:s14] =	ssyncset.done $0x0  }
0x7c: {  	[sflag:s14] =	ssyncadd.s32 $0xFFFFD800  }
0x7d: {  	[spmem:s10] =	stream.linear.scatter [tilespmem:s17], [sflag:$0x3], $0x2800, $0x38;
	[tilespmem:$0x15220] =	vst v63  }
0x7e: {  	_ =	swait.ge [sflag:s14], $0x2800  }
0x7f: {  	[sflag:s14] =	ssyncset.done $0x0  }
0x80: {  	[sflag:s14] =	ssyncadd.s32 $0xFFFFD800  }
0x81: {  	s21 =	simm.s32 $0x4E20;
	[bflag:$0x0] =	sbarrier.arrive $0xFFFF  }
0x82: {  	[tilespmem:s21], [sflag:$0x1] =	stream.indirect.gather [spmem:s3], $0x10, s4, s18, $0xb8;
	[tilespmem:$0x15220] =	vst v63  }
0x83: {  	s22 =	simm.s32 $0x5320  }
0x84: {  	[tilespmem:s22], [sflag:$0x1] =	stream.indirect.gather [spmem:s3], $0x10, s18, s18, $0xb8;
	[tilespmem:$0x15220] =	vst v63  }
0x85: {  	s23 =	simm.s32 $0xA0;
	s20 =	simm.s32 $0x5820  }
0x86: {  	[tilespmem:s20], [sflag:$0x1] =	stream.indirect.gather [spmem:s3], $0x10, s23, s18, $0xb8;
	[tilespmem:$0x15220] =	vst v63  }
0x87: {  	s21 =	simm.s32 $0x5D20;
	s20 =	simm.s32 $0xF0  }
0x88: {  	[tilespmem:s21], [sflag:$0x1] =	stream.indirect.gather [spmem:s3], $0x10, s20, s18, $0xb8;
	[tilespmem:$0x15220] =	vst v63  }
0x89: {  	s22 =	simm.s32 $0x140;
	s23 =	simm.s32 $0x6220  }
0x8a: {  	[tilespmem:s23], [sflag:$0x1] =	stream.indirect.gather [spmem:s3], $0x10, s22, s18, $0xb8;
	[tilespmem:$0x15220] =	vst v63  }
0x8b: {  	s20 =	simm.s32 $0x190;
	s21 =	simm.s32 $0x6720  }
0x8c: {  	[tilespmem:s21], [sflag:$0x1] =	stream.indirect.gather [spmem:s3], $0x10, s20, s18, $0xb8;
	[tilespmem:$0x15220] =	vst v63  }
0x8d: {  	s22 =	simm.s32 $0x1E0;
	s23 =	simm.s32 $0x6C20  }
0x8e: {  	[tilespmem:s23], [sflag:$0x1] =	stream.indirect.gather [spmem:s3], $0x10, s22, s18, $0xb8;
	[tilespmem:$0x15220] =	vst v63  }
0x8f: {  	s20 =	simm.s32 $0x230;
	s21 =	simm.s32 $0x7120  }
0x90: {  	[tilespmem:s21], [sflag:$0x1] =	stream.indirect.gather [spmem:s3], $0x10, s20, s18, $0xb8;
	[tilespmem:$0x15220] =	vst v63  }
0x91: {  	s22 =	simm.s32 $0x280;
	s23 =	simm.s32 $0x7620  }
0x92: {  	[tilespmem:s23], [sflag:$0x1] =	stream.indirect.gather [spmem:s3], $0x10, s22, s18, $0xb8;
	[tilespmem:$0x15220] =	vst v63  }
0x93: {  	s20 =	simm.s32 $0x2D0;
	s21 =	simm.s32 $0x7B20  }
0x94: {  	[tilespmem:s21], [sflag:$0x1] =	stream.indirect.gather [spmem:s3], $0x10, s20, s18, $0xb8;
	[tilespmem:$0x15220] =	vst v63  }
0x95: {  	s22 =	simm.s32 $0x320;
	s23 =	simm.s32 $0x8020  }
0x96: {  	[tilespmem:s23], [sflag:$0x1] =	stream.indirect.gather [spmem:s3], $0x10, s22, s18, $0xb8;
	[tilespmem:$0x15220] =	vst v63  }
0x97: {  	_ = 	snop  }
0x98: {  	[tilespmem:s25], [sflag:$0x1] =	stream.indirect.gather [spmem:s3], $0x10, s24, s18, $0xb8;
	[tilespmem:$0x15220] =	vst v63  }
.Ltmp2:
0x99: {  	_ = 	snop;
	(pc) =	sbr.rel .LBB2_2-.Ltmp2, $4  }
0x9a: {  	_ = 	snop  }
0x9b: {  	[tilespmem:s28], [sflag:$0x1] =	stream.indirect.gather [spmem:s3], $0x10, s26, s18, $0xb8;
	[tilespmem:$0x15220] =	vst v63  }
0x9c: {  	s19 =	simm.s32 $0xFFFFFFF2;
	s20 =	simm.s32 $0x460  }
0x9d: {  	[tilespmem:s30], [sflag:$0x1] =	stream.indirect.gather [spmem:s3], $0x10, s29, s18, $0xb8;
	[tilespmem:$0x15220] =	vst v63  }
.LBB2_3:
0x9e: {  	_ =	swait.ge [sflag:s31], $0x500  }
0x9f: {  	[sflag:s31] =	ssyncset.done $0x0  }
0xa0: {  	[sflag:s31] =	ssyncadd.s32 $0xFFFFFB00  }
.LBB2_5:
0xa1: {  	s22 =	sadd.s32 $0x1C, s19  }
0xa2: {  	s23 =	sand.u32 $0xFC, s22  }
0xa3: {  	s23 =	sshrl.u32 s23, $0x2  }
0xa4: {  	s23 =	smul.u32 $0x25, s23;
	_ =	sdelay $0x1  }
0xa5: {  	s23 =	sshrl.u32 s23, $0x8  }
0xa6: {  	s23 =	smul.u32 $0x1C, s23;
	_ =	sdelay $0x1  }
0xa7: {  	s22 =	ssub.s32 s22, s23  }
0xa8: {  	s22 =	sand.u32 $0xFF, s22  }
0xa9: {  	s22 =	smul.u32 $0x1400, s22;
	_ =	sdelay $0x1  }
0xaa: {  	s22 =	sshrl.u32 s22, $0x2  }
0xab: {  	s22 =	sadd.s32 $0x4E20, s22  }
0xac: {  	[tilespmem:s22], [sflag:$0x1] =	stream.indirect.gather [spmem:s3], $0x10, s20, s18, $0xb8;
	[tilespmem:$0x15220] =	vst v63  }
.LBB2_6:
0xad: {  	s22 =	sand.u32 $0xFC, s21  }
0xae: {  	s22 =	sshrl.u32 s22, $0x2  }
0xaf: {  	s22 =	smul.u32 $0x25, s22;
	_ =	sdelay $0x1  }
0xb0: {  	s22 =	sshrl.u32 s22, $0x8  }
0xb1: {  	s22 =	smul.u32 $0x1C, s22;
	_ =	sdelay $0x1  }
0xb2: {  	s23 =	ssub.s32 s21, s22  }
0xb3: {  	s19 =	sadd.s32 $0x1, s19;
	s21 =	sand.u32 $0xFF, s23  }
0xb4: {  	p0 =	sne.s32 s19, $0x6F;
	s21 =	smul.u32 $0x1400, s21  }
.Ltmp3:
0xb5: {  	_ =	swait.ge [sflag:s0], $0x500;
	(pc) =	sbr.rel @!p0 .LBB2_7-.Ltmp3, $4  }
0xb6: {  	[sflag:s0] =	ssyncset.done $0x0;
	s21 =	sshrl.u32 s21, $0x2  }
0xb7: {  	[sflag:s0] =	ssyncadd.s32 $0xFFFFFB00;
	s21 =	sadd.s32 $0x4E20, s21  }
0xb8: {  	[spmem:s2] =	stream.indirect.scatter.add.f32 [tilespmem:s21], [sflag:$0x2], $0x10, s16, s18, $0xb8;
	[tilespmem:$0x15220] =	vst v63  }
0xb9: {  	s20 =	sadd.s32 $0x50, s20;
	s16 =	sadd.s32 $0x50, s16  }
.LBB2_2:
0xba: {  	p0 =	sgt.u32 s19, $0x60  }
.Ltmp4:
0xbb: {  	_ = 	snop;
	(pc) =	sbr.rel @!p0 .LBB2_3-.Ltmp4, $2  }
0xbc: {  	_ =	sdelay $0x2  }
0xbd: {  	s21 =	sadd.s32 $0xE, s19  }
0xbe: {  	p0 =	sgt.u32 s21, $0x6E  }
.Ltmp5:
0xbf: {  	_ = 	snop;
	(pc) =	sbr.rel @p0 .LBB2_6-.Ltmp5, $4  }
.Ltmp6:
0xc0: {  	_ = 	snop;
	(pc) =	sbr.rel @!p0 .LBB2_5-.Ltmp6, $4  }
0xc1: {  	_ = 	snop  }
0xc2: {  	_ = 	snop  }
0xc3: {  	_ = 	snop  }
0xc4: {  	_ = 	snop  }
.LBB2_8:
0xc5: {  	_ =	sfence.sel $0x180000  }
0xc6: {  	[bflag:$0x0] =	sbarrier.arrive $0xFFFF  }
0xc7: {  	_ =	strace $0x9000004A  }
0xc8: {  	s0 =	stileid.u32;
	[bflag:$0x2] =	sbarrier.arrive $0xFFFF  }
0xc9: {  	p0 =	sne.s32 s0, $0x0;
	s0 =	rddreg [dreg:$0x4]  }
0xca: {  	s0 =	sadd.s32 @!p0 $0x100000, s0  }
0xcb: {  	[sflag:s0] =	ssyncadd.tile.s32 @!p0 $0x1;
	_ =	shalt  }
.Lfunc_end2:
_tile_overlayer_lowered:
.L_overlay_start_2:
0xcc: {  	(tag) =	ssettag $0x2  }
0xcd: {  	s0 =	rddreg [dreg:$0x0];
	s2 =	stileid.u32  }
0xce: {  	s1 =	rddreg [dreg:$0x1];
	p0 =	sne.s32 s2, $0x0  }
0xcf: {  	s3 =	rddreg [dreg:$0x2];
	[bflag:$0x3] =	sbarrier.arrive $0xFFFF;
	s2 =	simm.s32 @!p0 $0x1C03  }
0xd0: {  	[timem:s3], [sflag:s2] =	dma.local @!p0 [hbm:s0], s1  }
0xd1: {  	s0 =	simm.s32 @!p0 $0x3  }
0xd2: {  	_ =	swait.ge @!p0 [sflag:s0], s1  }
0xd3: {  	s1 =	ssub.s32 @!p0 $0x0, s1;
	[sflag:s0] =	ssyncset.done @!p0 $0x0  }
0xd4: {  	[sflag:s0] =	ssyncadd.s32 @!p0 s1  }
0xd5: {  	[bflag:$0x3] =	sbarrier.arrive $0xFFFF  }
0xd6: {  	_ =	shalt  }

// kernel: kernel.15.cloned.1.call-start
scs
__scs_entry_jumppad:
0x0: {  	(pc) =	sbr.rel $0x88, $3  }
0x1: {  	(tag) =	ssettag $0x0;
	lr =	simm.s32 $0x1  }
0x2: {  	[smem:$0x3F9B] =	sst lr;
	_ =	strace $0xD0000000  }
0x3: {  	_ = 	snop  }
0x4: {  	_ = 	snop  }
0x5: {  	_ = 	snop  }
0x6: {  	_ = 	snop  }
0x7: {  	_ = 	snop  }
__scs_overlays_trampoline_lowered:
0x8: {  	[smem:$0x3FAA] =	sst s0  }
0x9: {  	[smem:$0x3FAB] =	sst s1  }
0xa: {  	[smem:$0x3FAC] =	sst s2  }
0xb: {  	[smem:$0x3FAD] =	sst s3  }
0xc: {  	[smem:$0x3FAE] =	sst s4  }
0xd: {  	[smem:$0x3FAF] =	sst s5  }
0xe: {  	[smem:$0x3FB0] =	sst s6  }
0xf: {  	[smem:$0x3FB1] =	sst s7  }
0x10: {  	[smem:$0x3FB2] =	sst s8  }
0x11: {  	[smem:$0x3FB3] =	sst s9;
	s0 =	simm.s32 @!p0 $0x0  }
0x12: {  	s1 =	sld [smem:$0x3F99];
	s0 =	simm.s32 @p0 $0x1  }
0x13: {  	[smem:$0x3FB4] =	sst s0;
	s0 =	simm.s32 @!p1 $0x0  }
0x14: {  	s2 =	sld [smem:$0x3F98];
	s0 =	simm.s32 @p1 $0x1  }
0x15: {  	[smem:$0x3FB5] =	sst s0;
	s0 =	simm.s32 @!p2 $0x0  }
0x16: {  	s3 =	sld [smem:$0x3FDB];
	s0 =	simm.s32 @p2 $0x1  }
0x17: {  	s4 =	simm.s32 $0x1BF5;
	[smem:$0x3FB7] =	sst s0  }
0x18: {  	s0 =	sld [smem:$0x3F9A];
	_ =	swait.ge [sflag:s4], $0x0  }
0x19: {  	s7 =	sld [smem:$0x3F9B]  }
0x1a: {  	s8 =	sadd.s32 $0xFFFFE003, lr  }
0x1b: {  	s9 =	sadd.s32 $0xFFFFFEF7, lr;
	s5 =	simm.s32 $0xFFFFFFFF;
	p2 =	slt.u32 s8, $0xFFFFF086  }
0x1c: {  	p1 =	slt.u32 s9, $0xF7A;
	s5 =	simm.s32 @!p2 $0x0  }
0x1d: {  	s5 =	simm.s32 @p1 $0x1;
	p0 =	seq.s32 s7, s2  }
0x1e: {  	s7 =	smul.u32 @!p0 $0xF7A, s2;
	p2 =	seq.s32 @!p0 s5, $0x0  }
0x1f: {  	s9 =	smul.u32 $0xF7A, s1;
	s8 =	simm.s32 @!p0 $0x1BF5;
	p2 =	por !p2, p0  }
0x20: {  	[sflag:s8] =	ssyncset.s32 @!p0 $0xFFFFF086;
	s6 =	sadd.s32 @!p0 s3, s7;
	s7 =	simm.s32 @!p0 $0x108  }
0x21: {  	s3 =	sadd.s32 s3, s9;
	s6 =	sadd.s32 @!p0 $0x88, s6;
	s7 =	simm.s32 @p2 $0x1082  }
0x22: {  	[simem:s7], [sflag:s8] =	dma.local @!p0 [hbm:s6], $0xF7A  }
0x23: {  	s9 =	sor.u32 $0xD0000000, s2;
	s6 =	simm.s32 $0x108;
	_ =	swait.ge @!p0 [sflag:s8], $0x0  }
0x24: {  	s3 =	sadd.s32 $0x88, s3;
	s6 =	simm.s32 @!p1 $0x1082;
	[sflag:s4] =	ssyncset.s32 $0xFFFFF086  }
0x25: {  	[simem:s6], [sflag:s4] =	dma.local [hbm:s3], $0xF7A  }
0x26: {  	[smem:$0x3F9B] =	sst s1;
	(tag) =	ssettag s2;
	_ =	strace s9  }
0x27: {  	s1 =	sld [smem:$0x3FAB]  }
0x28: {  	s2 =	sld [smem:$0x3FAC]  }
0x29: {  	s4 =	sld [smem:$0x3FAE]  }
0x2a: {  	p0 =	seq.s32 s5, $0x0;
	s5 =	sld [smem:$0x3FAF]  }
0x2b: {  	s6 =	sld [smem:$0x3FB0]  }
0x2c: {  	s7 =	sld [smem:$0x3FB1]  }
0x2d: {  	s3 =	simm.s32 $0x108;
	s8 =	sld [smem:$0x3FB2]  }
0x2e: {  	s3 =	simm.s32 @!p0 $0x1082;
	s9 =	sld [smem:$0x3FB3]  }
0x2f: {  	lr =	sadd.s32 s0, s3;
	s0 =	sld [smem:$0x3FAA]  }
0x30: {  	s3 =	sld [smem:$0x3FAD]  }
0x31: {  	[smem:$0x3FB6] =	sst s10  }
0x32: {  	s10 =	sld [smem:$0x3FB4];
	_ =	sdelay $0x3  }
0x33: {  	p0 =	seq.s32 s10, $0x1;
	s10 =	sld [smem:$0x3FB6];
	_ =	sdelay $0x3  }
0x34: {  	[smem:$0x3FB6] =	sst s10  }
0x35: {  	s10 =	sld [smem:$0x3FB5];
	_ =	sdelay $0x3  }
0x36: {  	p1 =	seq.s32 s10, $0x1;
	s10 =	sld [smem:$0x3FB6];
	_ =	sdelay $0x3  }
0x37: {  	[smem:$0x3FB6] =	sst s10  }
0x38: {  	s10 =	sld [smem:$0x3FB7]  }
0x39: {  	_ = 	snop;
	(pc) =	sbr.ind lr, $3  }
0x3a: {  	_ = 	snop  }
0x3b: {  	_ = 	snop  }
0x3c: {  	p2 =	seq.s32 s10, $0x1;
	s10 =	sld [smem:$0x3FB6]  }
0x3d: {  	_ =	shalt  }
0x3e: {  	_ =	shalt  }
0x3f: {  	_ =	shalt  }
0x40: {  	_ =	shalt  }
0x41: {  	_ =	shalt  }
0x42: {  	_ =	shalt  }
0x43: {  	_ =	shalt  }
0x44: {  	_ =	shalt  }
0x45: {  	_ =	shalt  }
0x46: {  	_ =	shalt  }
0x47: {  	_ =	shalt  }
0x48: {  	_ =	shalt  }
0x49: {  	_ =	shalt  }
0x4a: {  	_ =	shalt  }
0x4b: {  	_ =	shalt  }
0x4c: {  	_ =	shalt  }
0x4d: {  	_ =	shalt  }
0x4e: {  	_ =	shalt  }
0x4f: {  	_ =	shalt  }
0x50: {  	_ =	shalt  }
0x51: {  	_ =	shalt  }
0x52: {  	_ =	shalt  }
0x53: {  	_ =	shalt  }
0x54: {  	_ =	shalt  }
0x55: {  	_ =	shalt  }
0x56: {  	_ =	shalt  }
0x57: {  	_ =	shalt  }
0x58: {  	_ =	shalt  }
0x59: {  	_ =	shalt  }
0x5a: {  	_ =	shalt  }
0x5b: {  	_ =	shalt  }
0x5c: {  	_ =	shalt  }
0x5d: {  	_ =	shalt  }
0x5e: {  	_ =	shalt  }
0x5f: {  	_ =	shalt  }
0x60: {  	_ =	shalt  }
0x61: {  	_ =	shalt  }
0x62: {  	_ =	shalt  }
0x63: {  	_ =	shalt  }
0x64: {  	_ =	shalt  }
0x65: {  	_ =	shalt  }
0x66: {  	_ =	shalt  }
0x67: {  	_ =	shalt  }
0x68: {  	_ =	shalt  }
0x69: {  	_ =	shalt  }
0x6a: {  	_ =	shalt  }
0x6b: {  	_ =	shalt  }
0x6c: {  	_ =	shalt  }
0x6d: {  	_ =	shalt  }
0x6e: {  	_ =	shalt  }
0x6f: {  	_ =	shalt  }
0x70: {  	_ =	shalt  }
0x71: {  	_ =	shalt  }
0x72: {  	_ =	shalt  }
0x73: {  	_ =	shalt  }
0x74: {  	_ =	shalt  }
0x75: {  	_ =	shalt  }
0x76: {  	_ =	shalt  }
0x77: {  	_ =	shalt  }
0x78: {  	_ =	shalt  }
0x79: {  	_ =	shalt  }
0x7a: {  	_ =	shalt  }
0x7b: {  	_ =	shalt  }
0x7c: {  	_ =	shalt  }
0x7d: {  	_ =	shalt  }
0x7e: {  	_ =	shalt  }
0x7f: {  	_ =	shalt  }
0x80: {  	_ =	shalt  }
0x81: {  	_ =	shalt  }
0x82: {  	_ =	shalt  }
0x83: {  	_ =	shalt  }
0x84: {  	_ =	shalt  }
0x85: {  	_ =	shalt  }
0x86: {  	_ =	shalt  }
0x87: {  	_ =	shalt  }
.Lfunc_end0:
.L_simem_size_0:
called_computation.2_lowered:
.L_overlay_start_0:
0x88: {  	s2 =	sld [smem:$0x3FD9]  }
0x89: {  	s3 =	sld [smem:$0x3FFE];
	_ =	sdelay $0x1  }
0x8a: {  	s1 =	srdreg.scid  }
0x8b: {  	s0 =	sand.u32 $0x1, s1  }
0x8c: {  	s17 =	sshll.u32 s0, $0xA;
	s2 =	sadd.s32 s3, s2  }
0x8d: {  	s2 =	sadd.s32 s2, s17  }
0x8e: {  	[smem:$0x3FC2] =	sst s2  }
0x8f: {  	_ = 	snop  }
0x90: {  	s2 =	sld [smem:$0x3FD0];
	(tm) =	ssettm $0x1  }
0x91: {  	s18 =	sld [smem:$0x3FFB];
	_ =	sdelay $0x3  }
0x92: {  	_ =	strace s18  }
0x93: {  	s3 =	sld [smem:$0x3FFC];
	_ =	sdelay $0x3  }
0x94: {  	_ =	strace s3  }
0x95: {  	s3 =	sld [smem:$0x3FFD];
	_ =	sdelay $0x3  }
0x96: {  	_ =	strace s3  }
0x97: {  	_ =	strace $0x8FFFFFFF  }
0x98: {  	s19 =	sld [smem:$0x3FDB];
	_ =	sdelay $0x1  }
0x99: {  	s4 =	simm.s32 $_scs_section_size  }
0x9a: {  	s5 =	simm.s32 $_size__tile_overlayer_lowered;
	s6 =	simm.s32 $_tile_overlayer_lowered  }
0x9b: {  	s22 =	simm.s32 $0x1BFF;
	s21 =	sshll.u32 s6, $0x1;
	s3 =	sadd.s32 s4, s19  }
0x9c: {  	s7 =	simm.s32 $0x0;
	s20 =	sshll.u32 s5, $0x1;
	s5 =	sadd.s32 s21, s3  }
0x9d: {  	[timem:s7], [sflag:s22] =	dma.local [hbm:s5], s20  }
0x9e: {  	_ =	swait.ge [sflag:s22], s20  }
0x9f: {  	s4 =	ssub.s32 $0x0, s20;
	[sflag:s22] =	ssyncset.done $0x0  }
0xa0: {  	[sflag:s22] =	ssyncadd.s32 s4;
	_ =	sdelay $0x1  }
0xa1: {  	s23 =	simm.s32 $0x1B8B  }
0xa2: {  	_ =	swait.ge [sflag:s23], $0x1  }
0xa3: {  	[sflag:s23] =	ssyncset.done $0x0  }
0xa4: {  	s25 =	simm.s32 $0x1B8E;
	s24 =	sld [smem:$0x3FFE];
	[sflag:s23] =	ssyncadd.s32 $0xFFFFFFFF  }
0xa5: {  	s26 =	simm.s32 $execute0_lowered;
	[smem:$0x3FD2] =	sst s25  }
0xa6: {  	s5 =	sshll.u32 s26, $0x1;
	_ =	strace $0x8000004C;
	[dreg:$0x1] =	wrdreg $0xFFFFFFFF  }
0xa7: {  	s28 =	simm.s32 $_size_execute0_lowered;
	s3 =	sadd.s32 s3, s5;
	[dreg:$0x0] =	wrdreg $0x0  }
0xa8: {  	s5 =	sshll.u32 s28, $0x1;
	[dreg:$0x2] =	wrdreg s3  }
0xa9: {  	[dreg:$0x3] =	wrdreg s5  }
0xaa: {  	[dreg:$0x4] =	wrdreg $0xC0  }
0xab: {  	_ =	task [dreg:s7], $0x5FFFF  }
0xac: {  	[dreg:$0x1] =	wrdreg $0xFFFFFFFF  }
0xad: {  	[dreg:$0x0] =	wrdreg $0x60  }
0xae: {  	[dreg:$0x2] =	wrdreg s2  }
0xaf: {  	[dreg:$0x3] =	wrdreg s24  }
0xb0: {  	[dreg:$0x4] =	wrdreg $0x161200  }
0xb1: {  	[dreg:$0x5] =	wrdreg $0x9  }
0xb2: {  	_ =	task.clear_ibuf [dreg:s7], $0x6FFFF;
	_ =	strace $0x9000004C  }
0xb3: {  	s29 =	simm.s32 $0x9;
	_ =	strace $0x8000004E  }
0xb4: {  	_ =	swait.ge [sflag:s29], $0x1  }
0xb5: {  	[sflag:s29] =	ssyncadd.s32 $0xFFFFFFFF  }
0xb6: {  	_ =	strace $0x9000004E  }
0xb7: {  	_ =	sfence  }
0xb8: {  	s30 =	sld [smem:$0x0];
	_ =	sdelay $0x2  }
0xb9: {  	s31 =	sshll.u32 s1, $0xD;
	s1 =	sshrl.u32 s1, $0x2  }
0xba: {  	s3 =	sand.u32 $0x4000, s31;
	s1 =	sadd.s32 s1, s30  }
0xbb: {  	s0 =	sor.u32 s3, s0;
	s1 =	sshll.u32 s1, $0x11  }
0xbc: {  	s0 =	sor.u32 s1, s0  }
0xbd: {  	s0 =	sadd.s32 $0x8F2B, s0  }
0xbe: {  	[sflag:s0] =	ssyncadd.remote.s32 $0x1  }
0xbf: {  	_ =	sfence.sel $0xFFFF  }
0xc0: {  	[dreg:$0x0] =	wrdreg $0xFFFFFFFF;
	(pc) =	sbr.abs _section_cstart, $3  }
0xc1: {  	[dreg:$0x1] =	wrdreg $0xFFFFFFFF  }
0xc2: {  	_ =	task.clear_ibuf [dreg:s7], $0x2FFFF;
	_ =	strace $0x9FFFFFFF  }
0xc3: {  	(tm) =	ssettm $0x7FFFFFFF  }
tec
execute0_lowered:
.L_overlay_start_1:
0x0: {  	(tag) =	ssettag $0x1  }
0x1: {  	s0 =	srdreg.scid;
	s1 =	rddreg [dreg:$0x0]  }
0x2: {  	s12 =	stileid.u32;
	s5 =	rddreg [dreg:$0x1]  }
0x3: {  	s3 =	rddreg [dreg:$0x2];
	s4 =	simm.s32 $0x0;
	s13 =	simm.s32 $0x50  }
0x4: {  	s28 =	simm.s32 $0xA5A0;
	s29 =	simm.s32 $0x280;
	s30 =	simm.s32 $0xB220  }
0x5: {  	s31 =	simm.s32 $0x2D0;
	s14 =	simm.s32 $0xCB20;
	s15 =	simm.s32 $0x2  }
0x6: {  	s16 =	simm.s32 $0x1;
	s17 =	simm.s32 $0x10;
	s18 =	simm.s32 $0x5  }
0x7: {  	s19 =	simm.s32 $0x0;
	s0 =	sand.u32 $0x1, s0;
	s7 =	smul.u32 $0x14000, s12  }
0x8: {  	s2 =	sshll.u32 s12, $0x1;
	[smem:$0x7FF] =	sst s4;
	s8 =	smul.u32 $0x6400, s12  }
0x9: {  	s26 =	sshll.u32 s12, $0x6;
	s12 =	simm.s32 $0x3;
	s2 =	sor.u32 s0, s2  }
0xa: {  	s6 =	smul.u32 $0x140000, s0;
	_ =	strace $0x8000004D;
	s0 =	ssub.s32 $0x2, s0  }
0xb: {  	s2 =	smul.u32 $0x4E2, s2;
	s25 =	sshrl.u32 s8, $0x3;
	s9 =	sshrl.u32 s0, $0x1  }
0xc: {  	s11 =	sadd.s32 s8, s3;
	s6 =	sadd.s32 s7, s6;
	s7 =	sadd.s32 s25, s5  }
.Ltmp0:
0xd: {  	s0 =	ssub.s32 s0, s9;
	s6 =	sshrl.u32 s6, $0x3;
	(pc) =	sbr.rel .LBB2_1-.Ltmp0, $4  }
0xe: {  	s11 =	sshrl.u32 s11, $0x3;
	s2 =	sadd.s32 s2, s5;
	s10 =	sadd.s32 s6, s5  }
0xf: {  	s5 =	sadd.s32 $0x15E00, s7;
	s6 =	sor.u32 $0x1C03, s26;
	s7 =	sadd.s32 $0x2200, s2  }
0x10: {  	s8 =	sadd.s32 $0xC000, s2;
	s26 =	simm.s32 $0x230;
	s2 =	simm.s32 $0xBEA0  }
0x11: {  	s9 =	sadd.s32 $0x22600, s10;
	s10 =	smax.u32 s0, $0x1;
	s0 =	simm.s32 $0x320  }
.LBB2_7:
0x12: {  	_ =	swait.ge [sflag:s15], $0xC80  }
0x13: {  	[sflag:s15] =	ssyncset.done $0x0  }
0x14: {  	[sflag:s15] =	ssyncadd.s32 $0xFFFFF380  }
0x15: {  	_ =	swait.ge [sflag:s15], $0xC80  }
0x16: {  	[sflag:s15] =	ssyncset.done $0x0  }
0x17: {  	[sflag:s15] =	ssyncadd.s32 $0xFFFFF380  }
0x18: {  	_ =	swait.ge [sflag:s15], $0xC80  }
0x19: {  	[sflag:s15] =	ssyncset.done $0x0  }
0x1a: {  	[sflag:s15] =	ssyncadd.s32 $0xFFFFF380  }
0x1b: {  	_ =	swait.ge [sflag:s15], $0xC80  }
0x1c: {  	[sflag:s15] =	ssyncset.done $0x0  }
0x1d: {  	[sflag:s15] =	ssyncadd.s32 $0xFFFFF380  }
0x1e: {  	_ =	swait.ge [sflag:s15], $0xC80  }
0x1f: {  	[sflag:s15] =	ssyncset.done $0x0  }
0x20: {  	[sflag:s15] =	ssyncadd.s32 $0xFFFFF380  }
0x21: {  	_ =	swait.ge [sflag:s15], $0xC80  }
0x22: {  	[sflag:s15] =	ssyncset.done $0x0  }
0x23: {  	[sflag:s15] =	ssyncadd.s32 $0xFFFFF380  }
0x24: {  	_ =	swait.ge [sflag:s15], $0xC80  }
0x25: {  	[sflag:s15] =	ssyncset.done $0x0  }
0x26: {  	[sflag:s15] =	ssyncadd.s32 $0xFFFFF380  }
0x27: {  	_ =	swait.ge [sflag:s15], $0xC80  }
0x28: {  	[sflag:s15] =	ssyncset.done $0x0  }
0x29: {  	[sflag:s15] =	ssyncadd.s32 $0xFFFFF380  }
0x2a: {  	_ =	swait.ge [sflag:s15], $0xC80  }
0x2b: {  	[sflag:s15] =	ssyncset.done $0x0  }
0x2c: {  	[sflag:s15] =	ssyncadd.s32 $0xFFFFF380  }
0x2d: {  	_ =	swait.ge [sflag:s15], $0xC80  }
0x2e: {  	[sflag:s15] =	ssyncset.done $0x0  }
0x2f: {  	[sflag:s15] =	ssyncadd.s32 $0xFFFFF380  }
0x30: {  	_ =	swait.ge [sflag:s15], $0xC80  }
0x31: {  	[sflag:s15] =	ssyncset.done $0x0  }
0x32: {  	[sflag:s15] =	ssyncadd.s32 $0xFFFFF380  }
0x33: {  	_ =	swait.ge [sflag:s15], $0xC80  }
0x34: {  	[sflag:s15] =	ssyncset.done $0x0  }
0x35: {  	[sflag:s15] =	ssyncadd.s32 $0xFFFFF380  }
0x36: {  	_ =	swait.ge [sflag:s15], $0xC80  }
0x37: {  	[sflag:s15] =	ssyncset.done $0x0  }
0x38: {  	[sflag:s15] =	ssyncadd.s32 $0xFFFFF380  }
0x39: {  	_ =	swait.ge [sflag:s15], $0xC80  }
0x3a: {  	[sflag:s15] =	ssyncset.done $0x0  }
0x3b: {  	[sflag:s15] =	ssyncadd.s32 $0xFFFFF380  }
0x3c: {  	_ =	swait.ge [sflag:s15], $0xC80  }
0x3d: {  	[sflag:s15] =	ssyncset.done $0x0  }
0x3e: {  	[sflag:s15] =	ssyncadd.s32 $0xFFFFF380  }
0x3f: {  	_ =	swait.ge [sflag:s15], $0xC80  }
0x40: {  	[sflag:s15] =	ssyncset.done $0x0  }
0x41: {  	[sflag:s15] =	ssyncadd.s32 $0xFFFFF380  }
0x42: {  	_ =	swait.ge [sflag:s15], $0xC80  }
0x43: {  	[sflag:s15] =	ssyncset.done $0x0  }
0x44: {  	[sflag:s15] =	ssyncadd.s32 $0xFFFFF380  }
0x45: {  	_ =	swait.ge [sflag:s15], $0xC80  }
0x46: {  	[sflag:s15] =	ssyncset.done $0x0  }
0x47: {  	[sflag:s15] =	ssyncadd.s32 $0xFFFFF380  }
0x48: {  	_ =	swait.ge [sflag:s15], $0xC80  }
0x49: {  	[sflag:s15] =	ssyncset.done $0x0  }
0x4a: {  	[sflag:s15] =	ssyncadd.s32 $0xFFFFF380  }
0x4b: {  	_ =	swait.ge [sflag:s15], $0xC80  }
0x4c: {  	[sflag:s15] =	ssyncset.done $0x0  }
0x4d: {  	[sflag:s15] =	ssyncadd.s32 $0xFFFFF380  }
0x4e: {  	_ =	swait.ge [sflag:s15], $0xC80  }
0x4f: {  	[sflag:s15] =	ssyncset.done $0x0  }
0x50: {  	[sflag:s15] =	ssyncadd.s32 $0xFFFFF380  }
0x51: {  	_ =	swait.ge [sflag:s15], $0xC80  }
0x52: {  	s19 =	sadd.s32 $0x1, s19;
	[sflag:s15] =	ssyncset.done $0x0  }
0x53: {  	p0 =	sne.s32 s19, s10;
	[sflag:s15] =	ssyncadd.s32 $0xFFFFF380  }
.Ltmp1:
0x54: {  	[bflag:$0x0] =	sbarrier.arrive $0xFFFF;
	(pc) =	sbr.rel @!p0 .LBB2_8-.Ltmp1, $4  }
0x55: {  	[hbm:s9@s17], [sflag:s6] =	dma.strided [spmem:s11@s18], $0xC80, s16, $0x5   }
0x56: {  	_ =	swait.ge [sflag:s12], $0xC80  }
0x57: {  	[sflag:s12] =	ssyncset.done $0x0  }
0x58: {  	[sflag:s12] =	ssyncadd.s32 $0xFFFFF380  }
.LBB2_1:
0x59: {  	[spmem:s11], [sflag:s6] =	dma.local [hbm:s5], $0xC80  }
0x5a: {  	_ =	swait.ge [sflag:s12], $0xC80  }
0x5b: {  	[sflag:s12] =	ssyncset.done $0x0  }
0x5c: {  	[sflag:s12] =	ssyncadd.s32 $0xFFFFF380  }
0x5d: {  	[tilespmem:s4], [sflag:$0x3] =	stream.linear.gather [hbm4b:s7+s4], $0x2710, $0x38;
	[tilespmem:$0x1C520] =	vst v63  }
0x5e: {  	_ =	swait.ge [sflag:s12], $0x2710  }
0x5f: {  	[sflag:s12] =	ssyncset.done $0x0  }
0x60: {  	s20 =	simm.s32 $0x2710;
	[sflag:s12] =	ssyncadd.s32 $0xFFFFD8F0  }
0x61: {  	[tilespmem:s20], [sflag:$0x3] =	stream.linear.gather [hbm4b:s8+s4], $0x2710, $0x38;
	[tilespmem:$0x1C520] =	vst v63  }
0x62: {  	_ =	swait.ge [sflag:s12], $0x2710  }
0x63: {  	[sflag:s12] =	ssyncset.done $0x0  }
0x64: {  	[sflag:s12] =	ssyncadd.s32 $0xFFFFD8F0  }
0x65: {  	s21 =	simm.s32 $0x4E20;
	[bflag:$0x0] =	sbarrier.arrive $0xFFFF  }
0x66: {  	[tilespmem:s21], [sflag:$0x1] =	stream.indirect.gather [hbm4b:s1+s13], $0x28, s4, s13, $0xb8;
	[tilespmem:$0x1C520] =	vst v63  }
0x67: {  	s24 =	simm.s32 $0x5AA0  }
0x68: {  	[tilespmem:s24], [sflag:$0x1] =	stream.indirect.gather [hbm4b:s1+s13], $0x28, s13, s13, $0xb8;
	[tilespmem:$0x1C520] =	vst v63  }
0x69: {  	s25 =	simm.s32 $0xA0;
	s22 =	simm.s32 $0x6720  }
0x6a: {  	[tilespmem:s22], [sflag:$0x1] =	stream.indirect.gather [hbm4b:s1+s13], $0x28, s25, s13, $0xb8;
	[tilespmem:$0x1C520] =	vst v63  }
0x6b: {  	s23 =	simm.s32 $0x73A0;
	s22 =	simm.s32 $0xF0  }
0x6c: {  	[tilespmem:s23], [sflag:$0x1] =	stream.indirect.gather [hbm4b:s1+s13], $0x28, s22, s13, $0xb8;
	[tilespmem:$0x1C520] =	vst v63  }
0x6d: {  	s24 =	simm.s32 $0x140;
	s25 =	simm.s32 $0x8020  }
0x6e: {  	[tilespmem:s25], [sflag:$0x1] =	stream.indirect.gather [hbm4b:s1+s13], $0x28, s24, s13, $0xb8;
	[tilespmem:$0x1C520] =	vst v63  }
0x6f: {  	s22 =	simm.s32 $0x190;
	s23 =	simm.s32 $0x8CA0  }
0x70: {  	[tilespmem:s23], [sflag:$0x1] =	stream.indirect.gather [hbm4b:s1+s13], $0x28, s22, s13, $0xb8;
	[tilespmem:$0x1C520] =	vst v63  }
0x71: {  	s24 =	simm.s32 $0x1E0;
	s25 =	simm.s32 $0x9920  }
0x72: {  	[tilespmem:s25], [sflag:$0x1] =	stream.indirect.gather [hbm4b:s1+s13], $0x28, s24, s13, $0xb8;
	[tilespmem:$0x1C520] =	vst v63  }
0x73: {  	_ = 	snop  }
0x74: {  	[tilespmem:s28], [sflag:$0x1] =	stream.indirect.gather [hbm4b:s1+s13], $0x28, s26, s13, $0xb8;
	[tilespmem:$0x1C520] =	vst v63  }
0x75: {  	_ = 	snop  }
0x76: {  	[tilespmem:s30], [sflag:$0x1] =	stream.indirect.gather [hbm4b:s1+s13], $0x28, s29, s13, $0xb8;
	[tilespmem:$0x1C520] =	vst v63  }
.Ltmp2:
0x77: {  	_ = 	snop;
	(pc) =	sbr.rel .LBB2_2-.Ltmp2, $4  }
0x78: {  	_ = 	snop  }
0x79: {  	[tilespmem:s2], [sflag:$0x1] =	stream.indirect.gather [hbm4b:s1+s13], $0x28, s31, s13, $0xb8;
	[tilespmem:$0x1C520] =	vst v63  }
0x7a: {  	s21 =	simm.s32 $0xFFFFFFF5;
	s22 =	simm.s32 $0x370  }
0x7b: {  	[tilespmem:s14], [sflag:$0x1] =	stream.indirect.gather [hbm4b:s1+s13], $0x28, s0, s13, $0xb8;
	[tilespmem:$0x1C520] =	vst v63  }
.LBB2_3:
0x7c: {  	_ =	swait.ge [sflag:s15], $0xC80  }
0x7d: {  	[sflag:s15] =	ssyncset.done $0x0  }
0x7e: {  	[sflag:s15] =	ssyncadd.s32 $0xFFFFF380  }
.LBB2_5:
0x7f: {  	s24 =	sadd.s32 $0x16, s21  }
0x80: {  	s25 =	sand.u32 $0xFE, s24  }
0x81: {  	s25 =	sshrl.u32 s25, $0x1  }
0x82: {  	s25 =	smul.u32 $0xBB, s25;
	_ =	sdelay $0x1  }
0x83: {  	s25 =	sshrl.u32 s25, $0xB  }
0x84: {  	s25 =	smul.u32 $0x16, s25;
	_ =	sdelay $0x1  }
0x85: {  	s24 =	ssub.s32 s24, s25  }
0x86: {  	s24 =	sand.u32 $0xFF, s24  }
0x87: {  	s24 =	smul.u32 $0x3200, s24;
	_ =	sdelay $0x1  }
0x88: {  	s24 =	sshrl.u32 s24, $0x2  }
0x89: {  	s24 =	sadd.s32 $0x4E20, s24  }
0x8a: {  	[tilespmem:s24], [sflag:$0x1] =	stream.indirect.gather [hbm4b:s1+s13], $0x28, s22, s13, $0xb8;
	[tilespmem:$0x1C520] =	vst v63  }
.LBB2_6:
0x8b: {  	s24 =	sand.u32 $0xFE, s23  }
0x8c: {  	s24 =	sshrl.u32 s24, $0x1  }
0x8d: {  	s24 =	smul.u32 $0xBB, s24;
	_ =	sdelay $0x1  }
0x8e: {  	s24 =	sshrl.u32 s24, $0xB  }
0x8f: {  	s24 =	smul.u32 $0x16, s24;
	_ =	sdelay $0x1  }
0x90: {  	s25 =	ssub.s32 s23, s24  }
0x91: {  	s21 =	sadd.s32 $0x1, s21;
	s23 =	sand.u32 $0xFF, s25  }
0x92: {  	p0 =	sne.s32 s21, $0x72;
	s23 =	smul.u32 $0x3200, s23  }
.Ltmp3:
0x93: {  	_ =	swait.ge [sflag:s16], $0xC80;
	(pc) =	sbr.rel @!p0 .LBB2_7-.Ltmp3, $4  }
0x94: {  	[sflag:s16] =	ssyncset.done $0x0;
	s23 =	sshrl.u32 s23, $0x2  }
0x95: {  	[sflag:s16] =	ssyncadd.s32 $0xFFFFF380;
	s23 =	sadd.s32 $0x4E20, s23  }
0x96: {  	[spmem:s3] =	stream.indirect.scatter.add.f32 [tilespmem:s23], [sflag:$0x2], $0x28, s20, s13, $0xb8;
	[tilespmem:$0x1C520] =	vst v63  }
0x97: {  	s22 =	sadd.s32 $0x50, s22;
	s20 =	sadd.s32 $0x50, s20  }
.LBB2_2:
0x98: {  	p0 =	sgt.u32 s21, $0x66  }
.Ltmp4:
0x99: {  	_ = 	snop;
	(pc) =	sbr.rel @!p0 .LBB2_3-.Ltmp4, $2  }
0x9a: {  	_ =	sdelay $0x2  }
0x9b: {  	s23 =	sadd.s32 $0xB, s21  }
0x9c: {  	p0 =	sgt.u32 s23, $0x71  }
.Ltmp5:
0x9d: {  	_ = 	snop;
	(pc) =	sbr.rel @p0 .LBB2_6-.Ltmp5, $4  }
.Ltmp6:
0x9e: {  	_ = 	snop;
	(pc) =	sbr.rel @!p0 .LBB2_5-.Ltmp6, $4  }
0x9f: {  	_ = 	snop  }
0xa0: {  	_ = 	snop  }
0xa1: {  	_ = 	snop  }
0xa2: {  	_ = 	snop  }
.LBB2_8:
0xa3: {  	_ =	sfence.sel $0x180000  }
0xa4: {  	[bflag:$0x0] =	sbarrier.arrive $0xFFFF  }
0xa5: {  	_ =	strace $0x9000004D  }
0xa6: {  	s0 =	stileid.u32;
	[bflag:$0x2] =	sbarrier.arrive $0xFFFF  }
0xa7: {  	p0 =	sne.s32 s0, $0x0;
	s0 =	rddreg [dreg:$0x3]  }
0xa8: {  	s0 =	sadd.s32 @!p0 $0x100000, s0  }
0xa9: {  	[sflag:s0] =	ssyncadd.tile.s32 @!p0 $0x1;
	_ =	shalt  }
.Lfunc_end2:
_tile_overlayer_lowered:
.L_overlay_start_2:
0xaa: {  	(tag) =	ssettag $0x2  }
0xab: {  	s0 =	rddreg [dreg:$0x0];
	s2 =	stileid.u32  }
0xac: {  	s1 =	rddreg [dreg:$0x1];
	p0 =	sne.s32 s2, $0x0  }
0xad: {  	s3 =	rddreg [dreg:$0x2];
	[bflag:$0x3] =	sbarrier.arrive $0xFFFF;
	s2 =	simm.s32 @!p0 $0x1C03  }
0xae: {  	[timem:s3], [sflag:s2] =	dma.local @!p0 [hbm:s0], s1  }
0xaf: {  	s0 =	simm.s32 @!p0 $0x3  }
0xb0: {  	_ =	swait.ge @!p0 [sflag:s0], s1  }
0xb1: {  	s1 =	ssub.s32 @!p0 $0x0, s1;
	[sflag:s0] =	ssyncset.done @!p0 $0x0  }
0xb2: {  	[sflag:s0] =	ssyncadd.s32 @!p0 s1  }
0xb3: {  	[bflag:$0x3] =	sbarrier.arrive $0xFFFF  }
0xb4: {  	_ =	shalt  }

// kernel: kernel.9.cloned.1.call-start
scs
__scs_entry_jumppad:
0x0: {  	(pc) =	sbr.rel $0x88, $3  }
0x1: {  	(tag) =	ssettag $0x0;
	lr =	simm.s32 $0x1  }
0x2: {  	[smem:$0x3F9B] =	sst lr;
	_ =	strace $0xD0000000  }
0x3: {  	_ = 	snop  }
0x4: {  	_ = 	snop  }
0x5: {  	_ = 	snop  }
0x6: {  	_ = 	snop  }
0x7: {  	_ = 	snop  }
__scs_overlays_trampoline_lowered:
0x8: {  	[smem:$0x3FAA] =	sst s0  }
0x9: {  	[smem:$0x3FAB] =	sst s1  }
0xa: {  	[smem:$0x3FAC] =	sst s2  }
0xb: {  	[smem:$0x3FAD] =	sst s3  }
0xc: {  	[smem:$0x3FAE] =	sst s4  }
0xd: {  	[smem:$0x3FAF] =	sst s5  }
0xe: {  	[smem:$0x3FB0] =	sst s6  }
0xf: {  	[smem:$0x3FB1] =	sst s7  }
0x10: {  	[smem:$0x3FB2] =	sst s8  }
0x11: {  	[smem:$0x3FB3] =	sst s9;
	s0 =	simm.s32 @!p0 $0x0  }
0x12: {  	s1 =	sld [smem:$0x3F99];
	s0 =	simm.s32 @p0 $0x1  }
0x13: {  	[smem:$0x3FB4] =	sst s0;
	s0 =	simm.s32 @!p1 $0x0  }
0x14: {  	s2 =	sld [smem:$0x3F98];
	s0 =	simm.s32 @p1 $0x1  }
0x15: {  	[smem:$0x3FB5] =	sst s0;
	s0 =	simm.s32 @!p2 $0x0  }
0x16: {  	s3 =	sld [smem:$0x3FDB];
	s0 =	simm.s32 @p2 $0x1  }
0x17: {  	s4 =	simm.s32 $0x1BF5;
	[smem:$0x3FB7] =	sst s0  }
0x18: {  	s0 =	sld [smem:$0x3F9A];
	_ =	swait.ge [sflag:s4], $0x0  }
0x19: {  	s7 =	sld [smem:$0x3F9B]  }
0x1a: {  	s8 =	sadd.s32 $0xFFFFE003, lr  }
0x1b: {  	s9 =	sadd.s32 $0xFFFFFEF7, lr;
	s5 =	simm.s32 $0xFFFFFFFF;
	p2 =	slt.u32 s8, $0xFFFFF086  }
0x1c: {  	p1 =	slt.u32 s9, $0xF7A;
	s5 =	simm.s32 @!p2 $0x0  }
0x1d: {  	s5 =	simm.s32 @p1 $0x1;
	p0 =	seq.s32 s7, s2  }
0x1e: {  	s7 =	smul.u32 @!p0 $0xF7A, s2;
	p2 =	seq.s32 @!p0 s5, $0x0  }
0x1f: {  	s9 =	smul.u32 $0xF7A, s1;
	s8 =	simm.s32 @!p0 $0x1BF5;
	p2 =	por !p2, p0  }
0x20: {  	[sflag:s8] =	ssyncset.s32 @!p0 $0xFFFFF086;
	s6 =	sadd.s32 @!p0 s3, s7;
	s7 =	simm.s32 @!p0 $0x108  }
0x21: {  	s3 =	sadd.s32 s3, s9;
	s6 =	sadd.s32 @!p0 $0x88, s6;
	s7 =	simm.s32 @p2 $0x1082  }
0x22: {  	[simem:s7], [sflag:s8] =	dma.local @!p0 [hbm:s6], $0xF7A  }
0x23: {  	s9 =	sor.u32 $0xD0000000, s2;
	s6 =	simm.s32 $0x108;
	_ =	swait.ge @!p0 [sflag:s8], $0x0  }
0x24: {  	s3 =	sadd.s32 $0x88, s3;
	s6 =	simm.s32 @!p1 $0x1082;
	[sflag:s4] =	ssyncset.s32 $0xFFFFF086  }
0x25: {  	[simem:s6], [sflag:s4] =	dma.local [hbm:s3], $0xF7A  }
0x26: {  	[smem:$0x3F9B] =	sst s1;
	(tag) =	ssettag s2;
	_ =	strace s9  }
0x27: {  	s1 =	sld [smem:$0x3FAB]  }
0x28: {  	s2 =	sld [smem:$0x3FAC]  }
0x29: {  	s4 =	sld [smem:$0x3FAE]  }
0x2a: {  	p0 =	seq.s32 s5, $0x0;
	s5 =	sld [smem:$0x3FAF]  }
0x2b: {  	s6 =	sld [smem:$0x3FB0]  }
0x2c: {  	s7 =	sld [smem:$0x3FB1]  }
0x2d: {  	s3 =	simm.s32 $0x108;
	s8 =	sld [smem:$0x3FB2]  }
0x2e: {  	s3 =	simm.s32 @!p0 $0x1082;
	s9 =	sld [smem:$0x3FB3]  }
0x2f: {  	lr =	sadd.s32 s0, s3;
	s0 =	sld [smem:$0x3FAA]  }
0x30: {  	s3 =	sld [smem:$0x3FAD]  }
0x31: {  	[smem:$0x3FB6] =	sst s10  }
0x32: {  	s10 =	sld [smem:$0x3FB4];
	_ =	sdelay $0x3  }
0x33: {  	p0 =	seq.s32 s10, $0x1;
	s10 =	sld [smem:$0x3FB6];
	_ =	sdelay $0x3  }
0x34: {  	[smem:$0x3FB6] =	sst s10  }
0x35: {  	s10 =	sld [smem:$0x3FB5];
	_ =	sdelay $0x3  }
0x36: {  	p1 =	seq.s32 s10, $0x1;
	s10 =	sld [smem:$0x3FB6];
	_ =	sdelay $0x3  }
0x37: {  	[smem:$0x3FB6] =	sst s10  }
0x38: {  	s10 =	sld [smem:$0x3FB7]  }
0x39: {  	_ = 	snop;
	(pc) =	sbr.ind lr, $3  }
0x3a: {  	_ = 	snop  }
0x3b: {  	_ = 	snop  }
0x3c: {  	p2 =	seq.s32 s10, $0x1;
	s10 =	sld [smem:$0x3FB6]  }
0x3d: {  	_ =	shalt  }
0x3e: {  	_ =	shalt  }
0x3f: {  	_ =	shalt  }
0x40: {  	_ =	shalt  }
0x41: {  	_ =	shalt  }
0x42: {  	_ =	shalt  }
0x43: {  	_ =	shalt  }
0x44: {  	_ =	shalt  }
0x45: {  	_ =	shalt  }
0x46: {  	_ =	shalt  }
0x47: {  	_ =	shalt  }
0x48: {  	_ =	shalt  }
0x49: {  	_ =	shalt  }
0x4a: {  	_ =	shalt  }
0x4b: {  	_ =	shalt  }
0x4c: {  	_ =	shalt  }
0x4d: {  	_ =	shalt  }
0x4e: {  	_ =	shalt  }
0x4f: {  	_ =	shalt  }
0x50: {  	_ =	shalt  }
0x51: {  	_ =	shalt  }
0x52: {  	_ =	shalt  }
0x53: {  	_ =	shalt  }
0x54: {  	_ =	shalt  }
0x55: {  	_ =	shalt  }
0x56: {  	_ =	shalt  }
0x57: {  	_ =	shalt  }
0x58: {  	_ =	shalt  }
0x59: {  	_ =	shalt  }
0x5a: {  	_ =	shalt  }
0x5b: {  	_ =	shalt  }
0x5c: {  	_ =	shalt  }
0x5d: {  	_ =	shalt  }
0x5e: {  	_ =	shalt  }
0x5f: {  	_ =	shalt  }
0x60: {  	_ =	shalt  }
0x61: {  	_ =	shalt  }
0x62: {  	_ =	shalt  }
0x63: {  	_ =	shalt  }
0x64: {  	_ =	shalt  }
0x65: {  	_ =	shalt  }
0x66: {  	_ =	shalt  }
0x67: {  	_ =	shalt  }
0x68: {  	_ =	shalt  }
0x69: {  	_ =	shalt  }
0x6a: {  	_ =	shalt  }
0x6b: {  	_ =	shalt  }
0x6c: {  	_ =	shalt  }
0x6d: {  	_ =	shalt  }
0x6e: {  	_ =	shalt  }
0x6f: {  	_ =	shalt  }
0x70: {  	_ =	shalt  }
0x71: {  	_ =	shalt  }
0x72: {  	_ =	shalt  }
0x73: {  	_ =	shalt  }
0x74: {  	_ =	shalt  }
0x75: {  	_ =	shalt  }
0x76: {  	_ =	shalt  }
0x77: {  	_ =	shalt  }
0x78: {  	_ =	shalt  }
0x79: {  	_ =	shalt  }
0x7a: {  	_ =	shalt  }
0x7b: {  	_ =	shalt  }
0x7c: {  	_ =	shalt  }
0x7d: {  	_ =	shalt  }
0x7e: {  	_ =	shalt  }
0x7f: {  	_ =	shalt  }
0x80: {  	_ =	shalt  }
0x81: {  	_ =	shalt  }
0x82: {  	_ =	shalt  }
0x83: {  	_ =	shalt  }
0x84: {  	_ =	shalt  }
0x85: {  	_ =	shalt  }
0x86: {  	_ =	shalt  }
0x87: {  	_ =	shalt  }
.Lfunc_end0:
.L_simem_size_0:
called_computation_lowered:
.L_overlay_start_0:
0x88: {  	s2 =	sld [smem:$0x3FD9]  }
0x89: {  	s3 =	sld [smem:$0x3FFE];
	_ =	sdelay $0x1  }
0x8a: {  	s1 =	srdreg.scid  }
0x8b: {  	s0 =	sand.u32 $0x1, s1  }
0x8c: {  	s17 =	sshll.u32 s0, $0xA;
	s2 =	sadd.s32 s3, s2  }
0x8d: {  	s2 =	sadd.s32 s2, s17  }
0x8e: {  	[smem:$0x3FC2] =	sst s2  }
0x8f: {  	_ = 	snop  }
0x90: {  	s2 =	sld [smem:$0x3FD0];
	(tm) =	ssettm $0x1  }
0x91: {  	s18 =	sld [smem:$0x3FFB];
	_ =	sdelay $0x3  }
0x92: {  	_ =	strace s18  }
0x93: {  	s3 =	sld [smem:$0x3FFC];
	_ =	sdelay $0x3  }
0x94: {  	_ =	strace s3  }
0x95: {  	s3 =	sld [smem:$0x3FFD];
	_ =	sdelay $0x3  }
0x96: {  	_ =	strace s3  }
0x97: {  	_ =	strace $0x8FFFFFFF  }
0x98: {  	s19 =	sld [smem:$0x3FDB];
	_ =	sdelay $0x1  }
0x99: {  	s4 =	simm.s32 $_scs_section_size  }
0x9a: {  	s5 =	simm.s32 $_size__tile_overlayer_lowered;
	s6 =	simm.s32 $_tile_overlayer_lowered  }
0x9b: {  	s22 =	simm.s32 $0x1BFF;
	s21 =	sshll.u32 s6, $0x1;
	s3 =	sadd.s32 s4, s19  }
0x9c: {  	s7 =	simm.s32 $0x0;
	s20 =	sshll.u32 s5, $0x1;
	s5 =	sadd.s32 s21, s3  }
0x9d: {  	[timem:s7], [sflag:s22] =	dma.local [hbm:s5], s20  }
0x9e: {  	_ =	swait.ge [sflag:s22], s20  }
0x9f: {  	s4 =	ssub.s32 $0x0, s20;
	[sflag:s22] =	ssyncset.done $0x0  }
0xa0: {  	[sflag:s22] =	ssyncadd.s32 s4;
	_ =	sdelay $0x1  }
0xa1: {  	s23 =	simm.s32 $0x1B8B  }
0xa2: {  	_ =	swait.ge [sflag:s23], $0x1  }
0xa3: {  	[sflag:s23] =	ssyncset.done $0x0  }
0xa4: {  	s25 =	simm.s32 $0x1B8E;
	s24 =	sld [smem:$0x3FFE];
	[sflag:s23] =	ssyncadd.s32 $0xFFFFFFFF  }
0xa5: {  	s26 =	simm.s32 $execute0_lowered;
	[smem:$0x3FD2] =	sst s25  }
0xa6: {  	s5 =	sshll.u32 s26, $0x1;
	_ =	strace $0x80000046;
	[dreg:$0x1] =	wrdreg $0xFFFFFFFF  }
0xa7: {  	s28 =	simm.s32 $_size_execute0_lowered;
	s3 =	sadd.s32 s3, s5;
	[dreg:$0x0] =	wrdreg $0x0  }
0xa8: {  	s5 =	sshll.u32 s28, $0x1;
	[dreg:$0x2] =	wrdreg s3  }
0xa9: {  	[dreg:$0x3] =	wrdreg s5  }
0xaa: {  	[dreg:$0x4] =	wrdreg $0xC0  }
0xab: {  	_ =	task [dreg:s7], $0x5FFFF  }
0xac: {  	[dreg:$0x1] =	wrdreg $0xFFFFFFFF  }
0xad: {  	[dreg:$0x0] =	wrdreg $0x60  }
0xae: {  	[dreg:$0x2] =	wrdreg s24  }
0xaf: {  	[dreg:$0x3] =	wrdreg s2  }
0xb0: {  	[dreg:$0x4] =	wrdreg $0x29900  }
0xb1: {  	[dreg:$0x5] =	wrdreg $0x9  }
0xb2: {  	_ =	task.clear_ibuf [dreg:s7], $0x6FFFF;
	_ =	strace $0x90000046  }
0xb3: {  	s29 =	simm.s32 $0x9;
	_ =	strace $0x80000048  }
0xb4: {  	_ =	swait.ge [sflag:s29], $0x1  }
0xb5: {  	[sflag:s29] =	ssyncadd.s32 $0xFFFFFFFF  }
0xb6: {  	_ =	strace $0x90000048  }
0xb7: {  	_ =	sfence  }
0xb8: {  	s30 =	sld [smem:$0x0];
	_ =	sdelay $0x2  }
0xb9: {  	s31 =	sshll.u32 s1, $0xD;
	s1 =	sshrl.u32 s1, $0x2  }
0xba: {  	s3 =	sand.u32 $0x4000, s31;
	s1 =	sadd.s32 s1, s30  }
0xbb: {  	s0 =	sor.u32 s3, s0;
	s1 =	sshll.u32 s1, $0x11  }
0xbc: {  	s0 =	sor.u32 s1, s0  }
0xbd: {  	s0 =	sadd.s32 $0x8F2B, s0  }
0xbe: {  	[sflag:s0] =	ssyncadd.remote.s32 $0x1  }
0xbf: {  	_ =	sfence.sel $0xFFFF  }
0xc0: {  	[dreg:$0x0] =	wrdreg $0xFFFFFFFF;
	(pc) =	sbr.abs _section_cstart, $3  }
0xc1: {  	[dreg:$0x1] =	wrdreg $0xFFFFFFFF  }
0xc2: {  	_ =	task.clear_ibuf [dreg:s7], $0x2FFFF;
	_ =	strace $0x9FFFFFFF  }
0xc3: {  	(tm) =	ssettm $0x7FFFFFFF  }
tec
execute0_lowered:
.L_overlay_start_1:
0x0: {  	(tag) =	ssettag $0x1  }
0x1: {  	s5 =	rddreg [dreg:$0x0]  }
0x2: {  	s1 =	srdreg.scid;
	s6 =	rddreg [dreg:$0x1]  }
0x3: {  	s0 =	stileid.u32;
	s2 =	rddreg [dreg:$0x2];
	s3 =	simm.s32 $0x0  }
0x4: {  	s12 =	simm.s32 $0x2710;
	s13 =	simm.s32 $0x50;
	s14 =	simm.s32 $0x1  }
0x5: {  	s15 =	simm.s32 $0x10;
	s16 =	simm.s32 $0x0;
	s4 =	sand.u32 $0x1, s1  }
0x6: {  	s26 =	sshll.u32 s0, $0x1;
	[smem:$0x7FF] =	sst s3;
	s9 =	smul.u32 $0x14000, s0  }
0x7: {  	s11 =	smul.u32 $0x1400, s0;
	s31 =	sshll.u32 s0, $0x6;
	s1 =	sor.u32 s4, s26  }
0x8: {  	s8 =	smul.u32 $0x140000, s4;
	s28 =	ssub.s32 $0x2, s4;
	s4 =	sadd.s32 $0x15E00, s5  }
0x9: {  	s7 =	smul.u32 $0x4E2, s1;
	s1 =	rddreg [dreg:$0x3];
	_ =	strace $0x80000047  }
0xa: {  	s10 =	sshrl.u32 s28, $0x1;
	s29 =	sadd.s32 s11, s2;
	s30 =	sshrl.u32 s11, $0x3  }
0xb: {  	s11 =	simm.s32 $0x2;
	s8 =	sadd.s32 s9, s8;
	s9 =	ssub.s32 s28, s10  }
0xc: {  	s10 =	sshrl.u32 s29, $0x3;
	s7 =	sadd.s32 s7, s5;
	s8 =	sshrl.u32 s8, $0x3  }
0xd: {  	s9 =	smax.u32 s9, $0x1;
	s8 =	sadd.s32 s8, s5;
	s5 =	sadd.s32 s6, s30  }
0xe: {  	s6 =	sor.u32 $0x1C02, s31;
	s7 =	sadd.s32 $0xC000, s7;
	s8 =	sadd.s32 $0x16000, s8  }
.LBB2_1:
0xf: {  	[spmem:s10], [sflag:s6] =	dma.local [hbm:s5], $0x280  }
0x10: {  	_ =	swait.ge [sflag:s11], $0x280  }
0x11: {  	[sflag:s11] =	ssyncset.done $0x0  }
0x12: {  	[sflag:s11] =	ssyncadd.s32 $0xFFFFFD80  }
0x13: {  	[tilespmem:s12], [sflag:$0x2] =	stream.linear.gather [hbm4b:s4+s3], $0x280, $0x38;
	[tilespmem:$0x3D90] =	vst v63  }
0x14: {  	_ =	swait.ge [sflag:s11], $0x280  }
0x15: {  	[sflag:s11] =	ssyncset.done $0x0  }
0x16: {  	[sflag:s11] =	ssyncadd.s32 $0xFFFFFD80  }
0x17: {  	[tilespmem:s3], [sflag:$0x2] =	stream.linear.gather [hbm4b:s7+s3], $0x2710, $0x38;
	[tilespmem:$0x3D90] =	vst v63  }
0x18: {  	_ =	swait.ge [sflag:s11], $0x2710  }
0x19: {  	[sflag:s11] =	ssyncset.done $0x0  }
0x1a: {  	p0 =	por $0x1, $0x1;
	[sflag:s11] =	ssyncadd.s32 $0xFFFFD8F0  }
0x1b: {  	s19 =	simm.s32 @!p0 $0x1;
	[bflag:$0x0] =	sbarrier.arrive $0xFFFF  }
0x1c: {  	[spmem:s2] =	stream.indirect.scatter.add.f32 [tilespmem:s12], [sflag:$0x1], $0x8, s3, s13, $0xb8;
	[tilespmem:$0x3D90] =	vst v63  }
0x1d: {  	_ =	swait.ge @!p0 [sflag:s19], $0x280  }
0x1e: {  	s17 =	simm.s32 $0x1;
	s18 =	simm.s32 $0x0;
	[sflag:s19] =	ssyncset.done @!p0 $0x0  }
.LBB2_2:
0x1f: {  	[sflag:s19] =	ssyncadd.s32 @!p0 $0xFFFFFD80  }
0x20: {  	s18 =	sadd.s32 $0x50, s18;
	s19 =	smov.u32 s17;
	s17 =	sadd.s32 $0x1, s17  }
0x21: {  	p1 =	sne.s32 s17, $0x7D  }
0x22: {  	[spmem:s2] =	stream.indirect.scatter.add.f32 [tilespmem:s12], [sflag:$0x1], $0x8, s18, s13, $0xb8;
	[tilespmem:$0x3D90] =	vst v63  }
.Ltmp0:
0x23: {  	_ = 	snop;
	(pc) =	sbr.rel @p1 .LBB2_2-.Ltmp0, $4  }
0x24: {  	p0 =	slt.u32 s19, $0x10  }
0x25: {  	s19 =	simm.s32 @!p0 $0x1  }
0x26: {  	_ =	swait.ge @!p0 [sflag:s19], $0x280  }
0x27: {  	[sflag:s19] =	ssyncset.done @!p0 $0x0  }
0x28: {  	[sflag:s19] =	ssyncadd.s32 @!p0 $0xFFFFFD80  }
0x29: {  	_ =	swait.ge [sflag:s14], $0x280  }
0x2a: {  	[sflag:s14] =	ssyncset.done $0x0  }
0x2b: {  	[sflag:s14] =	ssyncadd.s32 $0xFFFFFD80  }
0x2c: {  	_ =	swait.ge [sflag:s14], $0x280  }
0x2d: {  	[sflag:s14] =	ssyncset.done $0x0  }
0x2e: {  	[sflag:s14] =	ssyncadd.s32 $0xFFFFFD80  }
0x2f: {  	_ =	swait.ge [sflag:s14], $0x280  }
0x30: {  	[sflag:s14] =	ssyncset.done $0x0  }
0x31: {  	[sflag:s14] =	ssyncadd.s32 $0xFFFFFD80  }
0x32: {  	_ =	swait.ge [sflag:s14], $0x280  }
0x33: {  	[sflag:s14] =	ssyncset.done $0x0  }
0x34: {  	[sflag:s14] =	ssyncadd.s32 $0xFFFFFD80  }
0x35: {  	_ =	swait.ge [sflag:s14], $0x280  }
0x36: {  	[sflag:s14] =	ssyncset.done $0x0  }
0x37: {  	[sflag:s14] =	ssyncadd.s32 $0xFFFFFD80  }
0x38: {  	_ =	swait.ge [sflag:s14], $0x280  }
0x39: {  	[sflag:s14] =	ssyncset.done $0x0  }
0x3a: {  	[sflag:s14] =	ssyncadd.s32 $0xFFFFFD80  }
0x3b: {  	_ =	swait.ge [sflag:s14], $0x280  }
0x3c: {  	[sflag:s14] =	ssyncset.done $0x0  }
0x3d: {  	[sflag:s14] =	ssyncadd.s32 $0xFFFFFD80  }
0x3e: {  	_ =	swait.ge [sflag:s14], $0x280  }
0x3f: {  	[sflag:s14] =	ssyncset.done $0x0  }
0x40: {  	[sflag:s14] =	ssyncadd.s32 $0xFFFFFD80  }
0x41: {  	_ =	swait.ge [sflag:s14], $0x280  }
0x42: {  	[sflag:s14] =	ssyncset.done $0x0  }
0x43: {  	[sflag:s14] =	ssyncadd.s32 $0xFFFFFD80  }
0x44: {  	_ =	swait.ge [sflag:s14], $0x280  }
0x45: {  	[sflag:s14] =	ssyncset.done $0x0  }
0x46: {  	[sflag:s14] =	ssyncadd.s32 $0xFFFFFD80  }
0x47: {  	_ =	swait.ge [sflag:s14], $0x280  }
0x48: {  	[sflag:s14] =	ssyncset.done $0x0  }
0x49: {  	[sflag:s14] =	ssyncadd.s32 $0xFFFFFD80  }
0x4a: {  	_ =	swait.ge [sflag:s14], $0x280  }
0x4b: {  	[sflag:s14] =	ssyncset.done $0x0  }
0x4c: {  	[sflag:s14] =	ssyncadd.s32 $0xFFFFFD80  }
0x4d: {  	_ =	swait.ge [sflag:s14], $0x280  }
0x4e: {  	[sflag:s14] =	ssyncset.done $0x0  }
0x4f: {  	[sflag:s14] =	ssyncadd.s32 $0xFFFFFD80  }
0x50: {  	_ =	swait.ge [sflag:s14], $0x280  }
0x51: {  	[sflag:s14] =	ssyncset.done $0x0  }
0x52: {  	[sflag:s14] =	ssyncadd.s32 $0xFFFFFD80  }
0x53: {  	_ =	swait.ge [sflag:s14], $0x280  }
0x54: {  	[sflag:s14] =	ssyncset.done $0x0  }
0x55: {  	[sflag:s14] =	ssyncadd.s32 $0xFFFFFD80  }
0x56: {  	_ =	swait.ge [sflag:s14], $0x280  }
0x57: {  	s16 =	sadd.s32 $0x1, s16;
	[sflag:s14] =	ssyncset.done $0x0  }
0x58: {  	p0 =	sne.s32 s16, s9;
	[sflag:s14] =	ssyncadd.s32 $0xFFFFFD80  }
.Ltmp1:
0x59: {  	[bflag:$0x0] =	sbarrier.arrive $0xFFFF;
	(pc) =	sbr.rel @p0 .LBB2_1-.Ltmp1, $4  }
0x5a: {  	[hbm:s8@s15], [sflag:s6] =	dma.strided [spmem:s10@s14], $0x280, s14, $0x1   }
0x5b: {  	_ =	swait.ge [sflag:s11], $0x280  }
0x5c: {  	[sflag:s11] =	ssyncset.done $0x0  }
0x5d: {  	[sflag:s11] =	ssyncadd.s32 $0xFFFFFD80  }
0x5e: {  	_ =	sfence.sel $0x180000  }
0x5f: {  	[bflag:$0x0] =	sbarrier.arrive $0xFFFF  }
0x60: {  	p0 =	sne.s32 s0, $0x0;
	_ =	strace $0x90000047  }
0x61: {  	s0 =	sadd.s32 @!p0 $0x100000, s1;
	[bflag:$0x2] =	sbarrier.arrive $0xFFFF  }
0x62: {  	[sflag:s0] =	ssyncadd.tile.s32 @!p0 $0x1;
	_ =	shalt  }
.Lfunc_end2:
_tile_overlayer_lowered:
.L_overlay_start_2:
0x63: {  	(tag) =	ssettag $0x2  }
0x64: {  	s0 =	rddreg [dreg:$0x0];
	s2 =	stileid.u32  }
0x65: {  	s1 =	rddreg [dreg:$0x1];
	p0 =	sne.s32 s2, $0x0  }
0x66: {  	s3 =	rddreg [dreg:$0x2];
	[bflag:$0x3] =	sbarrier.arrive $0xFFFF;
	s2 =	simm.s32 @!p0 $0x1C02  }
0x67: {  	[timem:s3], [sflag:s2] =	dma.local @!p0 [hbm:s0], s1  }
0x68: {  	s0 =	simm.s32 @!p0 $0x2  }
0x69: {  	_ =	swait.ge @!p0 [sflag:s0], s1  }
0x6a: {  	s1 =	ssub.s32 @!p0 $0x0, s1;
	[sflag:s0] =	ssyncset.done @!p0 $0x0  }
0x6b: {  	[sflag:s0] =	ssyncadd.s32 @!p0 s1  }
0x6c: {  	[bflag:$0x3] =	sbarrier.arrive $0xFFFF  }
0x6d: {  	_ =	shalt  }

</sc_bundles>
